<compile_context>
chip_gen: v7x
topology: tpu7x:2x2x1
jax: 0.10.2.dev20260603
libtpu: 0.0.44.dev20260713+nightly
codegen_flags: <defaults>
</compile_context>

<pallas_src>
import jax
import jax.numpy as jnp
from jax import lax
from jax.experimental import pallas as pl
from jax.experimental.pallas import tpu as pltpu
from jax.experimental.pallas import tpu_sc as plsc

N = 10000
E = 320000
D_IN = 128
H = 32
D_OUT = 128

NC, NS = 2, 16
NW = NC * NS
CHUNK = 128
NBUF = 4
N_PAD = 10240
ROWS_PER_TILE = N_PAD // NS
ECH = E // CHUNK
NCH_BASE = ECH // NW
NCH_EXTRA = ECH % NW
NRING = (NCH_BASE - NBUF) // NBUF
NTAIL0 = NBUF * NRING + NBUF

_sc_mesh = plsc.VectorSubcoreMesh(
    core_axis_name="c", subcore_axis_name="s", num_cores=NC, num_subcores=NS)


def _make_agg_body(feat_rows):
  def _agg_body(feat_hbm, edge_hbm, out_hbm,
                  src_f, dst_v, rb0, rb1, rb2, rb3, iobuf, acc_sh, feat_sh,
                  sm0, sm1, sm2, sm3, sm_d):
      bufs = (rb0, rb1, rb2, rb3)
      sems = (sm0, sm1, sm2, sm3)
      c = lax.axis_index("c")
      s = lax.axis_index("s")
      wid = s * NC + c
      ncw = NCH_BASE + jnp.where(wid < NCH_EXTRA, 1, 0)
      cstart = wid * NCH_BASE + jnp.minimum(wid, NCH_EXTRA)

      feat_sl = pl.ds(s * (feat_rows // NS), feat_rows // NS)
      pltpu.sync_copy(feat_hbm.at[feat_sl], feat_sh.at[feat_sl])

      z = jnp.zeros((16,), jnp.float32)

      def zrow(i, _):
          iobuf[i, pl.ds(0, 16)] = z
          iobuf[i, pl.ds(16, 16)] = z
          return 0

      lax.fori_loop(0, ROWS_PER_TILE, zrow, 0)
      rows_sl = pl.ds(s * ROWS_PER_TILE, ROWS_PER_TILE)
      pltpu.sync_copy(iobuf, acc_sh.at[rows_sl])
      plsc.subcore_barrier()

      @pl.when(c == 0)
      def _():
          pltpu.sync_copy(feat_hbm.at[feat_sl], acc_sh.at[feat_sl])

      e0 = cstart * CHUNK
      pltpu.sync_copy(edge_hbm.at[0, pl.ds(e0, NCH_BASE * CHUNK)],
                      src_f.at[pl.ds(0, NCH_BASE * CHUNK)])

      @pl.when(wid < NCH_EXTRA)
      def _():
          pltpu.sync_copy(edge_hbm.at[0, pl.ds(e0 + NCH_BASE * CHUNK, CHUNK)],
                          src_f.at[pl.ds(NCH_BASE * CHUNK, CHUNK)])

      def stage_dst(j, _):
          pltpu.async_copy(edge_hbm.at[1, pl.ds(e0 + j * CHUNK, CHUNK)],
                           dst_v.at[j], sm_d)
          return 0

      def drain_dst(j, _):
          pltpu.make_async_copy(edge_hbm.at[1, pl.ds(0, CHUNK)],
                                dst_v.at[0], sm_d).wait()
          return 0

      lax.fori_loop(0, ncw, stage_dst, 0)
      lax.fori_loop(0, ncw, drain_dst, 0)
      plsc.subcore_barrier()

      for b in range(NBUF):
          pltpu.async_copy(feat_sh.at[src_f.at[pl.ds(b * CHUNK, CHUNK)]], bufs[b], sems[b])

      def body(i, _):
          j0 = i * NBUF
          for b in range(NBUF):
              pltpu.make_async_copy(feat_sh.at[src_f.at[pl.ds(b * CHUNK, CHUNK)]],
                                    bufs[b], sems[b]).wait()
              pltpu.sync_copy(bufs[b], acc_sh.at[dst_v.at[j0 + b]], add=True)
              pltpu.async_copy(
                  feat_sh.at[src_f.at[pl.ds((j0 + b + NBUF) * CHUNK, CHUNK)]],
                  bufs[b], sems[b])
          return 0

      lax.fori_loop(0, NRING, body, 0)
      for b in range(NBUF):
          j = NBUF * NRING + b
          pltpu.make_async_copy(feat_sh.at[src_f.at[pl.ds(b * CHUNK, CHUNK)]],
                                bufs[b], sems[b]).wait()
          pltpu.sync_copy(bufs[b], acc_sh.at[dst_v.at[j]], add=True)

      def tail(j, _):
          pltpu.async_copy(feat_sh.at[src_f.at[pl.ds(j * CHUNK, CHUNK)]],
                           bufs[0], sems[0]).wait()
          pltpu.sync_copy(bufs[0], acc_sh.at[dst_v.at[j]], add=True)
          return 0

      lax.fori_loop(NTAIL0, ncw, tail, 0)
      plsc.subcore_barrier()

      pltpu.sync_copy(acc_sh.at[rows_sl], iobuf)
      pltpu.sync_copy(iobuf, out_hbm.at[c].at[rows_sl])
  return _agg_body


def _make_agg(feat_rows):
    return pl.kernel(
        _make_agg_body(feat_rows),
        out_type=jax.ShapeDtypeStruct((NC, N_PAD, H), jnp.float32),
        mesh=_sc_mesh,
        scratch_types=[
            pltpu.VMEM(((NCH_BASE + 1) * CHUNK,), jnp.int32),
            pltpu.VMEM((NCH_BASE + 1, CHUNK), jnp.int32),
            pltpu.VMEM((CHUNK, H), jnp.float32),
            pltpu.VMEM((CHUNK, H), jnp.float32),
            pltpu.VMEM((CHUNK, H), jnp.float32),
            pltpu.VMEM((CHUNK, H), jnp.float32),
            pltpu.VMEM((ROWS_PER_TILE, H), jnp.float32),
            pltpu.VMEM_SHARED((N_PAD, H), jnp.float32),
            pltpu.VMEM_SHARED((feat_rows, H), jnp.float32),
            pltpu.SemaphoreType.DMA,
            pltpu.SemaphoreType.DMA,
            pltpu.SemaphoreType.DMA,
            pltpu.SemaphoreType.DMA,
            pltpu.SemaphoreType.DMA,
        ],
        compiler_params=pltpu.CompilerParams(use_tc_tiling_on_sc=False),
    )


_agg1 = _make_agg(N)
_agg2 = _make_agg(N_PAD)


def _mm1_body(x_ref, w_ref, o_ref):
    o_ref[...] = jnp.dot(x_ref[...], w_ref[...],
                         preferred_element_type=jnp.float32)


def _mlp_body(agg_ref, w2_ref, b1_ref, b2_ref, o_ref):
    w = w2_ref[...]
    z = jnp.zeros((H, H), jnp.float32)
    wbd = jnp.concatenate(
        [jnp.concatenate([w if j == i else z for j in range(4)], axis=1)
         for i in range(4)], axis=0)
    b1t = jnp.concatenate([b1_ref[...]] * 4, axis=1)
    b2t = jnp.concatenate([b2_ref[...]] * 4, axis=1)
    h = jnp.maximum(agg_ref[0] + agg_ref[1] + b1t, 0.0)
    h = jnp.dot(h, wbd, preferred_element_type=jnp.float32) + b2t
    o_ref[...] = jnp.maximum(h, 0.0)


def _out_body(agg_ref, w3_ref, b3_ref, o_ref):
    g = agg_ref[0, 0:N, :] + agg_ref[1, 0:N, :]
    h = jnp.dot(g, w3_ref[...], preferred_element_type=jnp.float32) + b3_ref[...]
    o_ref[...] = jnp.maximum(h, 0.0)


_mm1 = pl.pallas_call(
    _mm1_body, out_shape=jax.ShapeDtypeStruct((N, H), jnp.float32))
_mlp = pl.pallas_call(
    _mlp_body, out_shape=jax.ShapeDtypeStruct((N_PAD // 4, 4 * H), jnp.float32))
_out = pl.pallas_call(
    _out_body, out_shape=jax.ShapeDtypeStruct((N, D_OUT), jnp.float32))


def kernel(x, edge_index, W1, b1, W2, b2, W3, b3):
    y = _mm1(x, W1)
    agg1 = _agg1(y, edge_index)
    agg1_p = agg1.reshape(NC, N_PAD // 4, 4 * H)
    h4_p = _mlp(agg1_p, W2, b1.reshape(1, H), b2.reshape(1, H))
    h4 = h4_p.reshape(N_PAD, H)
    agg2 = _agg2(h4, edge_index)
    out = _out(agg2, W3, b3.reshape(1, D_OUT))
    return out

# --- scband reference (transcript-rebuilt; emitter-appended) ---
"""Pipeline reference for scband-simple-gin-20538533610166 (READ-ONLY COPY).

The authoritative reference and input builder live on the scoring server;
editing this copy changes nothing except your own understanding.
"""

import jax, jax.numpy as jnp
import numpy as np

N = 10000
E = 320000
D_IN = 128
H = 32
D_OUT = 128


def setup_inputs(seed: int = 0) -> dict:
    key = jax.random.key(seed)
    ks = jax.random.split(key, 10)
    x = jax.random.normal(ks[0], (N, D_IN), dtype=jnp.float32)
    edge_index = jax.random.randint(ks[1], (2, E), 0, N, dtype=jnp.int32)
    # conv1 MLP: Linear(D_IN, H) -> ReLU -> Linear(H, H)
    W1 = jax.random.normal(ks[2], (D_IN, H), dtype=jnp.float32) * (1.0 / np.sqrt(D_IN))
    b1 = jnp.zeros((H,), dtype=jnp.float32)
    W2 = jax.random.normal(ks[3], (H, H), dtype=jnp.float32) * (1.0 / np.sqrt(H))
    b2 = jnp.zeros((H,), dtype=jnp.float32)
    # conv2 MLP: Linear(H, D_OUT) -> ReLU
    W3 = jax.random.normal(ks[4], (H, D_OUT), dtype=jnp.float32) * (1.0 / np.sqrt(H))
    b3 = jnp.zeros((D_OUT,), dtype=jnp.float32)
    return {"x": x, "edge_index": edge_index, "W1": W1, "b1": b1, "W2": W2, "b2": b2, "W3": W3, "b3": b3}


def _gin_aggregate(h, edge_index):
    # GINConv with eps=0 (default): (1 + eps) * x_i + sum_{j in N(i)} x_j
    src = edge_index[0]
    dst = edge_index[1]
    msgs = jnp.take(h, src, axis=0)  # gather source-node features per edge
    agg = jax.ops.segment_sum(msgs, dst, num_segments=N)  # scatter-add to dst
    return h + agg


def reference(x, edge_index, W1, b1, W2, b2, W3, b3):
    # conv1
    h = _gin_aggregate(x, edge_index)
    h = jnp.maximum(h @ W1 + b1, 0.0)
    h = h @ W2 + b2
    # torch.relu between convs
    h = jnp.maximum(h, 0.0)
    # conv2
    h = _gin_aggregate(h, edge_index)
    out = jnp.maximum(h @ W3 + b3, 0.0)
    return out

if __name__ == "__main__":
    import jax
    _d = setup_inputs()
    print(jax.jit(kernel)(*tuple(_d.values())))

</pallas_src>

<mosaic_0001>
#map = affine_map<(d0, d1) -> (0, 0)>
#map1 = affine_map<(d0, d1) -> (0, 0, 0)>
module attributes {stable_mosaic.version = 14 : i64} {
  func.func @_agg_body(%arg0: i32, %arg1: i32, %arg2: memref<10000x32xf32, #tpu.memory_space<hbm>>, %arg3: memref<2x320000xi32, #tpu.memory_space<hbm>>, %arg4: memref<2x10240x32xf32, #tpu.memory_space<hbm>>, %arg5: memref<10112xi32, #tpu.memory_space<vmem>>, %arg6: memref<79x128xi32, #tpu.memory_space<vmem>>, %arg7: memref<128x32xf32, #tpu.memory_space<vmem>>, %arg8: memref<128x32xf32, #tpu.memory_space<vmem>>, %arg9: memref<128x32xf32, #tpu.memory_space<vmem>>, %arg10: memref<128x32xf32, #tpu.memory_space<vmem>>, %arg11: memref<640x32xf32, #tpu.memory_space<vmem>>, %arg12: memref<10240x32xf32, #tpu.memory_space<vmem_shared>>, %arg13: memref<10000x32xf32, #tpu.memory_space<vmem_shared>>, %arg14: memref<!tpu.dma_semaphore, #tpu.memory_space<semaphore_mem>>, %arg15: memref<!tpu.dma_semaphore, #tpu.memory_space<semaphore_mem>>, %arg16: memref<!tpu.dma_semaphore, #tpu.memory_space<semaphore_mem>>, %arg17: memref<!tpu.dma_semaphore, #tpu.memory_space<semaphore_mem>>, %arg18: memref<!tpu.dma_semaphore, #tpu.memory_space<semaphore_mem>>) attributes {dimension_semantics = [#tpu.dimension_semantics<core_parallel>, #tpu.dimension_semantics<subcore_parallel>], iteration_bounds = array<i64: 2, 16>, scalar_prefetch = 0 : i64, scratch_operands = 14 : i64, tpu.core_type = #tpu.core_type<sc_vector_subcore>, window_params = [{transform_indices = #map}, {transform_indices = #map}, {transform_indices = #map1}]} {
    %mul3A = arith.constant 2 : i32
    %mul3A_0 = arith.muli %arg1, %mul3A : i32
    %add3A = arith.addi %mul3A_0, %arg0 : i32
    %lt3A = arith.constant 4 : i32
    %lt3A_1 = arith.cmpi slt, %add3A, %lt3A : i32
    %jit3A = arith.constant 1 : i32
    %jit3A_2 = arith.constant 0 : i32
    %select_n3A = arith.select %lt3A_1, %jit3A, %jit3A_2 : i32
    %add3A_3 = arith.constant 78 : i32
    %add3A_4 = arith.addi %add3A_3, %select_n3A : i32
    %mul3A_5 = arith.constant 78 : i32
    %mul3A_6 = arith.muli %add3A, %mul3A_5 : i32
    %min3A = arith.constant 4 : i32
    %min3A_7 = arith.minsi %add3A, %min3A : i32
    %add3A_8 = arith.addi %mul3A_6, %min3A_7 : i32
    %mul3A_9 = arith.constant 625 : i32
    %mul3A_10 = arith.muli %arg1, %mul3A_9 : i32
    "tpu.region"() ({
      %run_scoped3A_115 = tpu.sem_alloc : memref<!tpu.dma_semaphore, #tpu.memory_space<semaphore_mem>>
      %dma_start3A_116 = arith.constant 0 : i32
      %dma_start3A_117 = tpu.memref_slice %arg13[%mul3A_10, %dma_start3A_116] : memref<10000x32xf32, #tpu.memory_space<vmem_shared>> -> memref<625x32xf32, #tpu.memory_space<vmem_shared>>
      %dma_start3A_118 = arith.constant 0 : i32
      %dma_start3A_119 = tpu.memref_slice %arg2[%mul3A_10, %dma_start3A_118] : memref<10000x32xf32, #tpu.memory_space<hbm>> -> memref<625x32xf32, #tpu.memory_space<hbm>>
      tpu.enqueue_dma source(%dma_start3A_119 : memref<625x32xf32, #tpu.memory_space<hbm>>) target(%dma_start3A_117 : memref<625x32xf32, #tpu.memory_space<vmem_shared>>) target_semaphore(%run_scoped3A_115 : memref<!tpu.dma_semaphore, #tpu.memory_space<semaphore_mem>>)
      %dma_wait3A_120 = arith.constant 0 : i32
      %dma_wait3A_121 = tpu.memref_slice %arg13[%mul3A_10, %dma_wait3A_120] : memref<10000x32xf32, #tpu.memory_space<vmem_shared>> -> memref<625x32xf32, #tpu.memory_space<vmem_shared>>
      %dma_wait3A_122 = arith.constant 0 : i32
      %dma_wait3A_123 = tpu.memref_slice %arg2[%mul3A_10, %dma_wait3A_122] : memref<10000x32xf32, #tpu.memory_space<hbm>> -> memref<625x32xf32, #tpu.memory_space<hbm>>
      tpu.wait_dma2 semaphore(%run_scoped3A_115 : memref<!tpu.dma_semaphore, #tpu.memory_space<semaphore_mem>>) src(%dma_wait3A_123 : memref<625x32xf32, #tpu.memory_space<hbm>>) dst(%dma_wait3A_121 : memref<625x32xf32, #tpu.memory_space<vmem_shared>>)
      tpu.yield
    }) : () -> ()
    %broadcast_in_dim3A = arith.constant 0.000000e+00 : f32
    %broadcast_in_dim3A_11 = vector.broadcast %broadcast_in_dim3A : f32 to vector<16xf32>
    %scan3A = arith.constant 0 : i32
    %scan3A_12 = arith.constant 0 : i32
    %scan3A_13 = arith.constant 640 : i32
    %scan3A_14 = arith.addi %scan3A_12, %scan3A_13 : i32
    %scan3A_15 = arith.constant 1 : i32
    %scan3A_16 = scf.for %scan3A_115 = %scan3A_12 to %scan3A_14 step %scan3A_15 iter_args(%scan3A_116 = %scan3A) -> (i32)  : i32 {
      %swap3A = arith.index_cast %scan3A_115 : i32 to index
      %swap3A_117 = arith.constant 0 : index
      %swap3A_118 = tpu.vector_load %arg11[%swap3A, %swap3A_117] {strides = array<i32>} : memref<640x32xf32, #tpu.memory_space<vmem>>, vector<1x16xf32>,
      %swap3A_119 = vector.shape_cast %swap3A_118 : vector<1x16xf32> to vector<16xf32>
      %swap3A_120 = vector.shape_cast %broadcast_in_dim3A_11 : vector<16xf32> to vector<1x16xf32>
      tpu.vector_store %arg11[%swap3A, %swap3A_117], %swap3A_120 {strides = array<i32>} : memref<640x32xf32, #tpu.memory_space<vmem>>, vector<1x16xf32>,
      %swap3A_121 = arith.index_cast %scan3A_115 : i32 to index
      %swap3A_122 = arith.constant 16 : index
      %swap3A_123 = tpu.vector_load %arg11[%swap3A_121, %swap3A_122] {strides = array<i32>} : memref<640x32xf32, #tpu.memory_space<vmem>>, vector<1x16xf32>,
      %swap3A_124 = vector.shape_cast %swap3A_123 : vector<1x16xf32> to vector<16xf32>
      %swap3A_125 = vector.shape_cast %broadcast_in_dim3A_11 : vector<16xf32> to vector<1x16xf32>
      tpu.vector_store %arg11[%swap3A_121, %swap3A_122], %swap3A_125 {strides = array<i32>} : memref<640x32xf32, #tpu.memory_space<vmem>>, vector<1x16xf32>,
      %scan3A_126 = arith.constant 0 : i32
      scf.yield %scan3A_126 : i32
    }
    %scan3A_17 = arith.constant 640 : i32
    %mul3A_18 = arith.constant 640 : i32
    %mul3A_19 = arith.muli %arg1, %mul3A_18 : i32
    "tpu.region"() ({
      %run_scoped3A_115 = tpu.sem_alloc : memref<!tpu.dma_semaphore, #tpu.memory_space<semaphore_mem>>
      %dma_start3A_116 = arith.constant 0 : i32
      %dma_start3A_117 = tpu.memref_slice %arg12[%mul3A_19, %dma_start3A_116] : memref<10240x32xf32, #tpu.memory_space<vmem_shared>> -> memref<640x32xf32, #tpu.memory_space<vmem_shared>>
      %dma_start3A_118 = arith.constant 0 : i32
      %dma_start3A_119 = tpu.memref_slice %arg12[%mul3A_19, %dma_start3A_118] : memref<10240x32xf32, #tpu.memory_space<vmem_shared>> -> memref<640x32xf32, #tpu.memory_space<vmem_shared>>
      tpu.enqueue_dma source(%arg11 : memref<640x32xf32, #tpu.memory_space<vmem>>) target(%dma_start3A_119 : memref<640x32xf32, #tpu.memory_space<vmem_shared>>) target_semaphore(%run_scoped3A_115 : memref<!tpu.dma_semaphore, #tpu.memory_space<semaphore_mem>>)
      %dma_wait3A_120 = arith.constant 0 : i32
      %dma_wait3A_121 = tpu.memref_slice %arg12[%mul3A_19, %dma_wait3A_120] : memref<10240x32xf32, #tpu.memory_space<vmem_shared>> -> memref<640x32xf32, #tpu.memory_space<vmem_shared>>
      %dma_wait3A_122 = arith.constant 0 : i32
      %dma_wait3A_123 = tpu.memref_slice %arg12[%mul3A_19, %dma_wait3A_122] : memref<10240x32xf32, #tpu.memory_space<vmem_shared>> -> memref<640x32xf32, #tpu.memory_space<vmem_shared>>
      tpu.wait_dma2 semaphore(%run_scoped3A_115 : memref<!tpu.dma_semaphore, #tpu.memory_space<semaphore_mem>>) src(%arg11 : memref<640x32xf32, #tpu.memory_space<vmem>>) dst(%dma_wait3A_123 : memref<640x32xf32, #tpu.memory_space<vmem_shared>>)
      tpu.yield
    }) : () -> ()
    %barrier3A = arith.constant 0 : index
    tpu.barrier barrier_id(%barrier3A)
    %eq3A = arith.constant 0 : i32
    %eq3A_20 = arith.cmpi eq, %arg0, %eq3A : i32
    %convert_element_type3A = arith.extui %eq3A_20 : i1 to i32
    %cond3A = arith.constant 0 : i32
    %cond3A_21 = arith.cmpi ne, %convert_element_type3A, %cond3A : i32
    scf.if %cond3A_21 {
      "tpu.region"() ({
        %run_scoped3A_115 = tpu.sem_alloc : memref<!tpu.dma_semaphore, #tpu.memory_space<semaphore_mem>>
        %dma_start3A_116 = arith.constant 0 : i32
        %dma_start3A_117 = tpu.memref_slice %arg12[%mul3A_10, %dma_start3A_116] : memref<10240x32xf32, #tpu.memory_space<vmem_shared>> -> memref<625x32xf32, #tpu.memory_space<vmem_shared>>
        %dma_start3A_118 = arith.constant 0 : i32
        %dma_start3A_119 = tpu.memref_slice %arg2[%mul3A_10, %dma_start3A_118] : memref<10000x32xf32, #tpu.memory_space<hbm>> -> memref<625x32xf32, #tpu.memory_space<hbm>>
        tpu.enqueue_dma source(%dma_start3A_119 : memref<625x32xf32, #tpu.memory_space<hbm>>) target(%dma_start3A_117 : memref<625x32xf32, #tpu.memory_space<vmem_shared>>) target_semaphore(%run_scoped3A_115 : memref<!tpu.dma_semaphore, #tpu.memory_space<semaphore_mem>>)
        %dma_wait3A_120 = arith.constant 0 : i32
        %dma_wait3A_121 = tpu.memref_slice %arg12[%mul3A_10, %dma_wait3A_120] : memref<10240x32xf32, #tpu.memory_space<vmem_shared>> -> memref<625x32xf32, #tpu.memory_space<vmem_shared>>
        %dma_wait3A_122 = arith.constant 0 : i32
        %dma_wait3A_123 = tpu.memref_slice %arg2[%mul3A_10, %dma_wait3A_122] : memref<10000x32xf32, #tpu.memory_space<hbm>> -> memref<625x32xf32, #tpu.memory_space<hbm>>
        tpu.wait_dma2 semaphore(%run_scoped3A_115 : memref<!tpu.dma_semaphore, #tpu.memory_space<semaphore_mem>>) src(%dma_wait3A_123 : memref<625x32xf32, #tpu.memory_space<hbm>>) dst(%dma_wait3A_121 : memref<625x32xf32, #tpu.memory_space<vmem_shared>>)
        tpu.yield
      }) : () -> ()
    } else {
    }
    %mul3A_22 = arith.constant 128 : i32
    %mul3A_23 = arith.muli %add3A_8, %mul3A_22 : i32
    %run_scoped3A = arith.constant 0 : i32
    "tpu.region"() ({
      %run_scoped3A_115 = tpu.sem_alloc : memref<!tpu.dma_semaphore, #tpu.memory_space<semaphore_mem>>
      %dma_start3A_116 = arith.constant 0 : i32
      %dma_start3A_117 = tpu.memref_slice %arg5[%dma_start3A_116] : memref<10112xi32, #tpu.memory_space<vmem>> -> memref<9984xi32, #tpu.memory_space<vmem>>
      %dma_start3A_118 = tpu.memref_slice %arg3[%run_scoped3A, %mul3A_23] : memref<2x320000xi32, #tpu.memory_space<hbm>> -> memref<1x9984xi32, #tpu.memory_space<hbm>>
      %dma_start3A_119 = tpu.memref_squeeze %dma_start3A_118 : memref<1x9984xi32, #tpu.memory_space<hbm>> -> memref<9984xi32, #tpu.memory_space<hbm>>
      %dma_start3A_120 = arith.constant 0 : i32
      %dma_start3A_121 = tpu.memref_slice %arg5[%dma_start3A_120] : memref<10112xi32, #tpu.memory_space<vmem>> -> memref<9984xi32, #tpu.memory_space<vmem>>
      %dma_start3A_122 = tpu.memref_slice %arg3[%run_scoped3A, %mul3A_23] : memref<2x320000xi32, #tpu.memory_space<hbm>> -> memref<1x9984xi32, #tpu.memory_space<hbm>>
      %dma_start3A_123 = tpu.memref_squeeze %dma_start3A_122 : memref<1x9984xi32, #tpu.memory_space<hbm>> -> memref<9984xi32, #tpu.memory_space<hbm>>
      tpu.enqueue_dma source(%dma_start3A_123 : memref<9984xi32, #tpu.memory_space<hbm>>) target(%dma_start3A_121 : memref<9984xi32, #tpu.memory_space<vmem>>) target_semaphore(%run_scoped3A_115 : memref<!tpu.dma_semaphore, #tpu.memory_space<semaphore_mem>>)
      %dma_wait3A_124 = arith.constant 0 : i32
      %dma_wait3A_125 = tpu.memref_slice %arg5[%dma_wait3A_124] : memref<10112xi32, #tpu.memory_space<vmem>> -> memref<9984xi32, #tpu.memory_space<vmem>>
      %dma_wait3A_126 = tpu.memref_slice %arg3[%run_scoped3A, %mul3A_23] : memref<2x320000xi32, #tpu.memory_space<hbm>> -> memref<1x9984xi32, #tpu.memory_space<hbm>>
      %dma_wait3A_127 = tpu.memref_squeeze %dma_wait3A_126 : memref<1x9984xi32, #tpu.memory_space<hbm>> -> memref<9984xi32, #tpu.memory_space<hbm>>
      %dma_wait3A_128 = arith.constant 0 : i32
      %dma_wait3A_129 = tpu.memref_slice %arg5[%dma_wait3A_128] : memref<10112xi32, #tpu.memory_space<vmem>> -> memref<9984xi32, #tpu.memory_space<vmem>>
      %dma_wait3A_130 = tpu.memref_slice %arg3[%run_scoped3A, %mul3A_23] : memref<2x320000xi32, #tpu.memory_space<hbm>> -> memref<1x9984xi32, #tpu.memory_space<hbm>>
      %dma_wait3A_131 = tpu.memref_squeeze %dma_wait3A_130 : memref<1x9984xi32, #tpu.memory_space<hbm>> -> memref<9984xi32, #tpu.memory_space<hbm>>
      tpu.wait_dma2 semaphore(%run_scoped3A_115 : memref<!tpu.dma_semaphore, #tpu.memory_space<semaphore_mem>>) src(%dma_wait3A_131 : memref<9984xi32, #tpu.memory_space<hbm>>) dst(%dma_wait3A_129 : memref<9984xi32, #tpu.memory_space<vmem>>)
      tpu.yield
    }) : () -> ()
    %lt3A_24 = arith.constant 4 : i32
    %lt3A_25 = arith.cmpi slt, %add3A, %lt3A_24 : i32
    %convert_element_type3A_26 = arith.extui %lt3A_25 : i1 to i32
    %cond3A_27 = arith.constant 0 : i32
    %cond3A_28 = arith.cmpi ne, %convert_element_type3A_26, %cond3A_27 : i32
    scf.if %cond3A_28 {
      %add3A_115 = arith.constant 9984 : i32
      %add3A_116 = arith.addi %mul3A_23, %add3A_115 : i32
      %run_scoped3A_117 = arith.constant 0 : i32
      "tpu.region"() ({
        %run_scoped3A_118 = tpu.sem_alloc : memref<!tpu.dma_semaphore, #tpu.memory_space<semaphore_mem>>
        %dma_start3A_119 = arith.constant 9984 : i32
        %dma_start3A_120 = tpu.memref_slice %arg5[%dma_start3A_119] : memref<10112xi32, #tpu.memory_space<vmem>> -> memref<128xi32, #tpu.memory_space<vmem>>
        %dma_start3A_121 = tpu.memref_slice %arg3[%run_scoped3A_117, %add3A_116] : memref<2x320000xi32, #tpu.memory_space<hbm>> -> memref<1x128xi32, #tpu.memory_space<hbm>>
        %dma_start3A_122 = tpu.memref_squeeze %dma_start3A_121 : memref<1x128xi32, #tpu.memory_space<hbm>> -> memref<128xi32, #tpu.memory_space<hbm>>
        %dma_start3A_123 = arith.constant 9984 : i32
        %dma_start3A_124 = tpu.memref_slice %arg5[%dma_start3A_123] : memref<10112xi32, #tpu.memory_space<vmem>> -> memref<128xi32, #tpu.memory_space<vmem>>
        %dma_start3A_125 = tpu.memref_slice %arg3[%run_scoped3A_117, %add3A_116] : memref<2x320000xi32, #tpu.memory_space<hbm>> -> memref<1x128xi32, #tpu.memory_space<hbm>>
        %dma_start3A_126 = tpu.memref_squeeze %dma_start3A_125 : memref<1x128xi32, #tpu.memory_space<hbm>> -> memref<128xi32, #tpu.memory_space<hbm>>
        tpu.enqueue_dma source(%dma_start3A_126 : memref<128xi32, #tpu.memory_space<hbm>>) target(%dma_start3A_124 : memref<128xi32, #tpu.memory_space<vmem>>) target_semaphore(%run_scoped3A_118 : memref<!tpu.dma_semaphore, #tpu.memory_space<semaphore_mem>>)
        %dma_wait3A_127 = arith.constant 9984 : i32
        %dma_wait3A_128 = tpu.memref_slice %arg5[%dma_wait3A_127] : memref<10112xi32, #tpu.memory_space<vmem>> -> memref<128xi32, #tpu.memory_space<vmem>>
        %dma_wait3A_129 = tpu.memref_slice %arg3[%run_scoped3A_117, %add3A_116] : memref<2x320000xi32, #tpu.memory_space<hbm>> -> memref<1x128xi32, #tpu.memory_space<hbm>>
        %dma_wait3A_130 = tpu.memref_squeeze %dma_wait3A_129 : memref<1x128xi32, #tpu.memory_space<hbm>> -> memref<128xi32, #tpu.memory_space<hbm>>
        %dma_wait3A_131 = arith.constant 9984 : i32
        %dma_wait3A_132 = tpu.memref_slice %arg5[%dma_wait3A_131] : memref<10112xi32, #tpu.memory_space<vmem>> -> memref<128xi32, #tpu.memory_space<vmem>>
        %dma_wait3A_133 = tpu.memref_slice %arg3[%run_scoped3A_117, %add3A_116] : memref<2x320000xi32, #tpu.memory_space<hbm>> -> memref<1x128xi32, #tpu.memory_space<hbm>>
        %dma_wait3A_134 = tpu.memref_squeeze %dma_wait3A_133 : memref<1x128xi32, #tpu.memory_space<hbm>> -> memref<128xi32, #tpu.memory_space<hbm>>
        tpu.wait_dma2 semaphore(%run_scoped3A_118 : memref<!tpu.dma_semaphore, #tpu.memory_space<semaphore_mem>>) src(%dma_wait3A_134 : memref<128xi32, #tpu.memory_space<hbm>>) dst(%dma_wait3A_132 : memref<128xi32, #tpu.memory_space<vmem>>)
        tpu.yield
      }) : () -> ()
    } else {
    }
    %while3A = arith.constant 0 : i32
    %while3A_29 = arith.constant 0 : i32
    %while3A_30 = arith.subi %add3A_4, %while3A : i32
    %while3A_31 = arith.addi %while3A, %while3A_30 : i32
    %while3A_32 = arith.constant 1 : i32
    %while3A_33 = arith.divsi %while3A_30, %while3A_32 : i32
    %while3A_34 = arith.muli %while3A_33, %while3A_32 : i32
    %while3A_35 = arith.addi %while3A, %while3A_34 : i32
    %while3A_36 = arith.constant 1 : i32
    %while3A_37 = scf.for %while3A_115 = %while3A to %while3A_35 step %while3A_36 iter_args(%while3A_116 = %while3A_29) -> (i32)  : i32 {
      %mul3A_117 = arith.constant 128 : i32
      %mul3A_118 = arith.muli %while3A_115, %mul3A_117 : i32
      %add3A_119 = arith.addi %mul3A_23, %mul3A_118 : i32
      %dma_start3A_120 = arith.constant 1 : i32
      %dma_start3A_121 = arith.constant 0 : i32
      %dma_start3A_122 = tpu.memref_slice %arg6[%while3A_115, %dma_start3A_121] : memref<79x128xi32, #tpu.memory_space<vmem>> -> memref<1x128xi32, #tpu.memory_space<vmem>>
      %dma_start3A_123 = tpu.memref_squeeze %dma_start3A_122 : memref<1x128xi32, #tpu.memory_space<vmem>> -> memref<128xi32, #tpu.memory_space<vmem>>
      %dma_start3A_124 = tpu.memref_slice %arg3[%dma_start3A_120, %add3A_119] : memref<2x320000xi32, #tpu.memory_space<hbm>> -> memref<1x128xi32, #tpu.memory_space<hbm>>
      %dma_start3A_125 = tpu.memref_squeeze %dma_start3A_124 : memref<1x128xi32, #tpu.memory_space<hbm>> -> memref<128xi32, #tpu.memory_space<hbm>>
      %dma_start3A_126 = arith.constant 0 : i32
      %dma_start3A_127 = tpu.memref_slice %arg6[%while3A_115, %dma_start3A_126] : memref<79x128xi32, #tpu.memory_space<vmem>> -> memref<1x128xi32, #tpu.memory_space<vmem>>
      %dma_start3A_128 = tpu.memref_squeeze %dma_start3A_127 : memref<1x128xi32, #tpu.memory_space<vmem>> -> memref<128xi32, #tpu.memory_space<vmem>>
      %dma_start3A_129 = tpu.memref_slice %arg3[%dma_start3A_120, %add3A_119] : memref<2x320000xi32, #tpu.memory_space<hbm>> -> memref<1x128xi32, #tpu.memory_space<hbm>>
      %dma_start3A_130 = tpu.memref_squeeze %dma_start3A_129 : memref<1x128xi32, #tpu.memory_space<hbm>> -> memref<128xi32, #tpu.memory_space<hbm>>
      tpu.enqueue_dma source(%dma_start3A_130 : memref<128xi32, #tpu.memory_space<hbm>>) target(%dma_start3A_128 : memref<128xi32, #tpu.memory_space<vmem>>) target_semaphore(%arg18 : memref<!tpu.dma_semaphore, #tpu.memory_space<semaphore_mem>>)
      %while3A_131 = arith.constant 0 : i32
      scf.yield %while3A_131 : i32
    }
    %while3A_38 = arith.constant 1 : i32
    %while3A_39 = scf.for %while3A_115 = %while3A_35 to %while3A_31 step %while3A_38 iter_args(%while3A_116 = %while3A_37) -> (i32)  : i32 {
      %mul3A_117 = arith.constant 128 : i32
      %mul3A_118 = arith.muli %while3A_115, %mul3A_117 : i32
      %add3A_119 = arith.addi %mul3A_23, %mul3A_118 : i32
      %dma_start3A_120 = arith.constant 1 : i32
      %dma_start3A_121 = arith.constant 0 : i32
      %dma_start3A_122 = tpu.memref_slice %arg6[%while3A_115, %dma_start3A_121] : memref<79x128xi32, #tpu.memory_space<vmem>> -> memref<1x128xi32, #tpu.memory_space<vmem>>
      %dma_start3A_123 = tpu.memref_squeeze %dma_start3A_122 : memref<1x128xi32, #tpu.memory_space<vmem>> -> memref<128xi32, #tpu.memory_space<vmem>>
      %dma_start3A_124 = tpu.memref_slice %arg3[%dma_start3A_120, %add3A_119] : memref<2x320000xi32, #tpu.memory_space<hbm>> -> memref<1x128xi32, #tpu.memory_space<hbm>>
      %dma_start3A_125 = tpu.memref_squeeze %dma_start3A_124 : memref<1x128xi32, #tpu.memory_space<hbm>> -> memref<128xi32, #tpu.memory_space<hbm>>
      %dma_start3A_126 = arith.constant 0 : i32
      %dma_start3A_127 = tpu.memref_slice %arg6[%while3A_115, %dma_start3A_126] : memref<79x128xi32, #tpu.memory_space<vmem>> -> memref<1x128xi32, #tpu.memory_space<vmem>>
      %dma_start3A_128 = tpu.memref_squeeze %dma_start3A_127 : memref<1x128xi32, #tpu.memory_space<vmem>> -> memref<128xi32, #tpu.memory_space<vmem>>
      %dma_start3A_129 = tpu.memref_slice %arg3[%dma_start3A_120, %add3A_119] : memref<2x320000xi32, #tpu.memory_space<hbm>> -> memref<1x128xi32, #tpu.memory_space<hbm>>
      %dma_start3A_130 = tpu.memref_squeeze %dma_start3A_129 : memref<1x128xi32, #tpu.memory_space<hbm>> -> memref<128xi32, #tpu.memory_space<hbm>>
      tpu.enqueue_dma source(%dma_start3A_130 : memref<128xi32, #tpu.memory_space<hbm>>) target(%dma_start3A_128 : memref<128xi32, #tpu.memory_space<vmem>>) target_semaphore(%arg18 : memref<!tpu.dma_semaphore, #tpu.memory_space<semaphore_mem>>)
      %while3A_131 = arith.constant 0 : i32
      scf.yield %while3A_131 : i32
    }
    %while3A_40 = arith.constant 0 : i32
    %while3A_41 = arith.constant 0 : i32
    %while3A_42 = arith.subi %add3A_4, %while3A_40 : i32
    %while3A_43 = arith.addi %while3A_40, %while3A_42 : i32
    %while3A_44 = arith.constant 1 : i32
    %while3A_45 = arith.divsi %while3A_42, %while3A_44 : i32
    %while3A_46 = arith.muli %while3A_45, %while3A_44 : i32
    %while3A_47 = arith.addi %while3A_40, %while3A_46 : i32
    %while3A_48 = arith.constant 1 : i32
    %while3A_49 = scf.for %while3A_115 = %while3A_40 to %while3A_47 step %while3A_48 iter_args(%while3A_116 = %while3A_41) -> (i32)  : i32 {
      %dma_wait3A_117 = arith.constant 1 : i32
      %dma_wait3A_118 = arith.constant 0 : i32
      %dma_wait3A_119 = arith.constant 0 : i32
      %dma_wait3A_120 = tpu.memref_slice %arg6[%dma_wait3A_118, %dma_wait3A_119] : memref<79x128xi32, #tpu.memory_space<vmem>> -> memref<1x128xi32, #tpu.memory_space<vmem>>
      %dma_wait3A_121 = tpu.memref_squeeze %dma_wait3A_120 : memref<1x128xi32, #tpu.memory_space<vmem>> -> memref<128xi32, #tpu.memory_space<vmem>>
      %dma_wait3A_122 = arith.constant 0 : i32
      %dma_wait3A_123 = tpu.memref_slice %arg3[%dma_wait3A_117, %dma_wait3A_122] : memref<2x320000xi32, #tpu.memory_space<hbm>> -> memref<1x128xi32, #tpu.memory_space<hbm>>
      %dma_wait3A_124 = tpu.memref_squeeze %dma_wait3A_123 : memref<1x128xi32, #tpu.memory_space<hbm>> -> memref<128xi32, #tpu.memory_space<hbm>>
      %dma_wait3A_125 = arith.constant 0 : i32
      %dma_wait3A_126 = tpu.memref_slice %arg6[%dma_wait3A_118, %dma_wait3A_125] : memref<79x128xi32, #tpu.memory_space<vmem>> -> memref<1x128xi32, #tpu.memory_space<vmem>>
      %dma_wait3A_127 = tpu.memref_squeeze %dma_wait3A_126 : memref<1x128xi32, #tpu.memory_space<vmem>> -> memref<128xi32, #tpu.memory_space<vmem>>
      %dma_wait3A_128 = arith.constant 0 : i32
      %dma_wait3A_129 = tpu.memref_slice %arg3[%dma_wait3A_117, %dma_wait3A_128] : memref<2x320000xi32, #tpu.memory_space<hbm>> -> memref<1x128xi32, #tpu.memory_space<hbm>>
      %dma_wait3A_130 = tpu.memref_squeeze %dma_wait3A_129 : memref<1x128xi32, #tpu.memory_space<hbm>> -> memref<128xi32, #tpu.memory_space<hbm>>
      tpu.wait_dma2 semaphore(%arg18 : memref<!tpu.dma_semaphore, #tpu.memory_space<semaphore_mem>>) src(%dma_wait3A_130 : memref<128xi32, #tpu.memory_space<hbm>>) dst(%dma_wait3A_127 : memref<128xi32, #tpu.memory_space<vmem>>)
      %while3A_131 = arith.constant 0 : i32
      scf.yield %while3A_131 : i32
    }
    %while3A_50 = arith.constant 1 : i32
    %while3A_51 = scf.for %while3A_115 = %while3A_47 to %while3A_43 step %while3A_50 iter_args(%while3A_116 = %while3A_49) -> (i32)  : i32 {
      %dma_wait3A_117 = arith.constant 1 : i32
      %dma_wait3A_118 = arith.constant 0 : i32
      %dma_wait3A_119 = arith.constant 0 : i32
      %dma_wait3A_120 = tpu.memref_slice %arg6[%dma_wait3A_118, %dma_wait3A_119] : memref<79x128xi32, #tpu.memory_space<vmem>> -> memref<1x128xi32, #tpu.memory_space<vmem>>
      %dma_wait3A_121 = tpu.memref_squeeze %dma_wait3A_120 : memref<1x128xi32, #tpu.memory_space<vmem>> -> memref<128xi32, #tpu.memory_space<vmem>>
      %dma_wait3A_122 = arith.constant 0 : i32
      %dma_wait3A_123 = tpu.memref_slice %arg3[%dma_wait3A_117, %dma_wait3A_122] : memref<2x320000xi32, #tpu.memory_space<hbm>> -> memref<1x128xi32, #tpu.memory_space<hbm>>
      %dma_wait3A_124 = tpu.memref_squeeze %dma_wait3A_123 : memref<1x128xi32, #tpu.memory_space<hbm>> -> memref<128xi32, #tpu.memory_space<hbm>>
      %dma_wait3A_125 = arith.constant 0 : i32
      %dma_wait3A_126 = tpu.memref_slice %arg6[%dma_wait3A_118, %dma_wait3A_125] : memref<79x128xi32, #tpu.memory_space<vmem>> -> memref<1x128xi32, #tpu.memory_space<vmem>>
      %dma_wait3A_127 = tpu.memref_squeeze %dma_wait3A_126 : memref<1x128xi32, #tpu.memory_space<vmem>> -> memref<128xi32, #tpu.memory_space<vmem>>
      %dma_wait3A_128 = arith.constant 0 : i32
      %dma_wait3A_129 = tpu.memref_slice %arg3[%dma_wait3A_117, %dma_wait3A_128] : memref<2x320000xi32, #tpu.memory_space<hbm>> -> memref<1x128xi32, #tpu.memory_space<hbm>>
      %dma_wait3A_130 = tpu.memref_squeeze %dma_wait3A_129 : memref<1x128xi32, #tpu.memory_space<hbm>> -> memref<128xi32, #tpu.memory_space<hbm>>
      tpu.wait_dma2 semaphore(%arg18 : memref<!tpu.dma_semaphore, #tpu.memory_space<semaphore_mem>>) src(%dma_wait3A_130 : memref<128xi32, #tpu.memory_space<hbm>>) dst(%dma_wait3A_127 : memref<128xi32, #tpu.memory_space<vmem>>)
      %while3A_131 = arith.constant 0 : i32
      scf.yield %while3A_131 : i32
    }
    %barrier3A_52 = arith.constant 0 : index
    tpu.barrier barrier_id(%barrier3A_52)
    %dma_start3A = arith.constant 0 : i32
    %dma_start3A_53 = tpu.memref_slice %arg5[%dma_start3A] : memref<10112xi32, #tpu.memory_space<vmem>> -> memref<128xi32, #tpu.memory_space<vmem>>
    %dma_start3A_54 = arith.constant 0 : i32
    %dma_start3A_55 = arith.constant 0 : i32
    %dma_start3A_56 = tpu.memref_slice %arg13[%dma_start3A_54, %dma_start3A_55] : memref<10000x32xf32, #tpu.memory_space<vmem_shared>> -> memref<10000x32xf32, #tpu.memory_space<vmem_shared>>
    tpu.enqueue_indirect_dma source(%dma_start3A_56 : memref<10000x32xf32, #tpu.memory_space<vmem_shared>>) target(%arg7 : memref<128x32xf32, #tpu.memory_space<vmem>>) offsets(%dma_start3A_53 : memref<128xi32, #tpu.memory_space<vmem>>) semaphore(%arg14 : memref<!tpu.dma_semaphore, #tpu.memory_space<semaphore_mem>>)
    %dma_start3A_57 = arith.constant 128 : i32
    %dma_start3A_58 = tpu.memref_slice %arg5[%dma_start3A_57] : memref<10112xi32, #tpu.memory_space<vmem>> -> memref<128xi32, #tpu.memory_space<vmem>>
    %dma_start3A_59 = arith.constant 0 : i32
    %dma_start3A_60 = arith.constant 0 : i32
    %dma_start3A_61 = tpu.memref_slice %arg13[%dma_start3A_59, %dma_start3A_60] : memref<10000x32xf32, #tpu.memory_space<vmem_shared>> -> memref<10000x32xf32, #tpu.memory_space<vmem_shared>>
    tpu.enqueue_indirect_dma source(%dma_start3A_61 : memref<10000x32xf32, #tpu.memory_space<vmem_shared>>) target(%arg8 : memref<128x32xf32, #tpu.memory_space<vmem>>) offsets(%dma_start3A_58 : memref<128xi32, #tpu.memory_space<vmem>>) semaphore(%arg15 : memref<!tpu.dma_semaphore, #tpu.memory_space<semaphore_mem>>)
    %dma_start3A_62 = arith.constant 256 : i32
    %dma_start3A_63 = tpu.memref_slice %arg5[%dma_start3A_62] : memref<10112xi32, #tpu.memory_space<vmem>> -> memref<128xi32, #tpu.memory_space<vmem>>
    %dma_start3A_64 = arith.constant 0 : i32
    %dma_start3A_65 = arith.constant 0 : i32
    %dma_start3A_66 = tpu.memref_slice %arg13[%dma_start3A_64, %dma_start3A_65] : memref<10000x32xf32, #tpu.memory_space<vmem_shared>> -> memref<10000x32xf32, #tpu.memory_space<vmem_shared>>
    tpu.enqueue_indirect_dma source(%dma_start3A_66 : memref<10000x32xf32, #tpu.memory_space<vmem_shared>>) target(%arg9 : memref<128x32xf32, #tpu.memory_space<vmem>>) offsets(%dma_start3A_63 : memref<128xi32, #tpu.memory_space<vmem>>) semaphore(%arg16 : memref<!tpu.dma_semaphore, #tpu.memory_space<semaphore_mem>>)
    %dma_start3A_67 = arith.constant 384 : i32
    %dma_start3A_68 = tpu.memref_slice %arg5[%dma_start3A_67] : memref<10112xi32, #tpu.memory_space<vmem>> -> memref<128xi32, #tpu.memory_space<vmem>>
    %dma_start3A_69 = arith.constant 0 : i32
    %dma_start3A_70 = arith.constant 0 : i32
    %dma_start3A_71 = tpu.memref_slice %arg13[%dma_start3A_69, %dma_start3A_70] : memref<10000x32xf32, #tpu.memory_space<vmem_shared>> -> memref<10000x32xf32, #tpu.memory_space<vmem_shared>>
    tpu.enqueue_indirect_dma source(%dma_start3A_71 : memref<10000x32xf32, #tpu.memory_space<vmem_shared>>) target(%arg10 : memref<128x32xf32, #tpu.memory_space<vmem>>) offsets(%dma_start3A_68 : memref<128xi32, #tpu.memory_space<vmem>>) semaphore(%arg17 : memref<!tpu.dma_semaphore, #tpu.memory_space<semaphore_mem>>)
    %scan3A_72 = arith.constant 0 : i32
    %scan3A_73 = arith.constant 0 : i32
    %scan3A_74 = arith.constant 18 : i32
    %scan3A_75 = arith.addi %scan3A_73, %scan3A_74 : i32
    %scan3A_76 = arith.constant 1 : i32
    %scan3A_77 = scf.for %scan3A_115 = %scan3A_73 to %scan3A_75 step %scan3A_76 iter_args(%scan3A_116 = %scan3A_72) -> (i32)  : i32 {
      %mul3A_117 = arith.constant 4 : i32
      %mul3A_118 = arith.muli %scan3A_115, %mul3A_117 : i32
      %dma_wait3A_119 = arith.constant 0 : i32
      %dma_wait3A_120 = tpu.memref_slice %arg5[%dma_wait3A_119] : memref<10112xi32, #tpu.memory_space<vmem>> -> memref<128xi32, #tpu.memory_space<vmem>>
      %dma_wait3A_121 = arith.constant 0 : i32
      %dma_wait3A_122 = arith.constant 0 : i32
      %dma_wait3A_123 = tpu.memref_slice %arg13[%dma_wait3A_121, %dma_wait3A_122] : memref<10000x32xf32, #tpu.memory_space<vmem_shared>> -> memref<10000x32xf32, #tpu.memory_space<vmem_shared>>
      tpu.wait_indirect_dma semaphore(%arg14 : memref<!tpu.dma_semaphore, #tpu.memory_space<semaphore_mem>>) src(%dma_wait3A_123 : memref<10000x32xf32, #tpu.memory_space<vmem_shared>>) dst(%arg7 : memref<128x32xf32, #tpu.memory_space<vmem>>)
      %add3A_124 = arith.constant 0 : i32
      %add3A_125 = arith.addi %mul3A_118, %add3A_124 : i32
      "tpu.region"() ({
        %run_scoped3A_188 = tpu.sem_alloc : memref<!tpu.dma_semaphore, #tpu.memory_space<semaphore_mem>>
        %dma_start3A_189 = arith.constant 0 : i32
        %dma_start3A_190 = tpu.memref_slice %arg6[%add3A_125, %dma_start3A_189] : memref<79x128xi32, #tpu.memory_space<vmem>> -> memref<1x128xi32, #tpu.memory_space<vmem>>
        %dma_start3A_191 = tpu.memref_squeeze %dma_start3A_190 : memref<1x128xi32, #tpu.memory_space<vmem>> -> memref<128xi32, #tpu.memory_space<vmem>>
        %dma_start3A_192 = arith.constant 0 : i32
        %dma_start3A_193 = arith.constant 0 : i32
        %dma_start3A_194 = tpu.memref_slice %arg12[%dma_start3A_192, %dma_start3A_193] : memref<10240x32xf32, #tpu.memory_space<vmem_shared>> -> memref<10240x32xf32, #tpu.memory_space<vmem_shared>>
        tpu.enqueue_indirect_dma source(%arg7 : memref<128x32xf32, #tpu.memory_space<vmem>>) target(%dma_start3A_194 : memref<10240x32xf32, #tpu.memory_space<vmem_shared>>) offsets(%dma_start3A_191 : memref<128xi32, #tpu.memory_space<vmem>>) semaphore(%run_scoped3A_188 : memref<!tpu.dma_semaphore, #tpu.memory_space<semaphore_mem>>) {add = true}
        %dma_wait3A_195 = arith.constant 0 : i32
        %dma_wait3A_196 = tpu.memref_slice %arg6[%add3A_125, %dma_wait3A_195] : memref<79x128xi32, #tpu.memory_space<vmem>> -> memref<1x128xi32, #tpu.memory_space<vmem>>
        %dma_wait3A_197 = tpu.memref_squeeze %dma_wait3A_196 : memref<1x128xi32, #tpu.memory_space<vmem>> -> memref<128xi32, #tpu.memory_space<vmem>>
        %dma_wait3A_198 = arith.constant 0 : i32
        %dma_wait3A_199 = arith.constant 0 : i32
        %dma_wait3A_200 = tpu.memref_slice %arg12[%dma_wait3A_198, %dma_wait3A_199] : memref<10240x32xf32, #tpu.memory_space<vmem_shared>> -> memref<10240x32xf32, #tpu.memory_space<vmem_shared>>
        tpu.wait_indirect_dma semaphore(%run_scoped3A_188 : memref<!tpu.dma_semaphore, #tpu.memory_space<semaphore_mem>>) src(%arg7 : memref<128x32xf32, #tpu.memory_space<vmem>>) dst(%dma_wait3A_200 : memref<10240x32xf32, #tpu.memory_space<vmem_shared>>)
        tpu.yield
      }) : () -> ()
      %add3A_126 = arith.constant 0 : i32
      %add3A_127 = arith.addi %mul3A_118, %add3A_126 : i32
      %add3A_128 = arith.constant 4 : i32
      %add3A_129 = arith.addi %add3A_127, %add3A_128 : i32
      %mul3A_130 = arith.constant 128 : i32
      %mul3A_131 = arith.muli %add3A_129, %mul3A_130 : i32
      %dma_start3A_132 = tpu.memref_slice %arg5[%mul3A_131] : memref<10112xi32, #tpu.memory_space<vmem>> -> memref<128xi32, #tpu.memory_space<vmem>>
      %dma_start3A_133 = arith.constant 0 : i32
      %dma_start3A_134 = arith.constant 0 : i32
      %dma_start3A_135 = tpu.memref_slice %arg13[%dma_start3A_133, %dma_start3A_134] : memref<10000x32xf32, #tpu.memory_space<vmem_shared>> -> memref<10000x32xf32, #tpu.memory_space<vmem_shared>>
      tpu.enqueue_indirect_dma source(%dma_start3A_135 : memref<10000x32xf32, #tpu.memory_space<vmem_shared>>) target(%arg7 : memref<128x32xf32, #tpu.memory_space<vmem>>) offsets(%dma_start3A_132 : memref<128xi32, #tpu.memory_space<vmem>>) semaphore(%arg14 : memref<!tpu.dma_semaphore, #tpu.memory_space<semaphore_mem>>)
      %dma_wait3A_136 = arith.constant 128 : i32
      %dma_wait3A_137 = tpu.memref_slice %arg5[%dma_wait3A_136] : memref<10112xi32, #tpu.memory_space<vmem>> -> memref<128xi32, #tpu.memory_space<vmem>>
      %dma_wait3A_138 = arith.constant 0 : i32
      %dma_wait3A_139 = arith.constant 0 : i32
      %dma_wait3A_140 = tpu.memref_slice %arg13[%dma_wait3A_138, %dma_wait3A_139] : memref<10000x32xf32, #tpu.memory_space<vmem_shared>> -> memref<10000x32xf32, #tpu.memory_space<vmem_shared>>
      tpu.wait_indirect_dma semaphore(%arg15 : memref<!tpu.dma_semaphore, #tpu.memory_space<semaphore_mem>>) src(%dma_wait3A_140 : memref<10000x32xf32, #tpu.memory_space<vmem_shared>>) dst(%arg8 : memref<128x32xf32, #tpu.memory_space<vmem>>)
      %add3A_141 = arith.constant 1 : i32
      %add3A_142 = arith.addi %mul3A_118, %add3A_141 : i32
      "tpu.region"() ({
        %run_scoped3A_188 = tpu.sem_alloc : memref<!tpu.dma_semaphore, #tpu.memory_space<semaphore_mem>>
        %dma_start3A_189 = arith.constant 0 : i32
        %dma_start3A_190 = tpu.memref_slice %arg6[%add3A_142, %dma_start3A_189] : memref<79x128xi32, #tpu.memory_space<vmem>> -> memref<1x128xi32, #tpu.memory_space<vmem>>
        %dma_start3A_191 = tpu.memref_squeeze %dma_start3A_190 : memref<1x128xi32, #tpu.memory_space<vmem>> -> memref<128xi32, #tpu.memory_space<vmem>>
        %dma_start3A_192 = arith.constant 0 : i32
        %dma_start3A_193 = arith.constant 0 : i32
        %dma_start3A_194 = tpu.memref_slice %arg12[%dma_start3A_192, %dma_start3A_193] : memref<10240x32xf32, #tpu.memory_space<vmem_shared>> -> memref<10240x32xf32, #tpu.memory_space<vmem_shared>>
        tpu.enqueue_indirect_dma source(%arg8 : memref<128x32xf32, #tpu.memory_space<vmem>>) target(%dma_start3A_194 : memref<10240x32xf32, #tpu.memory_space<vmem_shared>>) offsets(%dma_start3A_191 : memref<128xi32, #tpu.memory_space<vmem>>) semaphore(%run_scoped3A_188 : memref<!tpu.dma_semaphore, #tpu.memory_space<semaphore_mem>>) {add = true}
        %dma_wait3A_195 = arith.constant 0 : i32
        %dma_wait3A_196 = tpu.memref_slice %arg6[%add3A_142, %dma_wait3A_195] : memref<79x128xi32, #tpu.memory_space<vmem>> -> memref<1x128xi32, #tpu.memory_space<vmem>>
        %dma_wait3A_197 = tpu.memref_squeeze %dma_wait3A_196 : memref<1x128xi32, #tpu.memory_space<vmem>> -> memref<128xi32, #tpu.memory_space<vmem>>
        %dma_wait3A_198 = arith.constant 0 : i32
        %dma_wait3A_199 = arith.constant 0 : i32
        %dma_wait3A_200 = tpu.memref_slice %arg12[%dma_wait3A_198, %dma_wait3A_199] : memref<10240x32xf32, #tpu.memory_space<vmem_shared>> -> memref<10240x32xf32, #tpu.memory_space<vmem_shared>>
        tpu.wait_indirect_dma semaphore(%run_scoped3A_188 : memref<!tpu.dma_semaphore, #tpu.memory_space<semaphore_mem>>) src(%arg8 : memref<128x32xf32, #tpu.memory_space<vmem>>) dst(%dma_wait3A_200 : memref<10240x32xf32, #tpu.memory_space<vmem_shared>>)
        tpu.yield
      }) : () -> ()
      %add3A_143 = arith.constant 1 : i32
      %add3A_144 = arith.addi %mul3A_118, %add3A_143 : i32
      %add3A_145 = arith.constant 4 : i32
      %add3A_146 = arith.addi %add3A_144, %add3A_145 : i32
      %mul3A_147 = arith.constant 128 : i32
      %mul3A_148 = arith.muli %add3A_146, %mul3A_147 : i32
      %dma_start3A_149 = tpu.memref_slice %arg5[%mul3A_148] : memref<10112xi32, #tpu.memory_space<vmem>> -> memref<128xi32, #tpu.memory_space<vmem>>
      %dma_start3A_150 = arith.constant 0 : i32
      %dma_start3A_151 = arith.constant 0 : i32
      %dma_start3A_152 = tpu.memref_slice %arg13[%dma_start3A_150, %dma_start3A_151] : memref<10000x32xf32, #tpu.memory_space<vmem_shared>> -> memref<10000x32xf32, #tpu.memory_space<vmem_shared>>
      tpu.enqueue_indirect_dma source(%dma_start3A_152 : memref<10000x32xf32, #tpu.memory_space<vmem_shared>>) target(%arg8 : memref<128x32xf32, #tpu.memory_space<vmem>>) offsets(%dma_start3A_149 : memref<128xi32, #tpu.memory_space<vmem>>) semaphore(%arg15 : memref<!tpu.dma_semaphore, #tpu.memory_space<semaphore_mem>>)
      %dma_wait3A_153 = arith.constant 256 : i32
      %dma_wait3A_154 = tpu.memref_slice %arg5[%dma_wait3A_153] : memref<10112xi32, #tpu.memory_space<vmem>> -> memref<128xi32, #tpu.memory_space<vmem>>
      %dma_wait3A_155 = arith.constant 0 : i32
      %dma_wait3A_156 = arith.constant 0 : i32
      %dma_wait3A_157 = tpu.memref_slice %arg13[%dma_wait3A_155, %dma_wait3A_156] : memref<10000x32xf32, #tpu.memory_space<vmem_shared>> -> memref<10000x32xf32, #tpu.memory_space<vmem_shared>>
      tpu.wait_indirect_dma semaphore(%arg16 : memref<!tpu.dma_semaphore, #tpu.memory_space<semaphore_mem>>) src(%dma_wait3A_157 : memref<10000x32xf32, #tpu.memory_space<vmem_shared>>) dst(%arg9 : memref<128x32xf32, #tpu.memory_space<vmem>>)
      %add3A_158 = arith.constant 2 : i32
      %add3A_159 = arith.addi %mul3A_118, %add3A_158 : i32
      "tpu.region"() ({
        %run_scoped3A_188 = tpu.sem_alloc : memref<!tpu.dma_semaphore, #tpu.memory_space<semaphore_mem>>
        %dma_start3A_189 = arith.constant 0 : i32
        %dma_start3A_190 = tpu.memref_slice %arg6[%add3A_159, %dma_start3A_189] : memref<79x128xi32, #tpu.memory_space<vmem>> -> memref<1x128xi32, #tpu.memory_space<vmem>>
        %dma_start3A_191 = tpu.memref_squeeze %dma_start3A_190 : memref<1x128xi32, #tpu.memory_space<vmem>> -> memref<128xi32, #tpu.memory_space<vmem>>
        %dma_start3A_192 = arith.constant 0 : i32
        %dma_start3A_193 = arith.constant 0 : i32
        %dma_start3A_194 = tpu.memref_slice %arg12[%dma_start3A_192, %dma_start3A_193] : memref<10240x32xf32, #tpu.memory_space<vmem_shared>> -> memref<10240x32xf32, #tpu.memory_space<vmem_shared>>
        tpu.enqueue_indirect_dma source(%arg9 : memref<128x32xf32, #tpu.memory_space<vmem>>) target(%dma_start3A_194 : memref<10240x32xf32, #tpu.memory_space<vmem_shared>>) offsets(%dma_start3A_191 : memref<128xi32, #tpu.memory_space<vmem>>) semaphore(%run_scoped3A_188 : memref<!tpu.dma_semaphore, #tpu.memory_space<semaphore_mem>>) {add = true}
        %dma_wait3A_195 = arith.constant 0 : i32
        %dma_wait3A_196 = tpu.memref_slice %arg6[%add3A_159, %dma_wait3A_195] : memref<79x128xi32, #tpu.memory_space<vmem>> -> memref<1x128xi32, #tpu.memory_space<vmem>>
        %dma_wait3A_197 = tpu.memref_squeeze %dma_wait3A_196 : memref<1x128xi32, #tpu.memory_space<vmem>> -> memref<128xi32, #tpu.memory_space<vmem>>
        %dma_wait3A_198 = arith.constant 0 : i32
        %dma_wait3A_199 = arith.constant 0 : i32
        %dma_wait3A_200 = tpu.memref_slice %arg12[%dma_wait3A_198, %dma_wait3A_199] : memref<10240x32xf32, #tpu.memory_space<vmem_shared>> -> memref<10240x32xf32, #tpu.memory_space<vmem_shared>>
        tpu.wait_indirect_dma semaphore(%run_scoped3A_188 : memref<!tpu.dma_semaphore, #tpu.memory_space<semaphore_mem>>) src(%arg9 : memref<128x32xf32, #tpu.memory_space<vmem>>) dst(%dma_wait3A_200 : memref<10240x32xf32, #tpu.memory_space<vmem_shared>>)
        tpu.yield
      }) : () -> ()
      %add3A_160 = arith.constant 2 : i32
      %add3A_161 = arith.addi %mul3A_118, %add3A_160 : i32
      %add3A_162 = arith.constant 4 : i32
      %add3A_163 = arith.addi %add3A_161, %add3A_162 : i32
      %mul3A_164 = arith.constant 128 : i32
      %mul3A_165 = arith.muli %add3A_163, %mul3A_164 : i32
      %dma_start3A_166 = tpu.memref_slice %arg5[%mul3A_165] : memref<10112xi32, #tpu.memory_space<vmem>> -> memref<128xi32, #tpu.memory_space<vmem>>
      %dma_start3A_167 = arith.constant 0 : i32
      %dma_start3A_168 = arith.constant 0 : i32
      %dma_start3A_169 = tpu.memref_slice %arg13[%dma_start3A_167, %dma_start3A_168] : memref<10000x32xf32, #tpu.memory_space<vmem_shared>> -> memref<10000x32xf32, #tpu.memory_space<vmem_shared>>
      tpu.enqueue_indirect_dma source(%dma_start3A_169 : memref<10000x32xf32, #tpu.memory_space<vmem_shared>>) target(%arg9 : memref<128x32xf32, #tpu.memory_space<vmem>>) offsets(%dma_start3A_166 : memref<128xi32, #tpu.memory_space<vmem>>) semaphore(%arg16 : memref<!tpu.dma_semaphore, #tpu.memory_space<semaphore_mem>>)
      %dma_wait3A_170 = arith.constant 384 : i32
      %dma_wait3A_171 = tpu.memref_slice %arg5[%dma_wait3A_170] : memref<10112xi32, #tpu.memory_space<vmem>> -> memref<128xi32, #tpu.memory_space<vmem>>
      %dma_wait3A_172 = arith.constant 0 : i32
      %dma_wait3A_173 = arith.constant 0 : i32
      %dma_wait3A_174 = tpu.memref_slice %arg13[%dma_wait3A_172, %dma_wait3A_173] : memref<10000x32xf32, #tpu.memory_space<vmem_shared>> -> memref<10000x32xf32, #tpu.memory_space<vmem_shared>>
      tpu.wait_indirect_dma semaphore(%arg17 : memref<!tpu.dma_semaphore, #tpu.memory_space<semaphore_mem>>) src(%dma_wait3A_174 : memref<10000x32xf32, #tpu.memory_space<vmem_shared>>) dst(%arg10 : memref<128x32xf32, #tpu.memory_space<vmem>>)
      %add3A_175 = arith.constant 3 : i32
      %add3A_176 = arith.addi %mul3A_118, %add3A_175 : i32
      "tpu.region"() ({
        %run_scoped3A_188 = tpu.sem_alloc : memref<!tpu.dma_semaphore, #tpu.memory_space<semaphore_mem>>
        %dma_start3A_189 = arith.constant 0 : i32
        %dma_start3A_190 = tpu.memref_slice %arg6[%add3A_176, %dma_start3A_189] : memref<79x128xi32, #tpu.memory_space<vmem>> -> memref<1x128xi32, #tpu.memory_space<vmem>>
        %dma_start3A_191 = tpu.memref_squeeze %dma_start3A_190 : memref<1x128xi32, #tpu.memory_space<vmem>> -> memref<128xi32, #tpu.memory_space<vmem>>
        %dma_start3A_192 = arith.constant 0 : i32
        %dma_start3A_193 = arith.constant 0 : i32
        %dma_start3A_194 = tpu.memref_slice %arg12[%dma_start3A_192, %dma_start3A_193] : memref<10240x32xf32, #tpu.memory_space<vmem_shared>> -> memref<10240x32xf32, #tpu.memory_space<vmem_shared>>
        tpu.enqueue_indirect_dma source(%arg10 : memref<128x32xf32, #tpu.memory_space<vmem>>) target(%dma_start3A_194 : memref<10240x32xf32, #tpu.memory_space<vmem_shared>>) offsets(%dma_start3A_191 : memref<128xi32, #tpu.memory_space<vmem>>) semaphore(%run_scoped3A_188 : memref<!tpu.dma_semaphore, #tpu.memory_space<semaphore_mem>>) {add = true}
        %dma_wait3A_195 = arith.constant 0 : i32
        %dma_wait3A_196 = tpu.memref_slice %arg6[%add3A_176, %dma_wait3A_195] : memref<79x128xi32, #tpu.memory_space<vmem>> -> memref<1x128xi32, #tpu.memory_space<vmem>>
        %dma_wait3A_197 = tpu.memref_squeeze %dma_wait3A_196 : memref<1x128xi32, #tpu.memory_space<vmem>> -> memref<128xi32, #tpu.memory_space<vmem>>
        %dma_wait3A_198 = arith.constant 0 : i32
        %dma_wait3A_199 = arith.constant 0 : i32
        %dma_wait3A_200 = tpu.memref_slice %arg12[%dma_wait3A_198, %dma_wait3A_199] : memref<10240x32xf32, #tpu.memory_space<vmem_shared>> -> memref<10240x32xf32, #tpu.memory_space<vmem_shared>>
        tpu.wait_indirect_dma semaphore(%run_scoped3A_188 : memref<!tpu.dma_semaphore, #tpu.memory_space<semaphore_mem>>) src(%arg10 : memref<128x32xf32, #tpu.memory_space<vmem>>) dst(%dma_wait3A_200 : memref<10240x32xf32, #tpu.memory_space<vmem_shared>>)
        tpu.yield
      }) : () -> ()
      %add3A_177 = arith.constant 3 : i32
      %add3A_178 = arith.addi %mul3A_118, %add3A_177 : i32
      %add3A_179 = arith.constant 4 : i32
      %add3A_180 = arith.addi %add3A_178, %add3A_179 : i32
      %mul3A_181 = arith.constant 128 : i32
      %mul3A_182 = arith.muli %add3A_180, %mul3A_181 : i32
      %dma_start3A_183 = tpu.memref_slice %arg5[%mul3A_182] : memref<10112xi32, #tpu.memory_space<vmem>> -> memref<128xi32, #tpu.memory_space<vmem>>
      %dma_start3A_184 = arith.constant 0 : i32
      %dma_start3A_185 = arith.constant 0 : i32
      %dma_start3A_186 = tpu.memref_slice %arg13[%dma_start3A_184, %dma_start3A_185] : memref<10000x32xf32, #tpu.memory_space<vmem_shared>> -> memref<10000x32xf32, #tpu.memory_space<vmem_shared>>
      tpu.enqueue_indirect_dma source(%dma_start3A_186 : memref<10000x32xf32, #tpu.memory_space<vmem_shared>>) target(%arg10 : memref<128x32xf32, #tpu.memory_space<vmem>>) offsets(%dma_start3A_183 : memref<128xi32, #tpu.memory_space<vmem>>) semaphore(%arg17 : memref<!tpu.dma_semaphore, #tpu.memory_space<semaphore_mem>>)
      %scan3A_187 = arith.constant 0 : i32
      scf.yield %scan3A_187 : i32
    }
    %scan3A_78 = arith.constant 18 : i32
    %dma_wait3A = arith.constant 0 : i32
    %dma_wait3A_79 = tpu.memref_slice %arg5[%dma_wait3A] : memref<10112xi32, #tpu.memory_space<vmem>> -> memref<128xi32, #tpu.memory_space<vmem>>
    %dma_wait3A_80 = arith.constant 0 : i32
    %dma_wait3A_81 = arith.constant 0 : i32
    %dma_wait3A_82 = tpu.memref_slice %arg13[%dma_wait3A_80, %dma_wait3A_81] : memref<10000x32xf32, #tpu.memory_space<vmem_shared>> -> memref<10000x32xf32, #tpu.memory_space<vmem_shared>>
    tpu.wait_indirect_dma semaphore(%arg14 : memref<!tpu.dma_semaphore, #tpu.memory_space<semaphore_mem>>) src(%dma_wait3A_82 : memref<10000x32xf32, #tpu.memory_space<vmem_shared>>) dst(%arg7 : memref<128x32xf32, #tpu.memory_space<vmem>>)
    %run_scoped3A_83 = arith.constant 72 : i32
    "tpu.region"() ({
      %run_scoped3A_115 = tpu.sem_alloc : memref<!tpu.dma_semaphore, #tpu.memory_space<semaphore_mem>>
      %dma_start3A_116 = arith.constant 0 : i32
      %dma_start3A_117 = tpu.memref_slice %arg6[%run_scoped3A_83, %dma_start3A_116] : memref<79x128xi32, #tpu.memory_space<vmem>> -> memref<1x128xi32, #tpu.memory_space<vmem>>
      %dma_start3A_118 = tpu.memref_squeeze %dma_start3A_117 : memref<1x128xi32, #tpu.memory_space<vmem>> -> memref<128xi32, #tpu.memory_space<vmem>>
      %dma_start3A_119 = arith.constant 0 : i32
      %dma_start3A_120 = arith.constant 0 : i32
      %dma_start3A_121 = tpu.memref_slice %arg12[%dma_start3A_119, %dma_start3A_120] : memref<10240x32xf32, #tpu.memory_space<vmem_shared>> -> memref<10240x32xf32, #tpu.memory_space<vmem_shared>>
      tpu.enqueue_indirect_dma source(%arg7 : memref<128x32xf32, #tpu.memory_space<vmem>>) target(%dma_start3A_121 : memref<10240x32xf32, #tpu.memory_space<vmem_shared>>) offsets(%dma_start3A_118 : memref<128xi32, #tpu.memory_space<vmem>>) semaphore(%run_scoped3A_115 : memref<!tpu.dma_semaphore, #tpu.memory_space<semaphore_mem>>) {add = true}
      %dma_wait3A_122 = arith.constant 0 : i32
      %dma_wait3A_123 = tpu.memref_slice %arg6[%run_scoped3A_83, %dma_wait3A_122] : memref<79x128xi32, #tpu.memory_space<vmem>> -> memref<1x128xi32, #tpu.memory_space<vmem>>
      %dma_wait3A_124 = tpu.memref_squeeze %dma_wait3A_123 : memref<1x128xi32, #tpu.memory_space<vmem>> -> memref<128xi32, #tpu.memory_space<vmem>>
      %dma_wait3A_125 = arith.constant 0 : i32
      %dma_wait3A_126 = arith.constant 0 : i32
      %dma_wait3A_127 = tpu.memref_slice %arg12[%dma_wait3A_125, %dma_wait3A_126] : memref<10240x32xf32, #tpu.memory_space<vmem_shared>> -> memref<10240x32xf32, #tpu.memory_space<vmem_shared>>
      tpu.wait_indirect_dma semaphore(%run_scoped3A_115 : memref<!tpu.dma_semaphore, #tpu.memory_space<semaphore_mem>>) src(%arg7 : memref<128x32xf32, #tpu.memory_space<vmem>>) dst(%dma_wait3A_127 : memref<10240x32xf32, #tpu.memory_space<vmem_shared>>)
      tpu.yield
    }) : () -> ()
    %dma_wait3A_84 = arith.constant 128 : i32
    %dma_wait3A_85 = tpu.memref_slice %arg5[%dma_wait3A_84] : memref<10112xi32, #tpu.memory_space<vmem>> -> memref<128xi32, #tpu.memory_space<vmem>>
    %dma_wait3A_86 = arith.constant 0 : i32
    %dma_wait3A_87 = arith.constant 0 : i32
    %dma_wait3A_88 = tpu.memref_slice %arg13[%dma_wait3A_86, %dma_wait3A_87] : memref<10000x32xf32, #tpu.memory_space<vmem_shared>> -> memref<10000x32xf32, #tpu.memory_space<vmem_shared>>
    tpu.wait_indirect_dma semaphore(%arg15 : memref<!tpu.dma_semaphore, #tpu.memory_space<semaphore_mem>>) src(%dma_wait3A_88 : memref<10000x32xf32, #tpu.memory_space<vmem_shared>>) dst(%arg8 : memref<128x32xf32, #tpu.memory_space<vmem>>)
    %run_scoped3A_89 = arith.constant 73 : i32
    "tpu.region"() ({
      %run_scoped3A_115 = tpu.sem_alloc : memref<!tpu.dma_semaphore, #tpu.memory_space<semaphore_mem>>
      %dma_start3A_116 = arith.constant 0 : i32
      %dma_start3A_117 = tpu.memref_slice %arg6[%run_scoped3A_89, %dma_start3A_116] : memref<79x128xi32, #tpu.memory_space<vmem>> -> memref<1x128xi32, #tpu.memory_space<vmem>>
      %dma_start3A_118 = tpu.memref_squeeze %dma_start3A_117 : memref<1x128xi32, #tpu.memory_space<vmem>> -> memref<128xi32, #tpu.memory_space<vmem>>
      %dma_start3A_119 = arith.constant 0 : i32
      %dma_start3A_120 = arith.constant 0 : i32
      %dma_start3A_121 = tpu.memref_slice %arg12[%dma_start3A_119, %dma_start3A_120] : memref<10240x32xf32, #tpu.memory_space<vmem_shared>> -> memref<10240x32xf32, #tpu.memory_space<vmem_shared>>
      tpu.enqueue_indirect_dma source(%arg8 : memref<128x32xf32, #tpu.memory_space<vmem>>) target(%dma_start3A_121 : memref<10240x32xf32, #tpu.memory_space<vmem_shared>>) offsets(%dma_start3A_118 : memref<128xi32, #tpu.memory_space<vmem>>) semaphore(%run_scoped3A_115 : memref<!tpu.dma_semaphore, #tpu.memory_space<semaphore_mem>>) {add = true}
      %dma_wait3A_122 = arith.constant 0 : i32
      %dma_wait3A_123 = tpu.memref_slice %arg6[%run_scoped3A_89, %dma_wait3A_122] : memref<79x128xi32, #tpu.memory_space<vmem>> -> memref<1x128xi32, #tpu.memory_space<vmem>>
      %dma_wait3A_124 = tpu.memref_squeeze %dma_wait3A_123 : memref<1x128xi32, #tpu.memory_space<vmem>> -> memref<128xi32, #tpu.memory_space<vmem>>
      %dma_wait3A_125 = arith.constant 0 : i32
      %dma_wait3A_126 = arith.constant 0 : i32
      %dma_wait3A_127 = tpu.memref_slice %arg12[%dma_wait3A_125, %dma_wait3A_126] : memref<10240x32xf32, #tpu.memory_space<vmem_shared>> -> memref<10240x32xf32, #tpu.memory_space<vmem_shared>>
      tpu.wait_indirect_dma semaphore(%run_scoped3A_115 : memref<!tpu.dma_semaphore, #tpu.memory_space<semaphore_mem>>) src(%arg8 : memref<128x32xf32, #tpu.memory_space<vmem>>) dst(%dma_wait3A_127 : memref<10240x32xf32, #tpu.memory_space<vmem_shared>>)
      tpu.yield
    }) : () -> ()
    %dma_wait3A_90 = arith.constant 256 : i32
    %dma_wait3A_91 = tpu.memref_slice %arg5[%dma_wait3A_90] : memref<10112xi32, #tpu.memory_space<vmem>> -> memref<128xi32, #tpu.memory_space<vmem>>
    %dma_wait3A_92 = arith.constant 0 : i32
    %dma_wait3A_93 = arith.constant 0 : i32
    %dma_wait3A_94 = tpu.memref_slice %arg13[%dma_wait3A_92, %dma_wait3A_93] : memref<10000x32xf32, #tpu.memory_space<vmem_shared>> -> memref<10000x32xf32, #tpu.memory_space<vmem_shared>>
    tpu.wait_indirect_dma semaphore(%arg16 : memref<!tpu.dma_semaphore, #tpu.memory_space<semaphore_mem>>) src(%dma_wait3A_94 : memref<10000x32xf32, #tpu.memory_space<vmem_shared>>) dst(%arg9 : memref<128x32xf32, #tpu.memory_space<vmem>>)
    %run_scoped3A_95 = arith.constant 74 : i32
    "tpu.region"() ({
      %run_scoped3A_115 = tpu.sem_alloc : memref<!tpu.dma_semaphore, #tpu.memory_space<semaphore_mem>>
      %dma_start3A_116 = arith.constant 0 : i32
      %dma_start3A_117 = tpu.memref_slice %arg6[%run_scoped3A_95, %dma_start3A_116] : memref<79x128xi32, #tpu.memory_space<vmem>> -> memref<1x128xi32, #tpu.memory_space<vmem>>
      %dma_start3A_118 = tpu.memref_squeeze %dma_start3A_117 : memref<1x128xi32, #tpu.memory_space<vmem>> -> memref<128xi32, #tpu.memory_space<vmem>>
      %dma_start3A_119 = arith.constant 0 : i32
      %dma_start3A_120 = arith.constant 0 : i32
      %dma_start3A_121 = tpu.memref_slice %arg12[%dma_start3A_119, %dma_start3A_120] : memref<10240x32xf32, #tpu.memory_space<vmem_shared>> -> memref<10240x32xf32, #tpu.memory_space<vmem_shared>>
      tpu.enqueue_indirect_dma source(%arg9 : memref<128x32xf32, #tpu.memory_space<vmem>>) target(%dma_start3A_121 : memref<10240x32xf32, #tpu.memory_space<vmem_shared>>) offsets(%dma_start3A_118 : memref<128xi32, #tpu.memory_space<vmem>>) semaphore(%run_scoped3A_115 : memref<!tpu.dma_semaphore, #tpu.memory_space<semaphore_mem>>) {add = true}
      %dma_wait3A_122 = arith.constant 0 : i32
      %dma_wait3A_123 = tpu.memref_slice %arg6[%run_scoped3A_95, %dma_wait3A_122] : memref<79x128xi32, #tpu.memory_space<vmem>> -> memref<1x128xi32, #tpu.memory_space<vmem>>
      %dma_wait3A_124 = tpu.memref_squeeze %dma_wait3A_123 : memref<1x128xi32, #tpu.memory_space<vmem>> -> memref<128xi32, #tpu.memory_space<vmem>>
      %dma_wait3A_125 = arith.constant 0 : i32
      %dma_wait3A_126 = arith.constant 0 : i32
      %dma_wait3A_127 = tpu.memref_slice %arg12[%dma_wait3A_125, %dma_wait3A_126] : memref<10240x32xf32, #tpu.memory_space<vmem_shared>> -> memref<10240x32xf32, #tpu.memory_space<vmem_shared>>
      tpu.wait_indirect_dma semaphore(%run_scoped3A_115 : memref<!tpu.dma_semaphore, #tpu.memory_space<semaphore_mem>>) src(%arg9 : memref<128x32xf32, #tpu.memory_space<vmem>>) dst(%dma_wait3A_127 : memref<10240x32xf32, #tpu.memory_space<vmem_shared>>)
      tpu.yield
    }) : () -> ()
    %dma_wait3A_96 = arith.constant 384 : i32
    %dma_wait3A_97 = tpu.memref_slice %arg5[%dma_wait3A_96] : memref<10112xi32, #tpu.memory_space<vmem>> -> memref<128xi32, #tpu.memory_space<vmem>>
    %dma_wait3A_98 = arith.constant 0 : i32
    %dma_wait3A_99 = arith.constant 0 : i32
    %dma_wait3A_100 = tpu.memref_slice %arg13[%dma_wait3A_98, %dma_wait3A_99] : memref<10000x32xf32, #tpu.memory_space<vmem_shared>> -> memref<10000x32xf32, #tpu.memory_space<vmem_shared>>
    tpu.wait_indirect_dma semaphore(%arg17 : memref<!tpu.dma_semaphore, #tpu.memory_space<semaphore_mem>>) src(%dma_wait3A_100 : memref<10000x32xf32, #tpu.memory_space<vmem_shared>>) dst(%arg10 : memref<128x32xf32, #tpu.memory_space<vmem>>)
    %run_scoped3A_101 = arith.constant 75 : i32
    "tpu.region"() ({
      %run_scoped3A_115 = tpu.sem_alloc : memref<!tpu.dma_semaphore, #tpu.memory_space<semaphore_mem>>
      %dma_start3A_116 = arith.constant 0 : i32
      %dma_start3A_117 = tpu.memref_slice %arg6[%run_scoped3A_101, %dma_start3A_116] : memref<79x128xi32, #tpu.memory_space<vmem>> -> memref<1x128xi32, #tpu.memory_space<vmem>>
      %dma_start3A_118 = tpu.memref_squeeze %dma_start3A_117 : memref<1x128xi32, #tpu.memory_space<vmem>> -> memref<128xi32, #tpu.memory_space<vmem>>
      %dma_start3A_119 = arith.constant 0 : i32
      %dma_start3A_120 = arith.constant 0 : i32
      %dma_start3A_121 = tpu.memref_slice %arg12[%dma_start3A_119, %dma_start3A_120] : memref<10240x32xf32, #tpu.memory_space<vmem_shared>> -> memref<10240x32xf32, #tpu.memory_space<vmem_shared>>
      tpu.enqueue_indirect_dma source(%arg10 : memref<128x32xf32, #tpu.memory_space<vmem>>) target(%dma_start3A_121 : memref<10240x32xf32, #tpu.memory_space<vmem_shared>>) offsets(%dma_start3A_118 : memref<128xi32, #tpu.memory_space<vmem>>) semaphore(%run_scoped3A_115 : memref<!tpu.dma_semaphore, #tpu.memory_space<semaphore_mem>>) {add = true}
      %dma_wait3A_122 = arith.constant 0 : i32
      %dma_wait3A_123 = tpu.memref_slice %arg6[%run_scoped3A_101, %dma_wait3A_122] : memref<79x128xi32, #tpu.memory_space<vmem>> -> memref<1x128xi32, #tpu.memory_space<vmem>>
      %dma_wait3A_124 = tpu.memref_squeeze %dma_wait3A_123 : memref<1x128xi32, #tpu.memory_space<vmem>> -> memref<128xi32, #tpu.memory_space<vmem>>
      %dma_wait3A_125 = arith.constant 0 : i32
      %dma_wait3A_126 = arith.constant 0 : i32
      %dma_wait3A_127 = tpu.memref_slice %arg12[%dma_wait3A_125, %dma_wait3A_126] : memref<10240x32xf32, #tpu.memory_space<vmem_shared>> -> memref<10240x32xf32, #tpu.memory_space<vmem_shared>>
      tpu.wait_indirect_dma semaphore(%run_scoped3A_115 : memref<!tpu.dma_semaphore, #tpu.memory_space<semaphore_mem>>) src(%arg10 : memref<128x32xf32, #tpu.memory_space<vmem>>) dst(%dma_wait3A_127 : memref<10240x32xf32, #tpu.memory_space<vmem_shared>>)
      tpu.yield
    }) : () -> ()
    %while3A_102 = arith.constant 76 : i32
    %while3A_103 = arith.constant 0 : i32
    %while3A_104 = arith.subi %add3A_4, %while3A_102 : i32
    %while3A_105 = arith.addi %while3A_102, %while3A_104 : i32
    %while3A_106 = arith.constant 1 : i32
    %while3A_107 = arith.divsi %while3A_104, %while3A_106 : i32
    %while3A_108 = arith.muli %while3A_107, %while3A_106 : i32
    %while3A_109 = arith.addi %while3A_102, %while3A_108 : i32
    %while3A_110 = arith.constant 1 : i32
    %while3A_111 = scf.for %while3A_115 = %while3A_102 to %while3A_109 step %while3A_110 iter_args(%while3A_116 = %while3A_103) -> (i32)  : i32 {
      %mul3A_117 = arith.constant 128 : i32
      %mul3A_118 = arith.muli %while3A_115, %mul3A_117 : i32
      %dma_start3A_119 = tpu.memref_slice %arg5[%mul3A_118] : memref<10112xi32, #tpu.memory_space<vmem>> -> memref<128xi32, #tpu.memory_space<vmem>>
      %dma_start3A_120 = arith.constant 0 : i32
      %dma_start3A_121 = arith.constant 0 : i32
      %dma_start3A_122 = tpu.memref_slice %arg13[%dma_start3A_120, %dma_start3A_121] : memref<10000x32xf32, #tpu.memory_space<vmem_shared>> -> memref<10000x32xf32, #tpu.memory_space<vmem_shared>>
      tpu.enqueue_indirect_dma source(%dma_start3A_122 : memref<10000x32xf32, #tpu.memory_space<vmem_shared>>) target(%arg7 : memref<128x32xf32, #tpu.memory_space<vmem>>) offsets(%dma_start3A_119 : memref<128xi32, #tpu.memory_space<vmem>>) semaphore(%arg14 : memref<!tpu.dma_semaphore, #tpu.memory_space<semaphore_mem>>)
      %dma_wait3A_123 = tpu.memref_slice %arg5[%mul3A_118] : memref<10112xi32, #tpu.memory_space<vmem>> -> memref<128xi32, #tpu.memory_space<vmem>>
      %dma_wait3A_124 = arith.constant 0 : i32
      %dma_wait3A_125 = arith.constant 0 : i32
      %dma_wait3A_126 = tpu.memref_slice %arg13[%dma_wait3A_124, %dma_wait3A_125] : memref<10000x32xf32, #tpu.memory_space<vmem_shared>> -> memref<10000x32xf32, #tpu.memory_space<vmem_shared>>
      tpu.wait_indirect_dma semaphore(%arg14 : memref<!tpu.dma_semaphore, #tpu.memory_space<semaphore_mem>>) src(%dma_wait3A_126 : memref<10000x32xf32, #tpu.memory_space<vmem_shared>>) dst(%arg7 : memref<128x32xf32, #tpu.memory_space<vmem>>)
      "tpu.region"() ({
        %run_scoped3A_128 = tpu.sem_alloc : memref<!tpu.dma_semaphore, #tpu.memory_space<semaphore_mem>>
        %dma_start3A_129 = arith.constant 0 : i32
        %dma_start3A_130 = tpu.memref_slice %arg6[%while3A_115, %dma_start3A_129] : memref<79x128xi32, #tpu.memory_space<vmem>> -> memref<1x128xi32, #tpu.memory_space<vmem>>
        %dma_start3A_131 = tpu.memref_squeeze %dma_start3A_130 : memref<1x128xi32, #tpu.memory_space<vmem>> -> memref<128xi32, #tpu.memory_space<vmem>>
        %dma_start3A_132 = arith.constant 0 : i32
        %dma_start3A_133 = arith.constant 0 : i32
        %dma_start3A_134 = tpu.memref_slice %arg12[%dma_start3A_132, %dma_start3A_133] : memref<10240x32xf32, #tpu.memory_space<vmem_shared>> -> memref<10240x32xf32, #tpu.memory_space<vmem_shared>>
        tpu.enqueue_indirect_dma source(%arg7 : memref<128x32xf32, #tpu.memory_space<vmem>>) target(%dma_start3A_134 : memref<10240x32xf32, #tpu.memory_space<vmem_shared>>) offsets(%dma_start3A_131 : memref<128xi32, #tpu.memory_space<vmem>>) semaphore(%run_scoped3A_128 : memref<!tpu.dma_semaphore, #tpu.memory_space<semaphore_mem>>) {add = true}
        %dma_wait3A_135 = arith.constant 0 : i32
        %dma_wait3A_136 = tpu.memref_slice %arg6[%while3A_115, %dma_wait3A_135] : memref<79x128xi32, #tpu.memory_space<vmem>> -> memref<1x128xi32, #tpu.memory_space<vmem>>
        %dma_wait3A_137 = tpu.memref_squeeze %dma_wait3A_136 : memref<1x128xi32, #tpu.memory_space<vmem>> -> memref<128xi32, #tpu.memory_space<vmem>>
        %dma_wait3A_138 = arith.constant 0 : i32
        %dma_wait3A_139 = arith.constant 0 : i32
        %dma_wait3A_140 = tpu.memref_slice %arg12[%dma_wait3A_138, %dma_wait3A_139] : memref<10240x32xf32, #tpu.memory_space<vmem_shared>> -> memref<10240x32xf32, #tpu.memory_space<vmem_shared>>
        tpu.wait_indirect_dma semaphore(%run_scoped3A_128 : memref<!tpu.dma_semaphore, #tpu.memory_space<semaphore_mem>>) src(%arg7 : memref<128x32xf32, #tpu.memory_space<vmem>>) dst(%dma_wait3A_140 : memref<10240x32xf32, #tpu.memory_space<vmem_shared>>)
        tpu.yield
      }) : () -> ()
      %while3A_127 = arith.constant 0 : i32
      scf.yield %while3A_127 : i32
    }
    %while3A_112 = arith.constant 1 : i32
    %while3A_113 = scf.for %while3A_115 = %while3A_109 to %while3A_105 step %while3A_112 iter_args(%while3A_116 = %while3A_111) -> (i32)  : i32 {
      %mul3A_117 = arith.constant 128 : i32
      %mul3A_118 = arith.muli %while3A_115, %mul3A_117 : i32
      %dma_start3A_119 = tpu.memref_slice %arg5[%mul3A_118] : memref<10112xi32, #tpu.memory_space<vmem>> -> memref<128xi32, #tpu.memory_space<vmem>>
      %dma_start3A_120 = arith.constant 0 : i32
      %dma_start3A_121 = arith.constant 0 : i32
      %dma_start3A_122 = tpu.memref_slice %arg13[%dma_start3A_120, %dma_start3A_121] : memref<10000x32xf32, #tpu.memory_space<vmem_shared>> -> memref<10000x32xf32, #tpu.memory_space<vmem_shared>>
      tpu.enqueue_indirect_dma source(%dma_start3A_122 : memref<10000x32xf32, #tpu.memory_space<vmem_shared>>) target(%arg7 : memref<128x32xf32, #tpu.memory_space<vmem>>) offsets(%dma_start3A_119 : memref<128xi32, #tpu.memory_space<vmem>>) semaphore(%arg14 : memref<!tpu.dma_semaphore, #tpu.memory_space<semaphore_mem>>)
      %dma_wait3A_123 = tpu.memref_slice %arg5[%mul3A_118] : memref<10112xi32, #tpu.memory_space<vmem>> -> memref<128xi32, #tpu.memory_space<vmem>>
      %dma_wait3A_124 = arith.constant 0 : i32
      %dma_wait3A_125 = arith.constant 0 : i32
      %dma_wait3A_126 = tpu.memref_slice %arg13[%dma_wait3A_124, %dma_wait3A_125] : memref<10000x32xf32, #tpu.memory_space<vmem_shared>> -> memref<10000x32xf32, #tpu.memory_space<vmem_shared>>
      tpu.wait_indirect_dma semaphore(%arg14 : memref<!tpu.dma_semaphore, #tpu.memory_space<semaphore_mem>>) src(%dma_wait3A_126 : memref<10000x32xf32, #tpu.memory_space<vmem_shared>>) dst(%arg7 : memref<128x32xf32, #tpu.memory_space<vmem>>)
      "tpu.region"() ({
        %run_scoped3A_128 = tpu.sem_alloc : memref<!tpu.dma_semaphore, #tpu.memory_space<semaphore_mem>>
        %dma_start3A_129 = arith.constant 0 : i32
        %dma_start3A_130 = tpu.memref_slice %arg6[%while3A_115, %dma_start3A_129] : memref<79x128xi32, #tpu.memory_space<vmem>> -> memref<1x128xi32, #tpu.memory_space<vmem>>
        %dma_start3A_131 = tpu.memref_squeeze %dma_start3A_130 : memref<1x128xi32, #tpu.memory_space<vmem>> -> memref<128xi32, #tpu.memory_space<vmem>>
        %dma_start3A_132 = arith.constant 0 : i32
        %dma_start3A_133 = arith.constant 0 : i32
        %dma_start3A_134 = tpu.memref_slice %arg12[%dma_start3A_132, %dma_start3A_133] : memref<10240x32xf32, #tpu.memory_space<vmem_shared>> -> memref<10240x32xf32, #tpu.memory_space<vmem_shared>>
        tpu.enqueue_indirect_dma source(%arg7 : memref<128x32xf32, #tpu.memory_space<vmem>>) target(%dma_start3A_134 : memref<10240x32xf32, #tpu.memory_space<vmem_shared>>) offsets(%dma_start3A_131 : memref<128xi32, #tpu.memory_space<vmem>>) semaphore(%run_scoped3A_128 : memref<!tpu.dma_semaphore, #tpu.memory_space<semaphore_mem>>) {add = true}
        %dma_wait3A_135 = arith.constant 0 : i32
        %dma_wait3A_136 = tpu.memref_slice %arg6[%while3A_115, %dma_wait3A_135] : memref<79x128xi32, #tpu.memory_space<vmem>> -> memref<1x128xi32, #tpu.memory_space<vmem>>
        %dma_wait3A_137 = tpu.memref_squeeze %dma_wait3A_136 : memref<1x128xi32, #tpu.memory_space<vmem>> -> memref<128xi32, #tpu.memory_space<vmem>>
        %dma_wait3A_138 = arith.constant 0 : i32
        %dma_wait3A_139 = arith.constant 0 : i32
        %dma_wait3A_140 = tpu.memref_slice %arg12[%dma_wait3A_138, %dma_wait3A_139] : memref<10240x32xf32, #tpu.memory_space<vmem_shared>> -> memref<10240x32xf32, #tpu.memory_space<vmem_shared>>
        tpu.wait_indirect_dma semaphore(%run_scoped3A_128 : memref<!tpu.dma_semaphore, #tpu.memory_space<semaphore_mem>>) src(%arg7 : memref<128x32xf32, #tpu.memory_space<vmem>>) dst(%dma_wait3A_140 : memref<10240x32xf32, #tpu.memory_space<vmem_shared>>)
        tpu.yield
      }) : () -> ()
      %while3A_127 = arith.constant 0 : i32
      scf.yield %while3A_127 : i32
    }
    %barrier3A_114 = arith.constant 0 : index
    tpu.barrier barrier_id(%barrier3A_114)
    "tpu.region"() ({
      %run_scoped3A_115 = tpu.sem_alloc : memref<!tpu.dma_semaphore, #tpu.memory_space<semaphore_mem>>
      %dma_start3A_116 = arith.constant 0 : i32
      %dma_start3A_117 = tpu.memref_slice %arg12[%mul3A_19, %dma_start3A_116] : memref<10240x32xf32, #tpu.memory_space<vmem_shared>> -> memref<640x32xf32, #tpu.memory_space<vmem_shared>>
      %dma_start3A_118 = arith.constant 0 : i32
      %dma_start3A_119 = tpu.memref_slice %arg12[%mul3A_19, %dma_start3A_118] : memref<10240x32xf32, #tpu.memory_space<vmem_shared>> -> memref<640x32xf32, #tpu.memory_space<vmem_shared>>
      tpu.enqueue_dma source(%dma_start3A_119 : memref<640x32xf32, #tpu.memory_space<vmem_shared>>) target(%arg11 : memref<640x32xf32, #tpu.memory_space<vmem>>) target_semaphore(%run_scoped3A_115 : memref<!tpu.dma_semaphore, #tpu.memory_space<semaphore_mem>>)
      %dma_wait3A_120 = arith.constant 0 : i32
      %dma_wait3A_121 = tpu.memref_slice %arg12[%mul3A_19, %dma_wait3A_120] : memref<10240x32xf32, #tpu.memory_space<vmem_shared>> -> memref<640x32xf32, #tpu.memory_space<vmem_shared>>
      %dma_wait3A_122 = arith.constant 0 : i32
      %dma_wait3A_123 = tpu.memref_slice %arg12[%mul3A_19, %dma_wait3A_122] : memref<10240x32xf32, #tpu.memory_space<vmem_shared>> -> memref<640x32xf32, #tpu.memory_space<vmem_shared>>
      tpu.wait_dma2 semaphore(%run_scoped3A_115 : memref<!tpu.dma_semaphore, #tpu.memory_space<semaphore_mem>>) src(%dma_wait3A_123 : memref<640x32xf32, #tpu.memory_space<vmem_shared>>) dst(%arg11 : memref<640x32xf32, #tpu.memory_space<vmem>>)
      tpu.yield
    }) : () -> ()
    "tpu.region"() ({
      %run_scoped3A_115 = tpu.sem_alloc : memref<!tpu.dma_semaphore, #tpu.memory_space<semaphore_mem>>
      %dma_start3A_116 = arith.constant 0 : i32
      %dma_start3A_117 = arith.constant 0 : i32
      %dma_start3A_118 = tpu.memref_slice %arg4[%arg0, %dma_start3A_116, %dma_start3A_117] : memref<2x10240x32xf32, #tpu.memory_space<hbm>> -> memref<1x10240x32xf32, #tpu.memory_space<hbm>>
      %dma_start3A_119 = tpu.memref_squeeze %dma_start3A_118 : memref<1x10240x32xf32, #tpu.memory_space<hbm>> -> memref<10240x32xf32, #tpu.memory_space<hbm>>
      %dma_start3A_120 = arith.constant 0 : i32
      %dma_start3A_121 = tpu.memref_slice %dma_start3A_119[%mul3A_19, %dma_start3A_120] : memref<10240x32xf32, #tpu.memory_space<hbm>> -> memref<640x32xf32, #tpu.memory_space<hbm>>
      %dma_start3A_122 = arith.constant 0 : i32
      %dma_start3A_123 = arith.constant 0 : i32
      %dma_start3A_124 = tpu.memref_slice %arg4[%arg0, %dma_start3A_122, %dma_start3A_123] : memref<2x10240x32xf32, #tpu.memory_space<hbm>> -> memref<1x10240x32xf32, #tpu.memory_space<hbm>>
      %dma_start3A_125 = tpu.memref_squeeze %dma_start3A_124 : memref<1x10240x32xf32, #tpu.memory_space<hbm>> -> memref<10240x32xf32, #tpu.memory_space<hbm>>
      %dma_start3A_126 = arith.constant 0 : i32
      %dma_start3A_127 = tpu.memref_slice %dma_start3A_125[%mul3A_19, %dma_start3A_126] : memref<10240x32xf32, #tpu.memory_space<hbm>> -> memref<640x32xf32, #tpu.memory_space<hbm>>
      tpu.enqueue_dma source(%arg11 : memref<640x32xf32, #tpu.memory_space<vmem>>) target(%dma_start3A_127 : memref<640x32xf32, #tpu.memory_space<hbm>>) target_semaphore(%run_scoped3A_115 : memref<!tpu.dma_semaphore, #tpu.memory_space<semaphore_mem>>)
      %dma_wait3A_128 = arith.constant 0 : i32
      %dma_wait3A_129 = arith.constant 0 : i32
      %dma_wait3A_130 = tpu.memref_slice %arg4[%arg0, %dma_wait3A_128, %dma_wait3A_129] : memref<2x10240x32xf32, #tpu.memory_space<hbm>> -> memref<1x10240x32xf32, #tpu.memory_space<hbm>>
      %dma_wait3A_131 = tpu.memref_squeeze %dma_wait3A_130 : memref<1x10240x32xf32, #tpu.memory_space<hbm>> -> memref<10240x32xf32, #tpu.memory_space<hbm>>
      %dma_wait3A_132 = arith.constant 0 : i32
      %dma_wait3A_133 = tpu.memref_slice %dma_wait3A_131[%mul3A_19, %dma_wait3A_132] : memref<10240x32xf32, #tpu.memory_space<hbm>> -> memref<640x32xf32, #tpu.memory_space<hbm>>
      %dma_wait3A_134 = arith.constant 0 : i32
      %dma_wait3A_135 = arith.constant 0 : i32
      %dma_wait3A_136 = tpu.memref_slice %arg4[%arg0, %dma_wait3A_134, %dma_wait3A_135] : memref<2x10240x32xf32, #tpu.memory_space<hbm>> -> memref<1x10240x32xf32, #tpu.memory_space<hbm>>
      %dma_wait3A_137 = tpu.memref_squeeze %dma_wait3A_136 : memref<1x10240x32xf32, #tpu.memory_space<hbm>> -> memref<10240x32xf32, #tpu.memory_space<hbm>>
      %dma_wait3A_138 = arith.constant 0 : i32
      %dma_wait3A_139 = tpu.memref_slice %dma_wait3A_137[%mul3A_19, %dma_wait3A_138] : memref<10240x32xf32, #tpu.memory_space<hbm>> -> memref<640x32xf32, #tpu.memory_space<hbm>>
      tpu.wait_dma2 semaphore(%run_scoped3A_115 : memref<!tpu.dma_semaphore, #tpu.memory_space<semaphore_mem>>) src(%arg11 : memref<640x32xf32, #tpu.memory_space<vmem>>) dst(%dma_wait3A_139 : memref<640x32xf32, #tpu.memory_space<hbm>>)
      tpu.yield
    }) : () -> ()
    return
  }
}

#map = affine_map<(d0, d1) -> (0, 0)>
#map1 = affine_map<(d0, d1) -> (0, 0, 0)>
module attributes {stable_mosaic.version = 14 : i64} {
  func.func @_agg_body(%arg0: i32, %arg1: i32, %arg2: memref<10240x32xf32, #tpu.memory_space<hbm>>, %arg3: memref<2x320000xi32, #tpu.memory_space<hbm>>, %arg4: memref<2x10240x32xf32, #tpu.memory_space<hbm>>, %arg5: memref<10112xi32, #tpu.memory_space<vmem>>, %arg6: memref<79x128xi32, #tpu.memory_space<vmem>>, %arg7: memref<128x32xf32, #tpu.memory_space<vmem>>, %arg8: memref<128x32xf32, #tpu.memory_space<vmem>>, %arg9: memref<128x32xf32, #tpu.memory_space<vmem>>, %arg10: memref<128x32xf32, #tpu.memory_space<vmem>>, %arg11: memref<640x32xf32, #tpu.memory_space<vmem>>, %arg12: memref<10240x32xf32, #tpu.memory_space<vmem_shared>>, %arg13: memref<10240x32xf32, #tpu.memory_space<vmem_shared>>, %arg14: memref<!tpu.dma_semaphore, #tpu.memory_space<semaphore_mem>>, %arg15: memref<!tpu.dma_semaphore, #tpu.memory_space<semaphore_mem>>, %arg16: memref<!tpu.dma_semaphore, #tpu.memory_space<semaphore_mem>>, %arg17: memref<!tpu.dma_semaphore, #tpu.memory_space<semaphore_mem>>, %arg18: memref<!tpu.dma_semaphore, #tpu.memory_space<semaphore_mem>>) attributes {dimension_semantics = [#tpu.dimension_semantics<core_parallel>, #tpu.dimension_semantics<subcore_parallel>], iteration_bounds = array<i64: 2, 16>, scalar_prefetch = 0 : i64, scratch_operands = 14 : i64, tpu.core_type = #tpu.core_type<sc_vector_subcore>, window_params = [{transform_indices = #map}, {transform_indices = #map}, {transform_indices = #map1}]} {
    %mul3A = arith.constant 2 : i32
    %mul3A_0 = arith.muli %arg1, %mul3A : i32
    %add3A = arith.addi %mul3A_0, %arg0 : i32
    %lt3A = arith.constant 4 : i32
    %lt3A_1 = arith.cmpi slt, %add3A, %lt3A : i32
    %jit3A = arith.constant 1 : i32
    %jit3A_2 = arith.constant 0 : i32
    %select_n3A = arith.select %lt3A_1, %jit3A, %jit3A_2 : i32
    %add3A_3 = arith.constant 78 : i32
    %add3A_4 = arith.addi %add3A_3, %select_n3A : i32
    %mul3A_5 = arith.constant 78 : i32
    %mul3A_6 = arith.muli %add3A, %mul3A_5 : i32
    %min3A = arith.constant 4 : i32
    %min3A_7 = arith.minsi %add3A, %min3A : i32
    %add3A_8 = arith.addi %mul3A_6, %min3A_7 : i32
    %mul3A_9 = arith.constant 640 : i32
    %mul3A_10 = arith.muli %arg1, %mul3A_9 : i32
    "tpu.region"() ({
      %run_scoped3A_115 = tpu.sem_alloc : memref<!tpu.dma_semaphore, #tpu.memory_space<semaphore_mem>>
      %dma_start3A_116 = arith.constant 0 : i32
      %dma_start3A_117 = tpu.memref_slice %arg13[%mul3A_10, %dma_start3A_116] : memref<10240x32xf32, #tpu.memory_space<vmem_shared>> -> memref<640x32xf32, #tpu.memory_space<vmem_shared>>
      %dma_start3A_118 = arith.constant 0 : i32
      %dma_start3A_119 = tpu.memref_slice %arg2[%mul3A_10, %dma_start3A_118] : memref<10240x32xf32, #tpu.memory_space<hbm>> -> memref<640x32xf32, #tpu.memory_space<hbm>>
      tpu.enqueue_dma source(%dma_start3A_119 : memref<640x32xf32, #tpu.memory_space<hbm>>) target(%dma_start3A_117 : memref<640x32xf32, #tpu.memory_space<vmem_shared>>) target_semaphore(%run_scoped3A_115 : memref<!tpu.dma_semaphore, #tpu.memory_space<semaphore_mem>>)
      %dma_wait3A_120 = arith.constant 0 : i32
      %dma_wait3A_121 = tpu.memref_slice %arg13[%mul3A_10, %dma_wait3A_120] : memref<10240x32xf32, #tpu.memory_space<vmem_shared>> -> memref<640x32xf32, #tpu.memory_space<vmem_shared>>
      %dma_wait3A_122 = arith.constant 0 : i32
      %dma_wait3A_123 = tpu.memref_slice %arg2[%mul3A_10, %dma_wait3A_122] : memref<10240x32xf32, #tpu.memory_space<hbm>> -> memref<640x32xf32, #tpu.memory_space<hbm>>
      tpu.wait_dma2 semaphore(%run_scoped3A_115 : memref<!tpu.dma_semaphore, #tpu.memory_space<semaphore_mem>>) src(%dma_wait3A_123 : memref<640x32xf32, #tpu.memory_space<hbm>>) dst(%dma_wait3A_121 : memref<640x32xf32, #tpu.memory_space<vmem_shared>>)
      tpu.yield
    }) : () -> ()
    %broadcast_in_dim3A = arith.constant 0.000000e+00 : f32
    %broadcast_in_dim3A_11 = vector.broadcast %broadcast_in_dim3A : f32 to vector<16xf32>
    %scan3A = arith.constant 0 : i32
    %scan3A_12 = arith.constant 0 : i32
    %scan3A_13 = arith.constant 640 : i32
    %scan3A_14 = arith.addi %scan3A_12, %scan3A_13 : i32
    %scan3A_15 = arith.constant 1 : i32
    %scan3A_16 = scf.for %scan3A_115 = %scan3A_12 to %scan3A_14 step %scan3A_15 iter_args(%scan3A_116 = %scan3A) -> (i32)  : i32 {
      %swap3A = arith.index_cast %scan3A_115 : i32 to index
      %swap3A_117 = arith.constant 0 : index
      %swap3A_118 = tpu.vector_load %arg11[%swap3A, %swap3A_117] {strides = array<i32>} : memref<640x32xf32, #tpu.memory_space<vmem>>, vector<1x16xf32>,
      %swap3A_119 = vector.shape_cast %swap3A_118 : vector<1x16xf32> to vector<16xf32>
      %swap3A_120 = vector.shape_cast %broadcast_in_dim3A_11 : vector<16xf32> to vector<1x16xf32>
      tpu.vector_store %arg11[%swap3A, %swap3A_117], %swap3A_120 {strides = array<i32>} : memref<640x32xf32, #tpu.memory_space<vmem>>, vector<1x16xf32>,
      %swap3A_121 = arith.index_cast %scan3A_115 : i32 to index
      %swap3A_122 = arith.constant 16 : index
      %swap3A_123 = tpu.vector_load %arg11[%swap3A_121, %swap3A_122] {strides = array<i32>} : memref<640x32xf32, #tpu.memory_space<vmem>>, vector<1x16xf32>,
      %swap3A_124 = vector.shape_cast %swap3A_123 : vector<1x16xf32> to vector<16xf32>
      %swap3A_125 = vector.shape_cast %broadcast_in_dim3A_11 : vector<16xf32> to vector<1x16xf32>
      tpu.vector_store %arg11[%swap3A_121, %swap3A_122], %swap3A_125 {strides = array<i32>} : memref<640x32xf32, #tpu.memory_space<vmem>>, vector<1x16xf32>,
      %scan3A_126 = arith.constant 0 : i32
      scf.yield %scan3A_126 : i32
    }
    %scan3A_17 = arith.constant 640 : i32
    %mul3A_18 = arith.constant 640 : i32
    %mul3A_19 = arith.muli %arg1, %mul3A_18 : i32
    "tpu.region"() ({
      %run_scoped3A_115 = tpu.sem_alloc : memref<!tpu.dma_semaphore, #tpu.memory_space<semaphore_mem>>
      %dma_start3A_116 = arith.constant 0 : i32
      %dma_start3A_117 = tpu.memref_slice %arg12[%mul3A_19, %dma_start3A_116] : memref<10240x32xf32, #tpu.memory_space<vmem_shared>> -> memref<640x32xf32, #tpu.memory_space<vmem_shared>>
      %dma_start3A_118 = arith.constant 0 : i32
      %dma_start3A_119 = tpu.memref_slice %arg12[%mul3A_19, %dma_start3A_118] : memref<10240x32xf32, #tpu.memory_space<vmem_shared>> -> memref<640x32xf32, #tpu.memory_space<vmem_shared>>
      tpu.enqueue_dma source(%arg11 : memref<640x32xf32, #tpu.memory_space<vmem>>) target(%dma_start3A_119 : memref<640x32xf32, #tpu.memory_space<vmem_shared>>) target_semaphore(%run_scoped3A_115 : memref<!tpu.dma_semaphore, #tpu.memory_space<semaphore_mem>>)
      %dma_wait3A_120 = arith.constant 0 : i32
      %dma_wait3A_121 = tpu.memref_slice %arg12[%mul3A_19, %dma_wait3A_120] : memref<10240x32xf32, #tpu.memory_space<vmem_shared>> -> memref<640x32xf32, #tpu.memory_space<vmem_shared>>
      %dma_wait3A_122 = arith.constant 0 : i32
      %dma_wait3A_123 = tpu.memref_slice %arg12[%mul3A_19, %dma_wait3A_122] : memref<10240x32xf32, #tpu.memory_space<vmem_shared>> -> memref<640x32xf32, #tpu.memory_space<vmem_shared>>
      tpu.wait_dma2 semaphore(%run_scoped3A_115 : memref<!tpu.dma_semaphore, #tpu.memory_space<semaphore_mem>>) src(%arg11 : memref<640x32xf32, #tpu.memory_space<vmem>>) dst(%dma_wait3A_123 : memref<640x32xf32, #tpu.memory_space<vmem_shared>>)
      tpu.yield
    }) : () -> ()
    %barrier3A = arith.constant 0 : index
    tpu.barrier barrier_id(%barrier3A)
    %eq3A = arith.constant 0 : i32
    %eq3A_20 = arith.cmpi eq, %arg0, %eq3A : i32
    %convert_element_type3A = arith.extui %eq3A_20 : i1 to i32
    %cond3A = arith.constant 0 : i32
    %cond3A_21 = arith.cmpi ne, %convert_element_type3A, %cond3A : i32
    scf.if %cond3A_21 {
      "tpu.region"() ({
        %run_scoped3A_115 = tpu.sem_alloc : memref<!tpu.dma_semaphore, #tpu.memory_space<semaphore_mem>>
        %dma_start3A_116 = arith.constant 0 : i32
        %dma_start3A_117 = tpu.memref_slice %arg12[%mul3A_10, %dma_start3A_116] : memref<10240x32xf32, #tpu.memory_space<vmem_shared>> -> memref<640x32xf32, #tpu.memory_space<vmem_shared>>
        %dma_start3A_118 = arith.constant 0 : i32
        %dma_start3A_119 = tpu.memref_slice %arg2[%mul3A_10, %dma_start3A_118] : memref<10240x32xf32, #tpu.memory_space<hbm>> -> memref<640x32xf32, #tpu.memory_space<hbm>>
        tpu.enqueue_dma source(%dma_start3A_119 : memref<640x32xf32, #tpu.memory_space<hbm>>) target(%dma_start3A_117 : memref<640x32xf32, #tpu.memory_space<vmem_shared>>) target_semaphore(%run_scoped3A_115 : memref<!tpu.dma_semaphore, #tpu.memory_space<semaphore_mem>>)
        %dma_wait3A_120 = arith.constant 0 : i32
        %dma_wait3A_121 = tpu.memref_slice %arg12[%mul3A_10, %dma_wait3A_120] : memref<10240x32xf32, #tpu.memory_space<vmem_shared>> -> memref<640x32xf32, #tpu.memory_space<vmem_shared>>
        %dma_wait3A_122 = arith.constant 0 : i32
        %dma_wait3A_123 = tpu.memref_slice %arg2[%mul3A_10, %dma_wait3A_122] : memref<10240x32xf32, #tpu.memory_space<hbm>> -> memref<640x32xf32, #tpu.memory_space<hbm>>
        tpu.wait_dma2 semaphore(%run_scoped3A_115 : memref<!tpu.dma_semaphore, #tpu.memory_space<semaphore_mem>>) src(%dma_wait3A_123 : memref<640x32xf32, #tpu.memory_space<hbm>>) dst(%dma_wait3A_121 : memref<640x32xf32, #tpu.memory_space<vmem_shared>>)
        tpu.yield
      }) : () -> ()
    } else {
    }
    %mul3A_22 = arith.constant 128 : i32
    %mul3A_23 = arith.muli %add3A_8, %mul3A_22 : i32
    %run_scoped3A = arith.constant 0 : i32
    "tpu.region"() ({
      %run_scoped3A_115 = tpu.sem_alloc : memref<!tpu.dma_semaphore, #tpu.memory_space<semaphore_mem>>
      %dma_start3A_116 = arith.constant 0 : i32
      %dma_start3A_117 = tpu.memref_slice %arg5[%dma_start3A_116] : memref<10112xi32, #tpu.memory_space<vmem>> -> memref<9984xi32, #tpu.memory_space<vmem>>
      %dma_start3A_118 = tpu.memref_slice %arg3[%run_scoped3A, %mul3A_23] : memref<2x320000xi32, #tpu.memory_space<hbm>> -> memref<1x9984xi32, #tpu.memory_space<hbm>>
      %dma_start3A_119 = tpu.memref_squeeze %dma_start3A_118 : memref<1x9984xi32, #tpu.memory_space<hbm>> -> memref<9984xi32, #tpu.memory_space<hbm>>
      %dma_start3A_120 = arith.constant 0 : i32
      %dma_start3A_121 = tpu.memref_slice %arg5[%dma_start3A_120] : memref<10112xi32, #tpu.memory_space<vmem>> -> memref<9984xi32, #tpu.memory_space<vmem>>
      %dma_start3A_122 = tpu.memref_slice %arg3[%run_scoped3A, %mul3A_23] : memref<2x320000xi32, #tpu.memory_space<hbm>> -> memref<1x9984xi32, #tpu.memory_space<hbm>>
      %dma_start3A_123 = tpu.memref_squeeze %dma_start3A_122 : memref<1x9984xi32, #tpu.memory_space<hbm>> -> memref<9984xi32, #tpu.memory_space<hbm>>
      tpu.enqueue_dma source(%dma_start3A_123 : memref<9984xi32, #tpu.memory_space<hbm>>) target(%dma_start3A_121 : memref<9984xi32, #tpu.memory_space<vmem>>) target_semaphore(%run_scoped3A_115 : memref<!tpu.dma_semaphore, #tpu.memory_space<semaphore_mem>>)
      %dma_wait3A_124 = arith.constant 0 : i32
      %dma_wait3A_125 = tpu.memref_slice %arg5[%dma_wait3A_124] : memref<10112xi32, #tpu.memory_space<vmem>> -> memref<9984xi32, #tpu.memory_space<vmem>>
      %dma_wait3A_126 = tpu.memref_slice %arg3[%run_scoped3A, %mul3A_23] : memref<2x320000xi32, #tpu.memory_space<hbm>> -> memref<1x9984xi32, #tpu.memory_space<hbm>>
      %dma_wait3A_127 = tpu.memref_squeeze %dma_wait3A_126 : memref<1x9984xi32, #tpu.memory_space<hbm>> -> memref<9984xi32, #tpu.memory_space<hbm>>
      %dma_wait3A_128 = arith.constant 0 : i32
      %dma_wait3A_129 = tpu.memref_slice %arg5[%dma_wait3A_128] : memref<10112xi32, #tpu.memory_space<vmem>> -> memref<9984xi32, #tpu.memory_space<vmem>>
      %dma_wait3A_130 = tpu.memref_slice %arg3[%run_scoped3A, %mul3A_23] : memref<2x320000xi32, #tpu.memory_space<hbm>> -> memref<1x9984xi32, #tpu.memory_space<hbm>>
      %dma_wait3A_131 = tpu.memref_squeeze %dma_wait3A_130 : memref<1x9984xi32, #tpu.memory_space<hbm>> -> memref<9984xi32, #tpu.memory_space<hbm>>
      tpu.wait_dma2 semaphore(%run_scoped3A_115 : memref<!tpu.dma_semaphore, #tpu.memory_space<semaphore_mem>>) src(%dma_wait3A_131 : memref<9984xi32, #tpu.memory_space<hbm>>) dst(%dma_wait3A_129 : memref<9984xi32, #tpu.memory_space<vmem>>)
      tpu.yield
    }) : () -> ()
    %lt3A_24 = arith.constant 4 : i32
    %lt3A_25 = arith.cmpi slt, %add3A, %lt3A_24 : i32
    %convert_element_type3A_26 = arith.extui %lt3A_25 : i1 to i32
    %cond3A_27 = arith.constant 0 : i32
    %cond3A_28 = arith.cmpi ne, %convert_element_type3A_26, %cond3A_27 : i32
    scf.if %cond3A_28 {
      %add3A_115 = arith.constant 9984 : i32
      %add3A_116 = arith.addi %mul3A_23, %add3A_115 : i32
      %run_scoped3A_117 = arith.constant 0 : i32
      "tpu.region"() ({
        %run_scoped3A_118 = tpu.sem_alloc : memref<!tpu.dma_semaphore, #tpu.memory_space<semaphore_mem>>
        %dma_start3A_119 = arith.constant 9984 : i32
        %dma_start3A_120 = tpu.memref_slice %arg5[%dma_start3A_119] : memref<10112xi32, #tpu.memory_space<vmem>> -> memref<128xi32, #tpu.memory_space<vmem>>
        %dma_start3A_121 = tpu.memref_slice %arg3[%run_scoped3A_117, %add3A_116] : memref<2x320000xi32, #tpu.memory_space<hbm>> -> memref<1x128xi32, #tpu.memory_space<hbm>>
        %dma_start3A_122 = tpu.memref_squeeze %dma_start3A_121 : memref<1x128xi32, #tpu.memory_space<hbm>> -> memref<128xi32, #tpu.memory_space<hbm>>
        %dma_start3A_123 = arith.constant 9984 : i32
        %dma_start3A_124 = tpu.memref_slice %arg5[%dma_start3A_123] : memref<10112xi32, #tpu.memory_space<vmem>> -> memref<128xi32, #tpu.memory_space<vmem>>
        %dma_start3A_125 = tpu.memref_slice %arg3[%run_scoped3A_117, %add3A_116] : memref<2x320000xi32, #tpu.memory_space<hbm>> -> memref<1x128xi32, #tpu.memory_space<hbm>>
        %dma_start3A_126 = tpu.memref_squeeze %dma_start3A_125 : memref<1x128xi32, #tpu.memory_space<hbm>> -> memref<128xi32, #tpu.memory_space<hbm>>
        tpu.enqueue_dma source(%dma_start3A_126 : memref<128xi32, #tpu.memory_space<hbm>>) target(%dma_start3A_124 : memref<128xi32, #tpu.memory_space<vmem>>) target_semaphore(%run_scoped3A_118 : memref<!tpu.dma_semaphore, #tpu.memory_space<semaphore_mem>>)
        %dma_wait3A_127 = arith.constant 9984 : i32
        %dma_wait3A_128 = tpu.memref_slice %arg5[%dma_wait3A_127] : memref<10112xi32, #tpu.memory_space<vmem>> -> memref<128xi32, #tpu.memory_space<vmem>>
        %dma_wait3A_129 = tpu.memref_slice %arg3[%run_scoped3A_117, %add3A_116] : memref<2x320000xi32, #tpu.memory_space<hbm>> -> memref<1x128xi32, #tpu.memory_space<hbm>>
        %dma_wait3A_130 = tpu.memref_squeeze %dma_wait3A_129 : memref<1x128xi32, #tpu.memory_space<hbm>> -> memref<128xi32, #tpu.memory_space<hbm>>
        %dma_wait3A_131 = arith.constant 9984 : i32
        %dma_wait3A_132 = tpu.memref_slice %arg5[%dma_wait3A_131] : memref<10112xi32, #tpu.memory_space<vmem>> -> memref<128xi32, #tpu.memory_space<vmem>>
        %dma_wait3A_133 = tpu.memref_slice %arg3[%run_scoped3A_117, %add3A_116] : memref<2x320000xi32, #tpu.memory_space<hbm>> -> memref<1x128xi32, #tpu.memory_space<hbm>>
        %dma_wait3A_134 = tpu.memref_squeeze %dma_wait3A_133 : memref<1x128xi32, #tpu.memory_space<hbm>> -> memref<128xi32, #tpu.memory_space<hbm>>
        tpu.wait_dma2 semaphore(%run_scoped3A_118 : memref<!tpu.dma_semaphore, #tpu.memory_space<semaphore_mem>>) src(%dma_wait3A_134 : memref<128xi32, #tpu.memory_space<hbm>>) dst(%dma_wait3A_132 : memref<128xi32, #tpu.memory_space<vmem>>)
        tpu.yield
      }) : () -> ()
    } else {
    }
    %while3A = arith.constant 0 : i32
    %while3A_29 = arith.constant 0 : i32
    %while3A_30 = arith.subi %add3A_4, %while3A : i32
    %while3A_31 = arith.addi %while3A, %while3A_30 : i32
    %while3A_32 = arith.constant 1 : i32
    %while3A_33 = arith.divsi %while3A_30, %while3A_32 : i32
    %while3A_34 = arith.muli %while3A_33, %while3A_32 : i32
    %while3A_35 = arith.addi %while3A, %while3A_34 : i32
    %while3A_36 = arith.constant 1 : i32
    %while3A_37 = scf.for %while3A_115 = %while3A to %while3A_35 step %while3A_36 iter_args(%while3A_116 = %while3A_29) -> (i32)  : i32 {
      %mul3A_117 = arith.constant 128 : i32
      %mul3A_118 = arith.muli %while3A_115, %mul3A_117 : i32
      %add3A_119 = arith.addi %mul3A_23, %mul3A_118 : i32
      %dma_start3A_120 = arith.constant 1 : i32
      %dma_start3A_121 = arith.constant 0 : i32
      %dma_start3A_122 = tpu.memref_slice %arg6[%while3A_115, %dma_start3A_121] : memref<79x128xi32, #tpu.memory_space<vmem>> -> memref<1x128xi32, #tpu.memory_space<vmem>>
      %dma_start3A_123 = tpu.memref_squeeze %dma_start3A_122 : memref<1x128xi32, #tpu.memory_space<vmem>> -> memref<128xi32, #tpu.memory_space<vmem>>
      %dma_start3A_124 = tpu.memref_slice %arg3[%dma_start3A_120, %add3A_119] : memref<2x320000xi32, #tpu.memory_space<hbm>> -> memref<1x128xi32, #tpu.memory_space<hbm>>
      %dma_start3A_125 = tpu.memref_squeeze %dma_start3A_124 : memref<1x128xi32, #tpu.memory_space<hbm>> -> memref<128xi32, #tpu.memory_space<hbm>>
      %dma_start3A_126 = arith.constant 0 : i32
      %dma_start3A_127 = tpu.memref_slice %arg6[%while3A_115, %dma_start3A_126] : memref<79x128xi32, #tpu.memory_space<vmem>> -> memref<1x128xi32, #tpu.memory_space<vmem>>
      %dma_start3A_128 = tpu.memref_squeeze %dma_start3A_127 : memref<1x128xi32, #tpu.memory_space<vmem>> -> memref<128xi32, #tpu.memory_space<vmem>>
      %dma_start3A_129 = tpu.memref_slice %arg3[%dma_start3A_120, %add3A_119] : memref<2x320000xi32, #tpu.memory_space<hbm>> -> memref<1x128xi32, #tpu.memory_space<hbm>>
      %dma_start3A_130 = tpu.memref_squeeze %dma_start3A_129 : memref<1x128xi32, #tpu.memory_space<hbm>> -> memref<128xi32, #tpu.memory_space<hbm>>
      tpu.enqueue_dma source(%dma_start3A_130 : memref<128xi32, #tpu.memory_space<hbm>>) target(%dma_start3A_128 : memref<128xi32, #tpu.memory_space<vmem>>) target_semaphore(%arg18 : memref<!tpu.dma_semaphore, #tpu.memory_space<semaphore_mem>>)
      %while3A_131 = arith.constant 0 : i32
      scf.yield %while3A_131 : i32
    }
    %while3A_38 = arith.constant 1 : i32
    %while3A_39 = scf.for %while3A_115 = %while3A_35 to %while3A_31 step %while3A_38 iter_args(%while3A_116 = %while3A_37) -> (i32)  : i32 {
      %mul3A_117 = arith.constant 128 : i32
      %mul3A_118 = arith.muli %while3A_115, %mul3A_117 : i32
      %add3A_119 = arith.addi %mul3A_23, %mul3A_118 : i32
      %dma_start3A_120 = arith.constant 1 : i32
      %dma_start3A_121 = arith.constant 0 : i32
      %dma_start3A_122 = tpu.memref_slice %arg6[%while3A_115, %dma_start3A_121] : memref<79x128xi32, #tpu.memory_space<vmem>> -> memref<1x128xi32, #tpu.memory_space<vmem>>
      %dma_start3A_123 = tpu.memref_squeeze %dma_start3A_122 : memref<1x128xi32, #tpu.memory_space<vmem>> -> memref<128xi32, #tpu.memory_space<vmem>>
      %dma_start3A_124 = tpu.memref_slice %arg3[%dma_start3A_120, %add3A_119] : memref<2x320000xi32, #tpu.memory_space<hbm>> -> memref<1x128xi32, #tpu.memory_space<hbm>>
      %dma_start3A_125 = tpu.memref_squeeze %dma_start3A_124 : memref<1x128xi32, #tpu.memory_space<hbm>> -> memref<128xi32, #tpu.memory_space<hbm>>
      %dma_start3A_126 = arith.constant 0 : i32
      %dma_start3A_127 = tpu.memref_slice %arg6[%while3A_115, %dma_start3A_126] : memref<79x128xi32, #tpu.memory_space<vmem>> -> memref<1x128xi32, #tpu.memory_space<vmem>>
      %dma_start3A_128 = tpu.memref_squeeze %dma_start3A_127 : memref<1x128xi32, #tpu.memory_space<vmem>> -> memref<128xi32, #tpu.memory_space<vmem>>
      %dma_start3A_129 = tpu.memref_slice %arg3[%dma_start3A_120, %add3A_119] : memref<2x320000xi32, #tpu.memory_space<hbm>> -> memref<1x128xi32, #tpu.memory_space<hbm>>
      %dma_start3A_130 = tpu.memref_squeeze %dma_start3A_129 : memref<1x128xi32, #tpu.memory_space<hbm>> -> memref<128xi32, #tpu.memory_space<hbm>>
      tpu.enqueue_dma source(%dma_start3A_130 : memref<128xi32, #tpu.memory_space<hbm>>) target(%dma_start3A_128 : memref<128xi32, #tpu.memory_space<vmem>>) target_semaphore(%arg18 : memref<!tpu.dma_semaphore, #tpu.memory_space<semaphore_mem>>)
      %while3A_131 = arith.constant 0 : i32
      scf.yield %while3A_131 : i32
    }
    %while3A_40 = arith.constant 0 : i32
    %while3A_41 = arith.constant 0 : i32
    %while3A_42 = arith.subi %add3A_4, %while3A_40 : i32
    %while3A_43 = arith.addi %while3A_40, %while3A_42 : i32
    %while3A_44 = arith.constant 1 : i32
    %while3A_45 = arith.divsi %while3A_42, %while3A_44 : i32
    %while3A_46 = arith.muli %while3A_45, %while3A_44 : i32
    %while3A_47 = arith.addi %while3A_40, %while3A_46 : i32
    %while3A_48 = arith.constant 1 : i32
    %while3A_49 = scf.for %while3A_115 = %while3A_40 to %while3A_47 step %while3A_48 iter_args(%while3A_116 = %while3A_41) -> (i32)  : i32 {
      %dma_wait3A_117 = arith.constant 1 : i32
      %dma_wait3A_118 = arith.constant 0 : i32
      %dma_wait3A_119 = arith.constant 0 : i32
      %dma_wait3A_120 = tpu.memref_slice %arg6[%dma_wait3A_118, %dma_wait3A_119] : memref<79x128xi32, #tpu.memory_space<vmem>> -> memref<1x128xi32, #tpu.memory_space<vmem>>
      %dma_wait3A_121 = tpu.memref_squeeze %dma_wait3A_120 : memref<1x128xi32, #tpu.memory_space<vmem>> -> memref<128xi32, #tpu.memory_space<vmem>>
      %dma_wait3A_122 = arith.constant 0 : i32
      %dma_wait3A_123 = tpu.memref_slice %arg3[%dma_wait3A_117, %dma_wait3A_122] : memref<2x320000xi32, #tpu.memory_space<hbm>> -> memref<1x128xi32, #tpu.memory_space<hbm>>
      %dma_wait3A_124 = tpu.memref_squeeze %dma_wait3A_123 : memref<1x128xi32, #tpu.memory_space<hbm>> -> memref<128xi32, #tpu.memory_space<hbm>>
      %dma_wait3A_125 = arith.constant 0 : i32
      %dma_wait3A_126 = tpu.memref_slice %arg6[%dma_wait3A_118, %dma_wait3A_125] : memref<79x128xi32, #tpu.memory_space<vmem>> -> memref<1x128xi32, #tpu.memory_space<vmem>>
      %dma_wait3A_127 = tpu.memref_squeeze %dma_wait3A_126 : memref<1x128xi32, #tpu.memory_space<vmem>> -> memref<128xi32, #tpu.memory_space<vmem>>
      %dma_wait3A_128 = arith.constant 0 : i32
      %dma_wait3A_129 = tpu.memref_slice %arg3[%dma_wait3A_117, %dma_wait3A_128] : memref<2x320000xi32, #tpu.memory_space<hbm>> -> memref<1x128xi32, #tpu.memory_space<hbm>>
      %dma_wait3A_130 = tpu.memref_squeeze %dma_wait3A_129 : memref<1x128xi32, #tpu.memory_space<hbm>> -> memref<128xi32, #tpu.memory_space<hbm>>
      tpu.wait_dma2 semaphore(%arg18 : memref<!tpu.dma_semaphore, #tpu.memory_space<semaphore_mem>>) src(%dma_wait3A_130 : memref<128xi32, #tpu.memory_space<hbm>>) dst(%dma_wait3A_127 : memref<128xi32, #tpu.memory_space<vmem>>)
      %while3A_131 = arith.constant 0 : i32
      scf.yield %while3A_131 : i32
    }
    %while3A_50 = arith.constant 1 : i32
    %while3A_51 = scf.for %while3A_115 = %while3A_47 to %while3A_43 step %while3A_50 iter_args(%while3A_116 = %while3A_49) -> (i32)  : i32 {
      %dma_wait3A_117 = arith.constant 1 : i32
      %dma_wait3A_118 = arith.constant 0 : i32
      %dma_wait3A_119 = arith.constant 0 : i32
      %dma_wait3A_120 = tpu.memref_slice %arg6[%dma_wait3A_118, %dma_wait3A_119] : memref<79x128xi32, #tpu.memory_space<vmem>> -> memref<1x128xi32, #tpu.memory_space<vmem>>
      %dma_wait3A_121 = tpu.memref_squeeze %dma_wait3A_120 : memref<1x128xi32, #tpu.memory_space<vmem>> -> memref<128xi32, #tpu.memory_space<vmem>>
      %dma_wait3A_122 = arith.constant 0 : i32
      %dma_wait3A_123 = tpu.memref_slice %arg3[%dma_wait3A_117, %dma_wait3A_122] : memref<2x320000xi32, #tpu.memory_space<hbm>> -> memref<1x128xi32, #tpu.memory_space<hbm>>
      %dma_wait3A_124 = tpu.memref_squeeze %dma_wait3A_123 : memref<1x128xi32, #tpu.memory_space<hbm>> -> memref<128xi32, #tpu.memory_space<hbm>>
      %dma_wait3A_125 = arith.constant 0 : i32
      %dma_wait3A_126 = tpu.memref_slice %arg6[%dma_wait3A_118, %dma_wait3A_125] : memref<79x128xi32, #tpu.memory_space<vmem>> -> memref<1x128xi32, #tpu.memory_space<vmem>>
      %dma_wait3A_127 = tpu.memref_squeeze %dma_wait3A_126 : memref<1x128xi32, #tpu.memory_space<vmem>> -> memref<128xi32, #tpu.memory_space<vmem>>
      %dma_wait3A_128 = arith.constant 0 : i32
      %dma_wait3A_129 = tpu.memref_slice %arg3[%dma_wait3A_117, %dma_wait3A_128] : memref<2x320000xi32, #tpu.memory_space<hbm>> -> memref<1x128xi32, #tpu.memory_space<hbm>>
      %dma_wait3A_130 = tpu.memref_squeeze %dma_wait3A_129 : memref<1x128xi32, #tpu.memory_space<hbm>> -> memref<128xi32, #tpu.memory_space<hbm>>
      tpu.wait_dma2 semaphore(%arg18 : memref<!tpu.dma_semaphore, #tpu.memory_space<semaphore_mem>>) src(%dma_wait3A_130 : memref<128xi32, #tpu.memory_space<hbm>>) dst(%dma_wait3A_127 : memref<128xi32, #tpu.memory_space<vmem>>)
      %while3A_131 = arith.constant 0 : i32
      scf.yield %while3A_131 : i32
    }
    %barrier3A_52 = arith.constant 0 : index
    tpu.barrier barrier_id(%barrier3A_52)
    %dma_start3A = arith.constant 0 : i32
    %dma_start3A_53 = tpu.memref_slice %arg5[%dma_start3A] : memref<10112xi32, #tpu.memory_space<vmem>> -> memref<128xi32, #tpu.memory_space<vmem>>
    %dma_start3A_54 = arith.constant 0 : i32
    %dma_start3A_55 = arith.constant 0 : i32
    %dma_start3A_56 = tpu.memref_slice %arg13[%dma_start3A_54, %dma_start3A_55] : memref<10240x32xf32, #tpu.memory_space<vmem_shared>> -> memref<10240x32xf32, #tpu.memory_space<vmem_shared>>
    tpu.enqueue_indirect_dma source(%dma_start3A_56 : memref<10240x32xf32, #tpu.memory_space<vmem_shared>>) target(%arg7 : memref<128x32xf32, #tpu.memory_space<vmem>>) offsets(%dma_start3A_53 : memref<128xi32, #tpu.memory_space<vmem>>) semaphore(%arg14 : memref<!tpu.dma_semaphore, #tpu.memory_space<semaphore_mem>>)
    %dma_start3A_57 = arith.constant 128 : i32
    %dma_start3A_58 = tpu.memref_slice %arg5[%dma_start3A_57] : memref<10112xi32, #tpu.memory_space<vmem>> -> memref<128xi32, #tpu.memory_space<vmem>>
    %dma_start3A_59 = arith.constant 0 : i32
    %dma_start3A_60 = arith.constant 0 : i32
    %dma_start3A_61 = tpu.memref_slice %arg13[%dma_start3A_59, %dma_start3A_60] : memref<10240x32xf32, #tpu.memory_space<vmem_shared>> -> memref<10240x32xf32, #tpu.memory_space<vmem_shared>>
    tpu.enqueue_indirect_dma source(%dma_start3A_61 : memref<10240x32xf32, #tpu.memory_space<vmem_shared>>) target(%arg8 : memref<128x32xf32, #tpu.memory_space<vmem>>) offsets(%dma_start3A_58 : memref<128xi32, #tpu.memory_space<vmem>>) semaphore(%arg15 : memref<!tpu.dma_semaphore, #tpu.memory_space<semaphore_mem>>)
    %dma_start3A_62 = arith.constant 256 : i32
    %dma_start3A_63 = tpu.memref_slice %arg5[%dma_start3A_62] : memref<10112xi32, #tpu.memory_space<vmem>> -> memref<128xi32, #tpu.memory_space<vmem>>
    %dma_start3A_64 = arith.constant 0 : i32
    %dma_start3A_65 = arith.constant 0 : i32
    %dma_start3A_66 = tpu.memref_slice %arg13[%dma_start3A_64, %dma_start3A_65] : memref<10240x32xf32, #tpu.memory_space<vmem_shared>> -> memref<10240x32xf32, #tpu.memory_space<vmem_shared>>
    tpu.enqueue_indirect_dma source(%dma_start3A_66 : memref<10240x32xf32, #tpu.memory_space<vmem_shared>>) target(%arg9 : memref<128x32xf32, #tpu.memory_space<vmem>>) offsets(%dma_start3A_63 : memref<128xi32, #tpu.memory_space<vmem>>) semaphore(%arg16 : memref<!tpu.dma_semaphore, #tpu.memory_space<semaphore_mem>>)
    %dma_start3A_67 = arith.constant 384 : i32
    %dma_start3A_68 = tpu.memref_slice %arg5[%dma_start3A_67] : memref<10112xi32, #tpu.memory_space<vmem>> -> memref<128xi32, #tpu.memory_space<vmem>>
    %dma_start3A_69 = arith.constant 0 : i32
    %dma_start3A_70 = arith.constant 0 : i32
    %dma_start3A_71 = tpu.memref_slice %arg13[%dma_start3A_69, %dma_start3A_70] : memref<10240x32xf32, #tpu.memory_space<vmem_shared>> -> memref<10240x32xf32, #tpu.memory_space<vmem_shared>>
    tpu.enqueue_indirect_dma source(%dma_start3A_71 : memref<10240x32xf32, #tpu.memory_space<vmem_shared>>) target(%arg10 : memref<128x32xf32, #tpu.memory_space<vmem>>) offsets(%dma_start3A_68 : memref<128xi32, #tpu.memory_space<vmem>>) semaphore(%arg17 : memref<!tpu.dma_semaphore, #tpu.memory_space<semaphore_mem>>)
    %scan3A_72 = arith.constant 0 : i32
    %scan3A_73 = arith.constant 0 : i32
    %scan3A_74 = arith.constant 18 : i32
    %scan3A_75 = arith.addi %scan3A_73, %scan3A_74 : i32
    %scan3A_76 = arith.constant 1 : i32
    %scan3A_77 = scf.for %scan3A_115 = %scan3A_73 to %scan3A_75 step %scan3A_76 iter_args(%scan3A_116 = %scan3A_72) -> (i32)  : i32 {
      %mul3A_117 = arith.constant 4 : i32
      %mul3A_118 = arith.muli %scan3A_115, %mul3A_117 : i32
      %dma_wait3A_119 = arith.constant 0 : i32
      %dma_wait3A_120 = tpu.memref_slice %arg5[%dma_wait3A_119] : memref<10112xi32, #tpu.memory_space<vmem>> -> memref<128xi32, #tpu.memory_space<vmem>>
      %dma_wait3A_121 = arith.constant 0 : i32
      %dma_wait3A_122 = arith.constant 0 : i32
      %dma_wait3A_123 = tpu.memref_slice %arg13[%dma_wait3A_121, %dma_wait3A_122] : memref<10240x32xf32, #tpu.memory_space<vmem_shared>> -> memref<10240x32xf32, #tpu.memory_space<vmem_shared>>
      tpu.wait_indirect_dma semaphore(%arg14 : memref<!tpu.dma_semaphore, #tpu.memory_space<semaphore_mem>>) src(%dma_wait3A_123 : memref<10240x32xf32, #tpu.memory_space<vmem_shared>>) dst(%arg7 : memref<128x32xf32, #tpu.memory_space<vmem>>)
      %add3A_124 = arith.constant 0 : i32
      %add3A_125 = arith.addi %mul3A_118, %add3A_124 : i32
      "tpu.region"() ({
        %run_scoped3A_188 = tpu.sem_alloc : memref<!tpu.dma_semaphore, #tpu.memory_space<semaphore_mem>>
        %dma_start3A_189 = arith.constant 0 : i32
        %dma_start3A_190 = tpu.memref_slice %arg6[%add3A_125, %dma_start3A_189] : memref<79x128xi32, #tpu.memory_space<vmem>> -> memref<1x128xi32, #tpu.memory_space<vmem>>
        %dma_start3A_191 = tpu.memref_squeeze %dma_start3A_190 : memref<1x128xi32, #tpu.memory_space<vmem>> -> memref<128xi32, #tpu.memory_space<vmem>>
        %dma_start3A_192 = arith.constant 0 : i32
        %dma_start3A_193 = arith.constant 0 : i32
        %dma_start3A_194 = tpu.memref_slice %arg12[%dma_start3A_192, %dma_start3A_193] : memref<10240x32xf32, #tpu.memory_space<vmem_shared>> -> memref<10240x32xf32, #tpu.memory_space<vmem_shared>>
        tpu.enqueue_indirect_dma source(%arg7 : memref<128x32xf32, #tpu.memory_space<vmem>>) target(%dma_start3A_194 : memref<10240x32xf32, #tpu.memory_space<vmem_shared>>) offsets(%dma_start3A_191 : memref<128xi32, #tpu.memory_space<vmem>>) semaphore(%run_scoped3A_188 : memref<!tpu.dma_semaphore, #tpu.memory_space<semaphore_mem>>) {add = true}
        %dma_wait3A_195 = arith.constant 0 : i32
        %dma_wait3A_196 = tpu.memref_slice %arg6[%add3A_125, %dma_wait3A_195] : memref<79x128xi32, #tpu.memory_space<vmem>> -> memref<1x128xi32, #tpu.memory_space<vmem>>
        %dma_wait3A_197 = tpu.memref_squeeze %dma_wait3A_196 : memref<1x128xi32, #tpu.memory_space<vmem>> -> memref<128xi32, #tpu.memory_space<vmem>>
        %dma_wait3A_198 = arith.constant 0 : i32
        %dma_wait3A_199 = arith.constant 0 : i32
        %dma_wait3A_200 = tpu.memref_slice %arg12[%dma_wait3A_198, %dma_wait3A_199] : memref<10240x32xf32, #tpu.memory_space<vmem_shared>> -> memref<10240x32xf32, #tpu.memory_space<vmem_shared>>
        tpu.wait_indirect_dma semaphore(%run_scoped3A_188 : memref<!tpu.dma_semaphore, #tpu.memory_space<semaphore_mem>>) src(%arg7 : memref<128x32xf32, #tpu.memory_space<vmem>>) dst(%dma_wait3A_200 : memref<10240x32xf32, #tpu.memory_space<vmem_shared>>)
        tpu.yield
      }) : () -> ()
      %add3A_126 = arith.constant 0 : i32
      %add3A_127 = arith.addi %mul3A_118, %add3A_126 : i32
      %add3A_128 = arith.constant 4 : i32
      %add3A_129 = arith.addi %add3A_127, %add3A_128 : i32
      %mul3A_130 = arith.constant 128 : i32
      %mul3A_131 = arith.muli %add3A_129, %mul3A_130 : i32
      %dma_start3A_132 = tpu.memref_slice %arg5[%mul3A_131] : memref<10112xi32, #tpu.memory_space<vmem>> -> memref<128xi32, #tpu.memory_space<vmem>>
      %dma_start3A_133 = arith.constant 0 : i32
      %dma_start3A_134 = arith.constant 0 : i32
      %dma_start3A_135 = tpu.memref_slice %arg13[%dma_start3A_133, %dma_start3A_134] : memref<10240x32xf32, #tpu.memory_space<vmem_shared>> -> memref<10240x32xf32, #tpu.memory_space<vmem_shared>>
      tpu.enqueue_indirect_dma source(%dma_start3A_135 : memref<10240x32xf32, #tpu.memory_space<vmem_shared>>) target(%arg7 : memref<128x32xf32, #tpu.memory_space<vmem>>) offsets(%dma_start3A_132 : memref<128xi32, #tpu.memory_space<vmem>>) semaphore(%arg14 : memref<!tpu.dma_semaphore, #tpu.memory_space<semaphore_mem>>)
      %dma_wait3A_136 = arith.constant 128 : i32
      %dma_wait3A_137 = tpu.memref_slice %arg5[%dma_wait3A_136] : memref<10112xi32, #tpu.memory_space<vmem>> -> memref<128xi32, #tpu.memory_space<vmem>>
      %dma_wait3A_138 = arith.constant 0 : i32
      %dma_wait3A_139 = arith.constant 0 : i32
      %dma_wait3A_140 = tpu.memref_slice %arg13[%dma_wait3A_138, %dma_wait3A_139] : memref<10240x32xf32, #tpu.memory_space<vmem_shared>> -> memref<10240x32xf32, #tpu.memory_space<vmem_shared>>
      tpu.wait_indirect_dma semaphore(%arg15 : memref<!tpu.dma_semaphore, #tpu.memory_space<semaphore_mem>>) src(%dma_wait3A_140 : memref<10240x32xf32, #tpu.memory_space<vmem_shared>>) dst(%arg8 : memref<128x32xf32, #tpu.memory_space<vmem>>)
      %add3A_141 = arith.constant 1 : i32
      %add3A_142 = arith.addi %mul3A_118, %add3A_141 : i32
      "tpu.region"() ({
        %run_scoped3A_188 = tpu.sem_alloc : memref<!tpu.dma_semaphore, #tpu.memory_space<semaphore_mem>>
        %dma_start3A_189 = arith.constant 0 : i32
        %dma_start3A_190 = tpu.memref_slice %arg6[%add3A_142, %dma_start3A_189] : memref<79x128xi32, #tpu.memory_space<vmem>> -> memref<1x128xi32, #tpu.memory_space<vmem>>
        %dma_start3A_191 = tpu.memref_squeeze %dma_start3A_190 : memref<1x128xi32, #tpu.memory_space<vmem>> -> memref<128xi32, #tpu.memory_space<vmem>>
        %dma_start3A_192 = arith.constant 0 : i32
        %dma_start3A_193 = arith.constant 0 : i32
        %dma_start3A_194 = tpu.memref_slice %arg12[%dma_start3A_192, %dma_start3A_193] : memref<10240x32xf32, #tpu.memory_space<vmem_shared>> -> memref<10240x32xf32, #tpu.memory_space<vmem_shared>>
        tpu.enqueue_indirect_dma source(%arg8 : memref<128x32xf32, #tpu.memory_space<vmem>>) target(%dma_start3A_194 : memref<10240x32xf32, #tpu.memory_space<vmem_shared>>) offsets(%dma_start3A_191 : memref<128xi32, #tpu.memory_space<vmem>>) semaphore(%run_scoped3A_188 : memref<!tpu.dma_semaphore, #tpu.memory_space<semaphore_mem>>) {add = true}
        %dma_wait3A_195 = arith.constant 0 : i32
        %dma_wait3A_196 = tpu.memref_slice %arg6[%add3A_142, %dma_wait3A_195] : memref<79x128xi32, #tpu.memory_space<vmem>> -> memref<1x128xi32, #tpu.memory_space<vmem>>
        %dma_wait3A_197 = tpu.memref_squeeze %dma_wait3A_196 : memref<1x128xi32, #tpu.memory_space<vmem>> -> memref<128xi32, #tpu.memory_space<vmem>>
        %dma_wait3A_198 = arith.constant 0 : i32
        %dma_wait3A_199 = arith.constant 0 : i32
        %dma_wait3A_200 = tpu.memref_slice %arg12[%dma_wait3A_198, %dma_wait3A_199] : memref<10240x32xf32, #tpu.memory_space<vmem_shared>> -> memref<10240x32xf32, #tpu.memory_space<vmem_shared>>
        tpu.wait_indirect_dma semaphore(%run_scoped3A_188 : memref<!tpu.dma_semaphore, #tpu.memory_space<semaphore_mem>>) src(%arg8 : memref<128x32xf32, #tpu.memory_space<vmem>>) dst(%dma_wait3A_200 : memref<10240x32xf32, #tpu.memory_space<vmem_shared>>)
        tpu.yield
      }) : () -> ()
      %add3A_143 = arith.constant 1 : i32
      %add3A_144 = arith.addi %mul3A_118, %add3A_143 : i32
      %add3A_145 = arith.constant 4 : i32
      %add3A_146 = arith.addi %add3A_144, %add3A_145 : i32
      %mul3A_147 = arith.constant 128 : i32
      %mul3A_148 = arith.muli %add3A_146, %mul3A_147 : i32
      %dma_start3A_149 = tpu.memref_slice %arg5[%mul3A_148] : memref<10112xi32, #tpu.memory_space<vmem>> -> memref<128xi32, #tpu.memory_space<vmem>>
      %dma_start3A_150 = arith.constant 0 : i32
      %dma_start3A_151 = arith.constant 0 : i32
      %dma_start3A_152 = tpu.memref_slice %arg13[%dma_start3A_150, %dma_start3A_151] : memref<10240x32xf32, #tpu.memory_space<vmem_shared>> -> memref<10240x32xf32, #tpu.memory_space<vmem_shared>>
      tpu.enqueue_indirect_dma source(%dma_start3A_152 : memref<10240x32xf32, #tpu.memory_space<vmem_shared>>) target(%arg8 : memref<128x32xf32, #tpu.memory_space<vmem>>) offsets(%dma_start3A_149 : memref<128xi32, #tpu.memory_space<vmem>>) semaphore(%arg15 : memref<!tpu.dma_semaphore, #tpu.memory_space<semaphore_mem>>)
      %dma_wait3A_153 = arith.constant 256 : i32
      %dma_wait3A_154 = tpu.memref_slice %arg5[%dma_wait3A_153] : memref<10112xi32, #tpu.memory_space<vmem>> -> memref<128xi32, #tpu.memory_space<vmem>>
      %dma_wait3A_155 = arith.constant 0 : i32
      %dma_wait3A_156 = arith.constant 0 : i32
      %dma_wait3A_157 = tpu.memref_slice %arg13[%dma_wait3A_155, %dma_wait3A_156] : memref<10240x32xf32, #tpu.memory_space<vmem_shared>> -> memref<10240x32xf32, #tpu.memory_space<vmem_shared>>
      tpu.wait_indirect_dma semaphore(%arg16 : memref<!tpu.dma_semaphore, #tpu.memory_space<semaphore_mem>>) src(%dma_wait3A_157 : memref<10240x32xf32, #tpu.memory_space<vmem_shared>>) dst(%arg9 : memref<128x32xf32, #tpu.memory_space<vmem>>)
      %add3A_158 = arith.constant 2 : i32
      %add3A_159 = arith.addi %mul3A_118, %add3A_158 : i32
      "tpu.region"() ({
        %run_scoped3A_188 = tpu.sem_alloc : memref<!tpu.dma_semaphore, #tpu.memory_space<semaphore_mem>>
        %dma_start3A_189 = arith.constant 0 : i32
        %dma_start3A_190 = tpu.memref_slice %arg6[%add3A_159, %dma_start3A_189] : memref<79x128xi32, #tpu.memory_space<vmem>> -> memref<1x128xi32, #tpu.memory_space<vmem>>
        %dma_start3A_191 = tpu.memref_squeeze %dma_start3A_190 : memref<1x128xi32, #tpu.memory_space<vmem>> -> memref<128xi32, #tpu.memory_space<vmem>>
        %dma_start3A_192 = arith.constant 0 : i32
        %dma_start3A_193 = arith.constant 0 : i32
        %dma_start3A_194 = tpu.memref_slice %arg12[%dma_start3A_192, %dma_start3A_193] : memref<10240x32xf32, #tpu.memory_space<vmem_shared>> -> memref<10240x32xf32, #tpu.memory_space<vmem_shared>>
        tpu.enqueue_indirect_dma source(%arg9 : memref<128x32xf32, #tpu.memory_space<vmem>>) target(%dma_start3A_194 : memref<10240x32xf32, #tpu.memory_space<vmem_shared>>) offsets(%dma_start3A_191 : memref<128xi32, #tpu.memory_space<vmem>>) semaphore(%run_scoped3A_188 : memref<!tpu.dma_semaphore, #tpu.memory_space<semaphore_mem>>) {add = true}
        %dma_wait3A_195 = arith.constant 0 : i32
        %dma_wait3A_196 = tpu.memref_slice %arg6[%add3A_159, %dma_wait3A_195] : memref<79x128xi32, #tpu.memory_space<vmem>> -> memref<1x128xi32, #tpu.memory_space<vmem>>
        %dma_wait3A_197 = tpu.memref_squeeze %dma_wait3A_196 : memref<1x128xi32, #tpu.memory_space<vmem>> -> memref<128xi32, #tpu.memory_space<vmem>>
        %dma_wait3A_198 = arith.constant 0 : i32
        %dma_wait3A_199 = arith.constant 0 : i32
        %dma_wait3A_200 = tpu.memref_slice %arg12[%dma_wait3A_198, %dma_wait3A_199] : memref<10240x32xf32, #tpu.memory_space<vmem_shared>> -> memref<10240x32xf32, #tpu.memory_space<vmem_shared>>
        tpu.wait_indirect_dma semaphore(%run_scoped3A_188 : memref<!tpu.dma_semaphore, #tpu.memory_space<semaphore_mem>>) src(%arg9 : memref<128x32xf32, #tpu.memory_space<vmem>>) dst(%dma_wait3A_200 : memref<10240x32xf32, #tpu.memory_space<vmem_shared>>)
        tpu.yield
      }) : () -> ()
      %add3A_160 = arith.constant 2 : i32
      %add3A_161 = arith.addi %mul3A_118, %add3A_160 : i32
      %add3A_162 = arith.constant 4 : i32
      %add3A_163 = arith.addi %add3A_161, %add3A_162 : i32
      %mul3A_164 = arith.constant 128 : i32
      %mul3A_165 = arith.muli %add3A_163, %mul3A_164 : i32
      %dma_start3A_166 = tpu.memref_slice %arg5[%mul3A_165] : memref<10112xi32, #tpu.memory_space<vmem>> -> memref<128xi32, #tpu.memory_space<vmem>>
      %dma_start3A_167 = arith.constant 0 : i32
      %dma_start3A_168 = arith.constant 0 : i32
      %dma_start3A_169 = tpu.memref_slice %arg13[%dma_start3A_167, %dma_start3A_168] : memref<10240x32xf32, #tpu.memory_space<vmem_shared>> -> memref<10240x32xf32, #tpu.memory_space<vmem_shared>>
      tpu.enqueue_indirect_dma source(%dma_start3A_169 : memref<10240x32xf32, #tpu.memory_space<vmem_shared>>) target(%arg9 : memref<128x32xf32, #tpu.memory_space<vmem>>) offsets(%dma_start3A_166 : memref<128xi32, #tpu.memory_space<vmem>>) semaphore(%arg16 : memref<!tpu.dma_semaphore, #tpu.memory_space<semaphore_mem>>)
      %dma_wait3A_170 = arith.constant 384 : i32
      %dma_wait3A_171 = tpu.memref_slice %arg5[%dma_wait3A_170] : memref<10112xi32, #tpu.memory_space<vmem>> -> memref<128xi32, #tpu.memory_space<vmem>>
      %dma_wait3A_172 = arith.constant 0 : i32
      %dma_wait3A_173 = arith.constant 0 : i32
      %dma_wait3A_174 = tpu.memref_slice %arg13[%dma_wait3A_172, %dma_wait3A_173] : memref<10240x32xf32, #tpu.memory_space<vmem_shared>> -> memref<10240x32xf32, #tpu.memory_space<vmem_shared>>
      tpu.wait_indirect_dma semaphore(%arg17 : memref<!tpu.dma_semaphore, #tpu.memory_space<semaphore_mem>>) src(%dma_wait3A_174 : memref<10240x32xf32, #tpu.memory_space<vmem_shared>>) dst(%arg10 : memref<128x32xf32, #tpu.memory_space<vmem>>)
      %add3A_175 = arith.constant 3 : i32
      %add3A_176 = arith.addi %mul3A_118, %add3A_175 : i32
      "tpu.region"() ({
        %run_scoped3A_188 = tpu.sem_alloc : memref<!tpu.dma_semaphore, #tpu.memory_space<semaphore_mem>>
        %dma_start3A_189 = arith.constant 0 : i32
        %dma_start3A_190 = tpu.memref_slice %arg6[%add3A_176, %dma_start3A_189] : memref<79x128xi32, #tpu.memory_space<vmem>> -> memref<1x128xi32, #tpu.memory_space<vmem>>
        %dma_start3A_191 = tpu.memref_squeeze %dma_start3A_190 : memref<1x128xi32, #tpu.memory_space<vmem>> -> memref<128xi32, #tpu.memory_space<vmem>>
        %dma_start3A_192 = arith.constant 0 : i32
        %dma_start3A_193 = arith.constant 0 : i32
        %dma_start3A_194 = tpu.memref_slice %arg12[%dma_start3A_192, %dma_start3A_193] : memref<10240x32xf32, #tpu.memory_space<vmem_shared>> -> memref<10240x32xf32, #tpu.memory_space<vmem_shared>>
        tpu.enqueue_indirect_dma source(%arg10 : memref<128x32xf32, #tpu.memory_space<vmem>>) target(%dma_start3A_194 : memref<10240x32xf32, #tpu.memory_space<vmem_shared>>) offsets(%dma_start3A_191 : memref<128xi32, #tpu.memory_space<vmem>>) semaphore(%run_scoped3A_188 : memref<!tpu.dma_semaphore, #tpu.memory_space<semaphore_mem>>) {add = true}
        %dma_wait3A_195 = arith.constant 0 : i32
        %dma_wait3A_196 = tpu.memref_slice %arg6[%add3A_176, %dma_wait3A_195] : memref<79x128xi32, #tpu.memory_space<vmem>> -> memref<1x128xi32, #tpu.memory_space<vmem>>
        %dma_wait3A_197 = tpu.memref_squeeze %dma_wait3A_196 : memref<1x128xi32, #tpu.memory_space<vmem>> -> memref<128xi32, #tpu.memory_space<vmem>>
        %dma_wait3A_198 = arith.constant 0 : i32
        %dma_wait3A_199 = arith.constant 0 : i32
        %dma_wait3A_200 = tpu.memref_slice %arg12[%dma_wait3A_198, %dma_wait3A_199] : memref<10240x32xf32, #tpu.memory_space<vmem_shared>> -> memref<10240x32xf32, #tpu.memory_space<vmem_shared>>
        tpu.wait_indirect_dma semaphore(%run_scoped3A_188 : memref<!tpu.dma_semaphore, #tpu.memory_space<semaphore_mem>>) src(%arg10 : memref<128x32xf32, #tpu.memory_space<vmem>>) dst(%dma_wait3A_200 : memref<10240x32xf32, #tpu.memory_space<vmem_shared>>)
        tpu.yield
      }) : () -> ()
      %add3A_177 = arith.constant 3 : i32
      %add3A_178 = arith.addi %mul3A_118, %add3A_177 : i32
      %add3A_179 = arith.constant 4 : i32
      %add3A_180 = arith.addi %add3A_178, %add3A_179 : i32
      %mul3A_181 = arith.constant 128 : i32
      %mul3A_182 = arith.muli %add3A_180, %mul3A_181 : i32
      %dma_start3A_183 = tpu.memref_slice %arg5[%mul3A_182] : memref<10112xi32, #tpu.memory_space<vmem>> -> memref<128xi32, #tpu.memory_space<vmem>>
      %dma_start3A_184 = arith.constant 0 : i32
      %dma_start3A_185 = arith.constant 0 : i32
      %dma_start3A_186 = tpu.memref_slice %arg13[%dma_start3A_184, %dma_start3A_185] : memref<10240x32xf32, #tpu.memory_space<vmem_shared>> -> memref<10240x32xf32, #tpu.memory_space<vmem_shared>>
      tpu.enqueue_indirect_dma source(%dma_start3A_186 : memref<10240x32xf32, #tpu.memory_space<vmem_shared>>) target(%arg10 : memref<128x32xf32, #tpu.memory_space<vmem>>) offsets(%dma_start3A_183 : memref<128xi32, #tpu.memory_space<vmem>>) semaphore(%arg17 : memref<!tpu.dma_semaphore, #tpu.memory_space<semaphore_mem>>)
      %scan3A_187 = arith.constant 0 : i32
      scf.yield %scan3A_187 : i32
    }
    %scan3A_78 = arith.constant 18 : i32
    %dma_wait3A = arith.constant 0 : i32
    %dma_wait3A_79 = tpu.memref_slice %arg5[%dma_wait3A] : memref<10112xi32, #tpu.memory_space<vmem>> -> memref<128xi32, #tpu.memory_space<vmem>>
    %dma_wait3A_80 = arith.constant 0 : i32
    %dma_wait3A_81 = arith.constant 0 : i32
    %dma_wait3A_82 = tpu.memref_slice %arg13[%dma_wait3A_80, %dma_wait3A_81] : memref<10240x32xf32, #tpu.memory_space<vmem_shared>> -> memref<10240x32xf32, #tpu.memory_space<vmem_shared>>
    tpu.wait_indirect_dma semaphore(%arg14 : memref<!tpu.dma_semaphore, #tpu.memory_space<semaphore_mem>>) src(%dma_wait3A_82 : memref<10240x32xf32, #tpu.memory_space<vmem_shared>>) dst(%arg7 : memref<128x32xf32, #tpu.memory_space<vmem>>)
    %run_scoped3A_83 = arith.constant 72 : i32
    "tpu.region"() ({
      %run_scoped3A_115 = tpu.sem_alloc : memref<!tpu.dma_semaphore, #tpu.memory_space<semaphore_mem>>
      %dma_start3A_116 = arith.constant 0 : i32
      %dma_start3A_117 = tpu.memref_slice %arg6[%run_scoped3A_83, %dma_start3A_116] : memref<79x128xi32, #tpu.memory_space<vmem>> -> memref<1x128xi32, #tpu.memory_space<vmem>>
      %dma_start3A_118 = tpu.memref_squeeze %dma_start3A_117 : memref<1x128xi32, #tpu.memory_space<vmem>> -> memref<128xi32, #tpu.memory_space<vmem>>
      %dma_start3A_119 = arith.constant 0 : i32
      %dma_start3A_120 = arith.constant 0 : i32
      %dma_start3A_121 = tpu.memref_slice %arg12[%dma_start3A_119, %dma_start3A_120] : memref<10240x32xf32, #tpu.memory_space<vmem_shared>> -> memref<10240x32xf32, #tpu.memory_space<vmem_shared>>
      tpu.enqueue_indirect_dma source(%arg7 : memref<128x32xf32, #tpu.memory_space<vmem>>) target(%dma_start3A_121 : memref<10240x32xf32, #tpu.memory_space<vmem_shared>>) offsets(%dma_start3A_118 : memref<128xi32, #tpu.memory_space<vmem>>) semaphore(%run_scoped3A_115 : memref<!tpu.dma_semaphore, #tpu.memory_space<semaphore_mem>>) {add = true}
      %dma_wait3A_122 = arith.constant 0 : i32
      %dma_wait3A_123 = tpu.memref_slice %arg6[%run_scoped3A_83, %dma_wait3A_122] : memref<79x128xi32, #tpu.memory_space<vmem>> -> memref<1x128xi32, #tpu.memory_space<vmem>>
      %dma_wait3A_124 = tpu.memref_squeeze %dma_wait3A_123 : memref<1x128xi32, #tpu.memory_space<vmem>> -> memref<128xi32, #tpu.memory_space<vmem>>
      %dma_wait3A_125 = arith.constant 0 : i32
      %dma_wait3A_126 = arith.constant 0 : i32
      %dma_wait3A_127 = tpu.memref_slice %arg12[%dma_wait3A_125, %dma_wait3A_126] : memref<10240x32xf32, #tpu.memory_space<vmem_shared>> -> memref<10240x32xf32, #tpu.memory_space<vmem_shared>>
      tpu.wait_indirect_dma semaphore(%run_scoped3A_115 : memref<!tpu.dma_semaphore, #tpu.memory_space<semaphore_mem>>) src(%arg7 : memref<128x32xf32, #tpu.memory_space<vmem>>) dst(%dma_wait3A_127 : memref<10240x32xf32, #tpu.memory_space<vmem_shared>>)
      tpu.yield
    }) : () -> ()
    %dma_wait3A_84 = arith.constant 128 : i32
    %dma_wait3A_85 = tpu.memref_slice %arg5[%dma_wait3A_84] : memref<10112xi32, #tpu.memory_space<vmem>> -> memref<128xi32, #tpu.memory_space<vmem>>
    %dma_wait3A_86 = arith.constant 0 : i32
    %dma_wait3A_87 = arith.constant 0 : i32
    %dma_wait3A_88 = tpu.memref_slice %arg13[%dma_wait3A_86, %dma_wait3A_87] : memref<10240x32xf32, #tpu.memory_space<vmem_shared>> -> memref<10240x32xf32, #tpu.memory_space<vmem_shared>>
    tpu.wait_indirect_dma semaphore(%arg15 : memref<!tpu.dma_semaphore, #tpu.memory_space<semaphore_mem>>) src(%dma_wait3A_88 : memref<10240x32xf32, #tpu.memory_space<vmem_shared>>) dst(%arg8 : memref<128x32xf32, #tpu.memory_space<vmem>>)
    %run_scoped3A_89 = arith.constant 73 : i32
    "tpu.region"() ({
      %run_scoped3A_115 = tpu.sem_alloc : memref<!tpu.dma_semaphore, #tpu.memory_space<semaphore_mem>>
      %dma_start3A_116 = arith.constant 0 : i32
      %dma_start3A_117 = tpu.memref_slice %arg6[%run_scoped3A_89, %dma_start3A_116] : memref<79x128xi32, #tpu.memory_space<vmem>> -> memref<1x128xi32, #tpu.memory_space<vmem>>
      %dma_start3A_118 = tpu.memref_squeeze %dma_start3A_117 : memref<1x128xi32, #tpu.memory_space<vmem>> -> memref<128xi32, #tpu.memory_space<vmem>>
      %dma_start3A_119 = arith.constant 0 : i32
      %dma_start3A_120 = arith.constant 0 : i32
      %dma_start3A_121 = tpu.memref_slice %arg12[%dma_start3A_119, %dma_start3A_120] : memref<10240x32xf32, #tpu.memory_space<vmem_shared>> -> memref<10240x32xf32, #tpu.memory_space<vmem_shared>>
      tpu.enqueue_indirect_dma source(%arg8 : memref<128x32xf32, #tpu.memory_space<vmem>>) target(%dma_start3A_121 : memref<10240x32xf32, #tpu.memory_space<vmem_shared>>) offsets(%dma_start3A_118 : memref<128xi32, #tpu.memory_space<vmem>>) semaphore(%run_scoped3A_115 : memref<!tpu.dma_semaphore, #tpu.memory_space<semaphore_mem>>) {add = true}
      %dma_wait3A_122 = arith.constant 0 : i32
      %dma_wait3A_123 = tpu.memref_slice %arg6[%run_scoped3A_89, %dma_wait3A_122] : memref<79x128xi32, #tpu.memory_space<vmem>> -> memref<1x128xi32, #tpu.memory_space<vmem>>
      %dma_wait3A_124 = tpu.memref_squeeze %dma_wait3A_123 : memref<1x128xi32, #tpu.memory_space<vmem>> -> memref<128xi32, #tpu.memory_space<vmem>>
      %dma_wait3A_125 = arith.constant 0 : i32
      %dma_wait3A_126 = arith.constant 0 : i32
      %dma_wait3A_127 = tpu.memref_slice %arg12[%dma_wait3A_125, %dma_wait3A_126] : memref<10240x32xf32, #tpu.memory_space<vmem_shared>> -> memref<10240x32xf32, #tpu.memory_space<vmem_shared>>
      tpu.wait_indirect_dma semaphore(%run_scoped3A_115 : memref<!tpu.dma_semaphore, #tpu.memory_space<semaphore_mem>>) src(%arg8 : memref<128x32xf32, #tpu.memory_space<vmem>>) dst(%dma_wait3A_127 : memref<10240x32xf32, #tpu.memory_space<vmem_shared>>)
      tpu.yield
    }) : () -> ()
    %dma_wait3A_90 = arith.constant 256 : i32
    %dma_wait3A_91 = tpu.memref_slice %arg5[%dma_wait3A_90] : memref<10112xi32, #tpu.memory_space<vmem>> -> memref<128xi32, #tpu.memory_space<vmem>>
    %dma_wait3A_92 = arith.constant 0 : i32
    %dma_wait3A_93 = arith.constant 0 : i32
    %dma_wait3A_94 = tpu.memref_slice %arg13[%dma_wait3A_92, %dma_wait3A_93] : memref<10240x32xf32, #tpu.memory_space<vmem_shared>> -> memref<10240x32xf32, #tpu.memory_space<vmem_shared>>
    tpu.wait_indirect_dma semaphore(%arg16 : memref<!tpu.dma_semaphore, #tpu.memory_space<semaphore_mem>>) src(%dma_wait3A_94 : memref<10240x32xf32, #tpu.memory_space<vmem_shared>>) dst(%arg9 : memref<128x32xf32, #tpu.memory_space<vmem>>)
    %run_scoped3A_95 = arith.constant 74 : i32
    "tpu.region"() ({
      %run_scoped3A_115 = tpu.sem_alloc : memref<!tpu.dma_semaphore, #tpu.memory_space<semaphore_mem>>
      %dma_start3A_116 = arith.constant 0 : i32
      %dma_start3A_117 = tpu.memref_slice %arg6[%run_scoped3A_95, %dma_start3A_116] : memref<79x128xi32, #tpu.memory_space<vmem>> -> memref<1x128xi32, #tpu.memory_space<vmem>>
      %dma_start3A_118 = tpu.memref_squeeze %dma_start3A_117 : memref<1x128xi32, #tpu.memory_space<vmem>> -> memref<128xi32, #tpu.memory_space<vmem>>
      %dma_start3A_119 = arith.constant 0 : i32
      %dma_start3A_120 = arith.constant 0 : i32
      %dma_start3A_121 = tpu.memref_slice %arg12[%dma_start3A_119, %dma_start3A_120] : memref<10240x32xf32, #tpu.memory_space<vmem_shared>> -> memref<10240x32xf32, #tpu.memory_space<vmem_shared>>
      tpu.enqueue_indirect_dma source(%arg9 : memref<128x32xf32, #tpu.memory_space<vmem>>) target(%dma_start3A_121 : memref<10240x32xf32, #tpu.memory_space<vmem_shared>>) offsets(%dma_start3A_118 : memref<128xi32, #tpu.memory_space<vmem>>) semaphore(%run_scoped3A_115 : memref<!tpu.dma_semaphore, #tpu.memory_space<semaphore_mem>>) {add = true}
      %dma_wait3A_122 = arith.constant 0 : i32
      %dma_wait3A_123 = tpu.memref_slice %arg6[%run_scoped3A_95, %dma_wait3A_122] : memref<79x128xi32, #tpu.memory_space<vmem>> -> memref<1x128xi32, #tpu.memory_space<vmem>>
      %dma_wait3A_124 = tpu.memref_squeeze %dma_wait3A_123 : memref<1x128xi32, #tpu.memory_space<vmem>> -> memref<128xi32, #tpu.memory_space<vmem>>
      %dma_wait3A_125 = arith.constant 0 : i32
      %dma_wait3A_126 = arith.constant 0 : i32
      %dma_wait3A_127 = tpu.memref_slice %arg12[%dma_wait3A_125, %dma_wait3A_126] : memref<10240x32xf32, #tpu.memory_space<vmem_shared>> -> memref<10240x32xf32, #tpu.memory_space<vmem_shared>>
      tpu.wait_indirect_dma semaphore(%run_scoped3A_115 : memref<!tpu.dma_semaphore, #tpu.memory_space<semaphore_mem>>) src(%arg9 : memref<128x32xf32, #tpu.memory_space<vmem>>) dst(%dma_wait3A_127 : memref<10240x32xf32, #tpu.memory_space<vmem_shared>>)
      tpu.yield
    }) : () -> ()
    %dma_wait3A_96 = arith.constant 384 : i32
    %dma_wait3A_97 = tpu.memref_slice %arg5[%dma_wait3A_96] : memref<10112xi32, #tpu.memory_space<vmem>> -> memref<128xi32, #tpu.memory_space<vmem>>
    %dma_wait3A_98 = arith.constant 0 : i32
    %dma_wait3A_99 = arith.constant 0 : i32
    %dma_wait3A_100 = tpu.memref_slice %arg13[%dma_wait3A_98, %dma_wait3A_99] : memref<10240x32xf32, #tpu.memory_space<vmem_shared>> -> memref<10240x32xf32, #tpu.memory_space<vmem_shared>>
    tpu.wait_indirect_dma semaphore(%arg17 : memref<!tpu.dma_semaphore, #tpu.memory_space<semaphore_mem>>) src(%dma_wait3A_100 : memref<10240x32xf32, #tpu.memory_space<vmem_shared>>) dst(%arg10 : memref<128x32xf32, #tpu.memory_space<vmem>>)
    %run_scoped3A_101 = arith.constant 75 : i32
    "tpu.region"() ({
      %run_scoped3A_115 = tpu.sem_alloc : memref<!tpu.dma_semaphore, #tpu.memory_space<semaphore_mem>>
      %dma_start3A_116 = arith.constant 0 : i32
      %dma_start3A_117 = tpu.memref_slice %arg6[%run_scoped3A_101, %dma_start3A_116] : memref<79x128xi32, #tpu.memory_space<vmem>> -> memref<1x128xi32, #tpu.memory_space<vmem>>
      %dma_start3A_118 = tpu.memref_squeeze %dma_start3A_117 : memref<1x128xi32, #tpu.memory_space<vmem>> -> memref<128xi32, #tpu.memory_space<vmem>>
      %dma_start3A_119 = arith.constant 0 : i32
      %dma_start3A_120 = arith.constant 0 : i32
      %dma_start3A_121 = tpu.memref_slice %arg12[%dma_start3A_119, %dma_start3A_120] : memref<10240x32xf32, #tpu.memory_space<vmem_shared>> -> memref<10240x32xf32, #tpu.memory_space<vmem_shared>>
      tpu.enqueue_indirect_dma source(%arg10 : memref<128x32xf32, #tpu.memory_space<vmem>>) target(%dma_start3A_121 : memref<10240x32xf32, #tpu.memory_space<vmem_shared>>) offsets(%dma_start3A_118 : memref<128xi32, #tpu.memory_space<vmem>>) semaphore(%run_scoped3A_115 : memref<!tpu.dma_semaphore, #tpu.memory_space<semaphore_mem>>) {add = true}
      %dma_wait3A_122 = arith.constant 0 : i32
      %dma_wait3A_123 = tpu.memref_slice %arg6[%run_scoped3A_101, %dma_wait3A_122] : memref<79x128xi32, #tpu.memory_space<vmem>> -> memref<1x128xi32, #tpu.memory_space<vmem>>
      %dma_wait3A_124 = tpu.memref_squeeze %dma_wait3A_123 : memref<1x128xi32, #tpu.memory_space<vmem>> -> memref<128xi32, #tpu.memory_space<vmem>>
      %dma_wait3A_125 = arith.constant 0 : i32
      %dma_wait3A_126 = arith.constant 0 : i32
      %dma_wait3A_127 = tpu.memref_slice %arg12[%dma_wait3A_125, %dma_wait3A_126] : memref<10240x32xf32, #tpu.memory_space<vmem_shared>> -> memref<10240x32xf32, #tpu.memory_space<vmem_shared>>
      tpu.wait_indirect_dma semaphore(%run_scoped3A_115 : memref<!tpu.dma_semaphore, #tpu.memory_space<semaphore_mem>>) src(%arg10 : memref<128x32xf32, #tpu.memory_space<vmem>>) dst(%dma_wait3A_127 : memref<10240x32xf32, #tpu.memory_space<vmem_shared>>)
      tpu.yield
    }) : () -> ()
    %while3A_102 = arith.constant 76 : i32
    %while3A_103 = arith.constant 0 : i32
    %while3A_104 = arith.subi %add3A_4, %while3A_102 : i32
    %while3A_105 = arith.addi %while3A_102, %while3A_104 : i32
    %while3A_106 = arith.constant 1 : i32
    %while3A_107 = arith.divsi %while3A_104, %while3A_106 : i32
    %while3A_108 = arith.muli %while3A_107, %while3A_106 : i32
    %while3A_109 = arith.addi %while3A_102, %while3A_108 : i32
    %while3A_110 = arith.constant 1 : i32
    %while3A_111 = scf.for %while3A_115 = %while3A_102 to %while3A_109 step %while3A_110 iter_args(%while3A_116 = %while3A_103) -> (i32)  : i32 {
      %mul3A_117 = arith.constant 128 : i32
      %mul3A_118 = arith.muli %while3A_115, %mul3A_117 : i32
      %dma_start3A_119 = tpu.memref_slice %arg5[%mul3A_118] : memref<10112xi32, #tpu.memory_space<vmem>> -> memref<128xi32, #tpu.memory_space<vmem>>
      %dma_start3A_120 = arith.constant 0 : i32
      %dma_start3A_121 = arith.constant 0 : i32
      %dma_start3A_122 = tpu.memref_slice %arg13[%dma_start3A_120, %dma_start3A_121] : memref<10240x32xf32, #tpu.memory_space<vmem_shared>> -> memref<10240x32xf32, #tpu.memory_space<vmem_shared>>
      tpu.enqueue_indirect_dma source(%dma_start3A_122 : memref<10240x32xf32, #tpu.memory_space<vmem_shared>>) target(%arg7 : memref<128x32xf32, #tpu.memory_space<vmem>>) offsets(%dma_start3A_119 : memref<128xi32, #tpu.memory_space<vmem>>) semaphore(%arg14 : memref<!tpu.dma_semaphore, #tpu.memory_space<semaphore_mem>>)
      %dma_wait3A_123 = tpu.memref_slice %arg5[%mul3A_118] : memref<10112xi32, #tpu.memory_space<vmem>> -> memref<128xi32, #tpu.memory_space<vmem>>
      %dma_wait3A_124 = arith.constant 0 : i32
      %dma_wait3A_125 = arith.constant 0 : i32
      %dma_wait3A_126 = tpu.memref_slice %arg13[%dma_wait3A_124, %dma_wait3A_125] : memref<10240x32xf32, #tpu.memory_space<vmem_shared>> -> memref<10240x32xf32, #tpu.memory_space<vmem_shared>>
      tpu.wait_indirect_dma semaphore(%arg14 : memref<!tpu.dma_semaphore, #tpu.memory_space<semaphore_mem>>) src(%dma_wait3A_126 : memref<10240x32xf32, #tpu.memory_space<vmem_shared>>) dst(%arg7 : memref<128x32xf32, #tpu.memory_space<vmem>>)
      "tpu.region"() ({
        %run_scoped3A_128 = tpu.sem_alloc : memref<!tpu.dma_semaphore, #tpu.memory_space<semaphore_mem>>
        %dma_start3A_129 = arith.constant 0 : i32
        %dma_start3A_130 = tpu.memref_slice %arg6[%while3A_115, %dma_start3A_129] : memref<79x128xi32, #tpu.memory_space<vmem>> -> memref<1x128xi32, #tpu.memory_space<vmem>>
        %dma_start3A_131 = tpu.memref_squeeze %dma_start3A_130 : memref<1x128xi32, #tpu.memory_space<vmem>> -> memref<128xi32, #tpu.memory_space<vmem>>
        %dma_start3A_132 = arith.constant 0 : i32
        %dma_start3A_133 = arith.constant 0 : i32
        %dma_start3A_134 = tpu.memref_slice %arg12[%dma_start3A_132, %dma_start3A_133] : memref<10240x32xf32, #tpu.memory_space<vmem_shared>> -> memref<10240x32xf32, #tpu.memory_space<vmem_shared>>
        tpu.enqueue_indirect_dma source(%arg7 : memref<128x32xf32, #tpu.memory_space<vmem>>) target(%dma_start3A_134 : memref<10240x32xf32, #tpu.memory_space<vmem_shared>>) offsets(%dma_start3A_131 : memref<128xi32, #tpu.memory_space<vmem>>) semaphore(%run_scoped3A_128 : memref<!tpu.dma_semaphore, #tpu.memory_space<semaphore_mem>>) {add = true}
        %dma_wait3A_135 = arith.constant 0 : i32
        %dma_wait3A_136 = tpu.memref_slice %arg6[%while3A_115, %dma_wait3A_135] : memref<79x128xi32, #tpu.memory_space<vmem>> -> memref<1x128xi32, #tpu.memory_space<vmem>>
        %dma_wait3A_137 = tpu.memref_squeeze %dma_wait3A_136 : memref<1x128xi32, #tpu.memory_space<vmem>> -> memref<128xi32, #tpu.memory_space<vmem>>
        %dma_wait3A_138 = arith.constant 0 : i32
        %dma_wait3A_139 = arith.constant 0 : i32
        %dma_wait3A_140 = tpu.memref_slice %arg12[%dma_wait3A_138, %dma_wait3A_139] : memref<10240x32xf32, #tpu.memory_space<vmem_shared>> -> memref<10240x32xf32, #tpu.memory_space<vmem_shared>>
        tpu.wait_indirect_dma semaphore(%run_scoped3A_128 : memref<!tpu.dma_semaphore, #tpu.memory_space<semaphore_mem>>) src(%arg7 : memref<128x32xf32, #tpu.memory_space<vmem>>) dst(%dma_wait3A_140 : memref<10240x32xf32, #tpu.memory_space<vmem_shared>>)
        tpu.yield
      }) : () -> ()
      %while3A_127 = arith.constant 0 : i32
      scf.yield %while3A_127 : i32
    }
    %while3A_112 = arith.constant 1 : i32
    %while3A_113 = scf.for %while3A_115 = %while3A_109 to %while3A_105 step %while3A_112 iter_args(%while3A_116 = %while3A_111) -> (i32)  : i32 {
      %mul3A_117 = arith.constant 128 : i32
      %mul3A_118 = arith.muli %while3A_115, %mul3A_117 : i32
      %dma_start3A_119 = tpu.memref_slice %arg5[%mul3A_118] : memref<10112xi32, #tpu.memory_space<vmem>> -> memref<128xi32, #tpu.memory_space<vmem>>
      %dma_start3A_120 = arith.constant 0 : i32
      %dma_start3A_121 = arith.constant 0 : i32
      %dma_start3A_122 = tpu.memref_slice %arg13[%dma_start3A_120, %dma_start3A_121] : memref<10240x32xf32, #tpu.memory_space<vmem_shared>> -> memref<10240x32xf32, #tpu.memory_space<vmem_shared>>
      tpu.enqueue_indirect_dma source(%dma_start3A_122 : memref<10240x32xf32, #tpu.memory_space<vmem_shared>>) target(%arg7 : memref<128x32xf32, #tpu.memory_space<vmem>>) offsets(%dma_start3A_119 : memref<128xi32, #tpu.memory_space<vmem>>) semaphore(%arg14 : memref<!tpu.dma_semaphore, #tpu.memory_space<semaphore_mem>>)
      %dma_wait3A_123 = tpu.memref_slice %arg5[%mul3A_118] : memref<10112xi32, #tpu.memory_space<vmem>> -> memref<128xi32, #tpu.memory_space<vmem>>
      %dma_wait3A_124 = arith.constant 0 : i32
      %dma_wait3A_125 = arith.constant 0 : i32
      %dma_wait3A_126 = tpu.memref_slice %arg13[%dma_wait3A_124, %dma_wait3A_125] : memref<10240x32xf32, #tpu.memory_space<vmem_shared>> -> memref<10240x32xf32, #tpu.memory_space<vmem_shared>>
      tpu.wait_indirect_dma semaphore(%arg14 : memref<!tpu.dma_semaphore, #tpu.memory_space<semaphore_mem>>) src(%dma_wait3A_126 : memref<10240x32xf32, #tpu.memory_space<vmem_shared>>) dst(%arg7 : memref<128x32xf32, #tpu.memory_space<vmem>>)
      "tpu.region"() ({
        %run_scoped3A_128 = tpu.sem_alloc : memref<!tpu.dma_semaphore, #tpu.memory_space<semaphore_mem>>
        %dma_start3A_129 = arith.constant 0 : i32
        %dma_start3A_130 = tpu.memref_slice %arg6[%while3A_115, %dma_start3A_129] : memref<79x128xi32, #tpu.memory_space<vmem>> -> memref<1x128xi32, #tpu.memory_space<vmem>>
        %dma_start3A_131 = tpu.memref_squeeze %dma_start3A_130 : memref<1x128xi32, #tpu.memory_space<vmem>> -> memref<128xi32, #tpu.memory_space<vmem>>
        %dma_start3A_132 = arith.constant 0 : i32
        %dma_start3A_133 = arith.constant 0 : i32
        %dma_start3A_134 = tpu.memref_slice %arg12[%dma_start3A_132, %dma_start3A_133] : memref<10240x32xf32, #tpu.memory_space<vmem_shared>> -> memref<10240x32xf32, #tpu.memory_space<vmem_shared>>
        tpu.enqueue_indirect_dma source(%arg7 : memref<128x32xf32, #tpu.memory_space<vmem>>) target(%dma_start3A_134 : memref<10240x32xf32, #tpu.memory_space<vmem_shared>>) offsets(%dma_start3A_131 : memref<128xi32, #tpu.memory_space<vmem>>) semaphore(%run_scoped3A_128 : memref<!tpu.dma_semaphore, #tpu.memory_space<semaphore_mem>>) {add = true}
        %dma_wait3A_135 = arith.constant 0 : i32
        %dma_wait3A_136 = tpu.memref_slice %arg6[%while3A_115, %dma_wait3A_135] : memref<79x128xi32, #tpu.memory_space<vmem>> -> memref<1x128xi32, #tpu.memory_space<vmem>>
        %dma_wait3A_137 = tpu.memref_squeeze %dma_wait3A_136 : memref<1x128xi32, #tpu.memory_space<vmem>> -> memref<128xi32, #tpu.memory_space<vmem>>
        %dma_wait3A_138 = arith.constant 0 : i32
        %dma_wait3A_139 = arith.constant 0 : i32
        %dma_wait3A_140 = tpu.memref_slice %arg12[%dma_wait3A_138, %dma_wait3A_139] : memref<10240x32xf32, #tpu.memory_space<vmem_shared>> -> memref<10240x32xf32, #tpu.memory_space<vmem_shared>>
        tpu.wait_indirect_dma semaphore(%run_scoped3A_128 : memref<!tpu.dma_semaphore, #tpu.memory_space<semaphore_mem>>) src(%arg7 : memref<128x32xf32, #tpu.memory_space<vmem>>) dst(%dma_wait3A_140 : memref<10240x32xf32, #tpu.memory_space<vmem_shared>>)
        tpu.yield
      }) : () -> ()
      %while3A_127 = arith.constant 0 : i32
      scf.yield %while3A_127 : i32
    }
    %barrier3A_114 = arith.constant 0 : index
    tpu.barrier barrier_id(%barrier3A_114)
    "tpu.region"() ({
      %run_scoped3A_115 = tpu.sem_alloc : memref<!tpu.dma_semaphore, #tpu.memory_space<semaphore_mem>>
      %dma_start3A_116 = arith.constant 0 : i32
      %dma_start3A_117 = tpu.memref_slice %arg12[%mul3A_19, %dma_start3A_116] : memref<10240x32xf32, #tpu.memory_space<vmem_shared>> -> memref<640x32xf32, #tpu.memory_space<vmem_shared>>
      %dma_start3A_118 = arith.constant 0 : i32
      %dma_start3A_119 = tpu.memref_slice %arg12[%mul3A_19, %dma_start3A_118] : memref<10240x32xf32, #tpu.memory_space<vmem_shared>> -> memref<640x32xf32, #tpu.memory_space<vmem_shared>>
      tpu.enqueue_dma source(%dma_start3A_119 : memref<640x32xf32, #tpu.memory_space<vmem_shared>>) target(%arg11 : memref<640x32xf32, #tpu.memory_space<vmem>>) target_semaphore(%run_scoped3A_115 : memref<!tpu.dma_semaphore, #tpu.memory_space<semaphore_mem>>)
      %dma_wait3A_120 = arith.constant 0 : i32
      %dma_wait3A_121 = tpu.memref_slice %arg12[%mul3A_19, %dma_wait3A_120] : memref<10240x32xf32, #tpu.memory_space<vmem_shared>> -> memref<640x32xf32, #tpu.memory_space<vmem_shared>>
      %dma_wait3A_122 = arith.constant 0 : i32
      %dma_wait3A_123 = tpu.memref_slice %arg12[%mul3A_19, %dma_wait3A_122] : memref<10240x32xf32, #tpu.memory_space<vmem_shared>> -> memref<640x32xf32, #tpu.memory_space<vmem_shared>>
      tpu.wait_dma2 semaphore(%run_scoped3A_115 : memref<!tpu.dma_semaphore, #tpu.memory_space<semaphore_mem>>) src(%dma_wait3A_123 : memref<640x32xf32, #tpu.memory_space<vmem_shared>>) dst(%arg11 : memref<640x32xf32, #tpu.memory_space<vmem>>)
      tpu.yield
    }) : () -> ()
    "tpu.region"() ({
      %run_scoped3A_115 = tpu.sem_alloc : memref<!tpu.dma_semaphore, #tpu.memory_space<semaphore_mem>>
      %dma_start3A_116 = arith.constant 0 : i32
      %dma_start3A_117 = arith.constant 0 : i32
      %dma_start3A_118 = tpu.memref_slice %arg4[%arg0, %dma_start3A_116, %dma_start3A_117] : memref<2x10240x32xf32, #tpu.memory_space<hbm>> -> memref<1x10240x32xf32, #tpu.memory_space<hbm>>
      %dma_start3A_119 = tpu.memref_squeeze %dma_start3A_118 : memref<1x10240x32xf32, #tpu.memory_space<hbm>> -> memref<10240x32xf32, #tpu.memory_space<hbm>>
      %dma_start3A_120 = arith.constant 0 : i32
      %dma_start3A_121 = tpu.memref_slice %dma_start3A_119[%mul3A_19, %dma_start3A_120] : memref<10240x32xf32, #tpu.memory_space<hbm>> -> memref<640x32xf32, #tpu.memory_space<hbm>>
      %dma_start3A_122 = arith.constant 0 : i32
      %dma_start3A_123 = arith.constant 0 : i32
      %dma_start3A_124 = tpu.memref_slice %arg4[%arg0, %dma_start3A_122, %dma_start3A_123] : memref<2x10240x32xf32, #tpu.memory_space<hbm>> -> memref<1x10240x32xf32, #tpu.memory_space<hbm>>
      %dma_start3A_125 = tpu.memref_squeeze %dma_start3A_124 : memref<1x10240x32xf32, #tpu.memory_space<hbm>> -> memref<10240x32xf32, #tpu.memory_space<hbm>>
      %dma_start3A_126 = arith.constant 0 : i32
      %dma_start3A_127 = tpu.memref_slice %dma_start3A_125[%mul3A_19, %dma_start3A_126] : memref<10240x32xf32, #tpu.memory_space<hbm>> -> memref<640x32xf32, #tpu.memory_space<hbm>>
      tpu.enqueue_dma source(%arg11 : memref<640x32xf32, #tpu.memory_space<vmem>>) target(%dma_start3A_127 : memref<640x32xf32, #tpu.memory_space<hbm>>) target_semaphore(%run_scoped3A_115 : memref<!tpu.dma_semaphore, #tpu.memory_space<semaphore_mem>>)
      %dma_wait3A_128 = arith.constant 0 : i32
      %dma_wait3A_129 = arith.constant 0 : i32
      %dma_wait3A_130 = tpu.memref_slice %arg4[%arg0, %dma_wait3A_128, %dma_wait3A_129] : memref<2x10240x32xf32, #tpu.memory_space<hbm>> -> memref<1x10240x32xf32, #tpu.memory_space<hbm>>
      %dma_wait3A_131 = tpu.memref_squeeze %dma_wait3A_130 : memref<1x10240x32xf32, #tpu.memory_space<hbm>> -> memref<10240x32xf32, #tpu.memory_space<hbm>>
      %dma_wait3A_132 = arith.constant 0 : i32
      %dma_wait3A_133 = tpu.memref_slice %dma_wait3A_131[%mul3A_19, %dma_wait3A_132] : memref<10240x32xf32, #tpu.memory_space<hbm>> -> memref<640x32xf32, #tpu.memory_space<hbm>>
      %dma_wait3A_134 = arith.constant 0 : i32
      %dma_wait3A_135 = arith.constant 0 : i32
      %dma_wait3A_136 = tpu.memref_slice %arg4[%arg0, %dma_wait3A_134, %dma_wait3A_135] : memref<2x10240x32xf32, #tpu.memory_space<hbm>> -> memref<1x10240x32xf32, #tpu.memory_space<hbm>>
      %dma_wait3A_137 = tpu.memref_squeeze %dma_wait3A_136 : memref<1x10240x32xf32, #tpu.memory_space<hbm>> -> memref<10240x32xf32, #tpu.memory_space<hbm>>
      %dma_wait3A_138 = arith.constant 0 : i32
      %dma_wait3A_139 = tpu.memref_slice %dma_wait3A_137[%mul3A_19, %dma_wait3A_138] : memref<10240x32xf32, #tpu.memory_space<hbm>> -> memref<640x32xf32, #tpu.memory_space<hbm>>
      tpu.wait_dma2 semaphore(%run_scoped3A_115 : memref<!tpu.dma_semaphore, #tpu.memory_space<semaphore_mem>>) src(%arg11 : memref<640x32xf32, #tpu.memory_space<vmem>>) dst(%dma_wait3A_139 : memref<640x32xf32, #tpu.memory_space<hbm>>)
      tpu.yield
    }) : () -> ()
    return
  }
}

module attributes {stable_mosaic.version = 14 : i64} {
  func.func @_mm1_body(%arg0: memref<10000x128xf32, #tpu.memory_space<vmem>>, %arg1: memref<128x32xf32, #tpu.memory_space<vmem>>, %arg2: memref<10000x32xf32, #tpu.memory_space<vmem>>) attributes {dimension_semantics = [], scalar_prefetch = 0 : i64, scratch_operands = 0 : i64, tpu.core_type = #tpu.core_type<tc>} {
    %get3A = arith.constant 0 : index
    %get3A_0 = arith.constant 0 : index
    %get3A_1 = vector.load %arg0[%get3A, %get3A_0] : memref<10000x128xf32, #tpu.memory_space<vmem>>, vector<10000x128xf32>
    %get3A_2 = arith.constant 0 : index
    %get3A_3 = arith.constant 0 : index
    %get3A_4 = vector.load %arg1[%get3A_2, %get3A_3] : memref<128x32xf32, #tpu.memory_space<vmem>>, vector<128x32xf32>
    %dot_general3A = arith.constant dense<0.000000e+00> : vector<10000x32xf32>
    %dot_general3A_5 = tpu.matmul %get3A_1, %get3A_4, %dot_general3A {dimension_numbers = #tpu.dot_dimension_numbers<[1], [0], [0], [1], [0, 0, 1, 1], [], []>, transpose_lhs_hint = false} : vector<10000x128xf32>, vector<128x32xf32>, vector<10000x32xf32> -> vector<10000x32xf32>
    %swap3A = arith.constant 0 : index
    %swap3A_6 = arith.constant 0 : index
    %swap3A_7 = vector.load %arg2[%swap3A, %swap3A_6] : memref<10000x32xf32, #tpu.memory_space<vmem>>, vector<10000x32xf32>
    tpu.vector_store %arg2[%swap3A, %swap3A_6], %dot_general3A_5 {strides = array<i32>} : memref<10000x32xf32, #tpu.memory_space<vmem>>, vector<10000x32xf32>,
    return
  }
}

module attributes {stable_mosaic.version = 14 : i64} {
  func.func @_mlp_body(%arg0: memref<2x2560x128xf32, #tpu.memory_space<vmem>>, %arg1: memref<32x32xf32, #tpu.memory_space<vmem>>, %arg2: memref<1x32xf32, #tpu.memory_space<vmem>>, %arg3: memref<1x32xf32, #tpu.memory_space<vmem>>, %arg4: memref<2560x128xf32, #tpu.memory_space<vmem>>) attributes {dimension_semantics = [], scalar_prefetch = 0 : i64, scratch_operands = 0 : i64, tpu.core_type = #tpu.core_type<tc>} {
    %get3A = arith.constant 0 : index
    %get3A_0 = arith.constant 0 : index
    %get3A_1 = vector.load %arg1[%get3A, %get3A_0] : memref<32x32xf32, #tpu.memory_space<vmem>>, vector<32x32xf32>
    %broadcast_in_dim3A = arith.constant 0.000000e+00 : f32
    %broadcast_in_dim3A_2 = vector.broadcast %broadcast_in_dim3A : f32 to vector<32x32xf32>
    %concatenate3A = tpu.concatenate %get3A_1, %broadcast_in_dim3A_2, %broadcast_in_dim3A_2, %broadcast_in_dim3A_2 in 1 : vector<32x32xf32>, vector<32x32xf32>, vector<32x32xf32>, vector<32x32xf32> -> vector<32x128xf32>
    %concatenate3A_3 = tpu.concatenate %broadcast_in_dim3A_2, %get3A_1, %broadcast_in_dim3A_2, %broadcast_in_dim3A_2 in 1 : vector<32x32xf32>, vector<32x32xf32>, vector<32x32xf32>, vector<32x32xf32> -> vector<32x128xf32>
    %concatenate3A_4 = tpu.concatenate %broadcast_in_dim3A_2, %broadcast_in_dim3A_2, %get3A_1, %broadcast_in_dim3A_2 in 1 : vector<32x32xf32>, vector<32x32xf32>, vector<32x32xf32>, vector<32x32xf32> -> vector<32x128xf32>
    %concatenate3A_5 = tpu.concatenate %broadcast_in_dim3A_2, %broadcast_in_dim3A_2, %broadcast_in_dim3A_2, %get3A_1 in 1 : vector<32x32xf32>, vector<32x32xf32>, vector<32x32xf32>, vector<32x32xf32> -> vector<32x128xf32>
    %concatenate3A_6 = tpu.concatenate %concatenate3A, %concatenate3A_3, %concatenate3A_4, %concatenate3A_5 in 0 : vector<32x128xf32>, vector<32x128xf32>, vector<32x128xf32>, vector<32x128xf32> -> vector<128x128xf32>
    %get3A_7 = arith.constant 0 : index
    %get3A_8 = arith.constant 0 : index
    %get3A_9 = vector.load %arg2[%get3A_7, %get3A_8] : memref<1x32xf32, #tpu.memory_space<vmem>>, vector<1x32xf32>
    %concatenate3A_10 = tpu.concatenate %get3A_9, %get3A_9, %get3A_9, %get3A_9 in 1 : vector<1x32xf32>, vector<1x32xf32>, vector<1x32xf32>, vector<1x32xf32> -> vector<1x128xf32>
    %get3A_11 = arith.constant 0 : index
    %get3A_12 = arith.constant 0 : index
    %get3A_13 = vector.load %arg3[%get3A_11, %get3A_12] : memref<1x32xf32, #tpu.memory_space<vmem>>, vector<1x32xf32>
    %concatenate3A_14 = tpu.concatenate %get3A_13, %get3A_13, %get3A_13, %get3A_13 in 1 : vector<1x32xf32>, vector<1x32xf32>, vector<1x32xf32>, vector<1x32xf32> -> vector<1x128xf32>
    %get3A_15 = arith.constant 0 : index
    %get3A_16 = arith.constant 0 : index
    %get3A_17 = arith.constant 0 : index
    %get3A_18 = vector.load %arg0[%get3A_15, %get3A_16, %get3A_17] : memref<2x2560x128xf32, #tpu.memory_space<vmem>>, vector<1x2560x128xf32>
    %get3A_19 = vector.shape_cast %get3A_18 : vector<1x2560x128xf32> to vector<2560x128xf32>
    %get3A_20 = arith.constant 1 : index
    %get3A_21 = arith.constant 0 : index
    %get3A_22 = arith.constant 0 : index
    %get3A_23 = vector.load %arg0[%get3A_20, %get3A_21, %get3A_22] : memref<2x2560x128xf32, #tpu.memory_space<vmem>>, vector<1x2560x128xf32>
    %get3A_24 = vector.shape_cast %get3A_23 : vector<1x2560x128xf32> to vector<2560x128xf32>
    %add3A = arith.addf %get3A_19, %get3A_24 : vector<2560x128xf32>
    %add3A_25 = vector.broadcast %concatenate3A_10 : vector<1x128xf32> to vector<2560x128xf32>
    %add3A_26 = arith.addf %add3A, %add3A_25 : vector<2560x128xf32>
    %max3A = arith.constant 0.000000e+00 : f32
    %max3A_27 = vector.broadcast %max3A : f32 to vector<2560x128xf32>
    %max3A_28 = arith.maximumf %add3A_26, %max3A_27 : vector<2560x128xf32>
    %dot_general3A = arith.constant dense<0.000000e+00> : vector<2560x128xf32>
    %dot_general3A_29 = tpu.matmul %max3A_28, %concatenate3A_6, %dot_general3A {dimension_numbers = #tpu.dot_dimension_numbers<[1], [0], [0], [1], [0, 0, 1, 1], [], []>, transpose_lhs_hint = false} : vector<2560x128xf32>, vector<128x128xf32>, vector<2560x128xf32> -> vector<2560x128xf32>
    %add3A_30 = vector.broadcast %concatenate3A_14 : vector<1x128xf32> to vector<2560x128xf32>
    %add3A_31 = arith.addf %dot_general3A_29, %add3A_30 : vector<2560x128xf32>
    %max3A_32 = arith.constant 0.000000e+00 : f32
    %max3A_33 = vector.broadcast %max3A_32 : f32 to vector<2560x128xf32>
    %max3A_34 = arith.maximumf %add3A_31, %max3A_33 : vector<2560x128xf32>
    %swap3A = arith.constant 0 : index
    %swap3A_35 = arith.constant 0 : index
    %swap3A_36 = vector.load %arg4[%swap3A, %swap3A_35] : memref<2560x128xf32, #tpu.memory_space<vmem>>, vector<2560x128xf32>
    tpu.vector_store %arg4[%swap3A, %swap3A_35], %max3A_34 {strides = array<i32>} : memref<2560x128xf32, #tpu.memory_space<vmem>>, vector<2560x128xf32>,
    return
  }
}

module attributes {stable_mosaic.version = 14 : i64} {
  func.func @_out_body(%arg0: memref<2x10240x32xf32, #tpu.memory_space<vmem>>, %arg1: memref<32x128xf32, #tpu.memory_space<vmem>>, %arg2: memref<1x128xf32, #tpu.memory_space<vmem>>, %arg3: memref<10000x128xf32, #tpu.memory_space<vmem>>) attributes {dimension_semantics = [], scalar_prefetch = 0 : i64, scratch_operands = 0 : i64, tpu.core_type = #tpu.core_type<tc>} {
    %get3A = arith.constant 0 : index
    %get3A_0 = arith.constant 0 : index
    %get3A_1 = arith.constant 0 : index
    %get3A_2 = vector.load %arg0[%get3A, %get3A_0, %get3A_1] : memref<2x10240x32xf32, #tpu.memory_space<vmem>>, vector<1x10000x32xf32>
    %get3A_3 = vector.shape_cast %get3A_2 : vector<1x10000x32xf32> to vector<10000x32xf32>
    %get3A_4 = arith.constant 1 : index
    %get3A_5 = arith.constant 0 : index
    %get3A_6 = arith.constant 0 : index
    %get3A_7 = vector.load %arg0[%get3A_4, %get3A_5, %get3A_6] : memref<2x10240x32xf32, #tpu.memory_space<vmem>>, vector<1x10000x32xf32>
    %get3A_8 = vector.shape_cast %get3A_7 : vector<1x10000x32xf32> to vector<10000x32xf32>
    %add3A = arith.addf %get3A_3, %get3A_8 : vector<10000x32xf32>
    %get3A_9 = arith.constant 0 : index
    %get3A_10 = arith.constant 0 : index
    %get3A_11 = vector.load %arg1[%get3A_9, %get3A_10] : memref<32x128xf32, #tpu.memory_space<vmem>>, vector<32x128xf32>
    %dot_general3A = arith.constant dense<0.000000e+00> : vector<10000x128xf32>
    %dot_general3A_12 = tpu.matmul %add3A, %get3A_11, %dot_general3A {dimension_numbers = #tpu.dot_dimension_numbers<[1], [0], [0], [1], [0, 0, 1, 1], [], []>, transpose_lhs_hint = false} : vector<10000x32xf32>, vector<32x128xf32>, vector<10000x128xf32> -> vector<10000x128xf32>
    %get3A_13 = arith.constant 0 : index
    %get3A_14 = arith.constant 0 : index
    %get3A_15 = vector.load %arg2[%get3A_13, %get3A_14] : memref<1x128xf32, #tpu.memory_space<vmem>>, vector<1x128xf32>
    %add3A_16 = vector.broadcast %get3A_15 : vector<1x128xf32> to vector<10000x128xf32>
    %add3A_17 = arith.addf %dot_general3A_12, %add3A_16 : vector<10000x128xf32>
    %max3A = arith.constant 0.000000e+00 : f32
    %max3A_18 = vector.broadcast %max3A : f32 to vector<10000x128xf32>
    %max3A_19 = arith.maximumf %add3A_17, %max3A_18 : vector<10000x128xf32>
    %swap3A = arith.constant 0 : index
    %swap3A_20 = arith.constant 0 : index
    %swap3A_21 = vector.load %arg3[%swap3A, %swap3A_20] : memref<10000x128xf32, #tpu.memory_space<vmem>>, vector<10000x128xf32>
    tpu.vector_store %arg3[%swap3A, %swap3A_20], %max3A_19 {strides = array<i32>} : memref<10000x128xf32, #tpu.memory_space<vmem>>, vector<10000x128xf32>,
    return
  }
}

</mosaic_0001>

<sc_bundles>
// kernel: kernel.10.cloned.1.call-start
scs
__scs_entry_jumppad:
0x0: {  	(pc) =	sbr.rel $0x88, $3  }
0x1: {  	(tag) =	ssettag $0x0;
	lr =	simm.s32 $0x1  }
0x2: {  	[smem:$0x3F99] =	sst lr;
	_ =	strace $0xD0000000  }
0x3: {  	_ = 	snop  }
0x4: {  	_ = 	snop  }
0x5: {  	_ = 	snop  }
0x6: {  	_ = 	snop  }
0x7: {  	_ = 	snop  }
__scs_overlays_trampoline_lowered:
0x8: {  	[smem:$0x3FA8] =	sst s0  }
0x9: {  	[smem:$0x3FA9] =	sst s1  }
0xa: {  	[smem:$0x3FAA] =	sst s2  }
0xb: {  	[smem:$0x3FAB] =	sst s3  }
0xc: {  	[smem:$0x3FAC] =	sst s4  }
0xd: {  	[smem:$0x3FAD] =	sst s5  }
0xe: {  	[smem:$0x3FAE] =	sst s6  }
0xf: {  	[smem:$0x3FAF] =	sst s7  }
0x10: {  	[smem:$0x3FB0] =	sst s8  }
0x11: {  	[smem:$0x3FB1] =	sst s9;
	s0 =	simm.s32 @!p0 $0x0  }
0x12: {  	s1 =	sld [smem:$0x3F97];
	s0 =	simm.s32 @p0 $0x1  }
0x13: {  	[smem:$0x3FB2] =	sst s0;
	s0 =	simm.s32 @!p1 $0x0  }
0x14: {  	s2 =	sld [smem:$0x3F96];
	s0 =	simm.s32 @p1 $0x1  }
0x15: {  	[smem:$0x3FB3] =	sst s0;
	s0 =	simm.s32 @!p2 $0x0  }
0x16: {  	s3 =	sld [smem:$0x3FDB];
	s0 =	simm.s32 @p2 $0x1  }
0x17: {  	s4 =	simm.s32 $0x1BF5;
	[smem:$0x3FB5] =	sst s0  }
0x18: {  	s0 =	sld [smem:$0x3F98];
	_ =	swait.ge [sflag:s4], $0x0  }
0x19: {  	s7 =	sld [smem:$0x3F99]  }
0x1a: {  	s8 =	sadd.s32 $0xFFFFE003, lr  }
0x1b: {  	s9 =	sadd.s32 $0xFFFFFEF7, lr;
	s5 =	simm.s32 $0xFFFFFFFF;
	p2 =	slt.u32 s8, $0xFFFFF086  }
0x1c: {  	p1 =	slt.u32 s9, $0xF7A;
	s5 =	simm.s32 @!p2 $0x0  }
0x1d: {  	s5 =	simm.s32 @p1 $0x1;
	p0 =	seq.s32 s7, s2  }
0x1e: {  	s7 =	smul.u32 @!p0 $0xF7A, s2;
	p2 =	seq.s32 @!p0 s5, $0x0  }
0x1f: {  	s9 =	smul.u32 $0xF7A, s1;
	s8 =	simm.s32 @!p0 $0x1BF5;
	p2 =	por !p2, p0  }
0x20: {  	[sflag:s8] =	ssyncset.s32 @!p0 $0xFFFFF086;
	s6 =	sadd.s32 @!p0 s3, s7;
	s7 =	simm.s32 @!p0 $0x108  }
0x21: {  	s3 =	sadd.s32 s3, s9;
	s6 =	sadd.s32 @!p0 $0x88, s6;
	s7 =	simm.s32 @p2 $0x1082  }
0x22: {  	[simem:s7], [sflag:s8] =	dma.local @!p0 [hbm:s6], $0xF7A  }
0x23: {  	s9 =	sor.u32 $0xD0000000, s2;
	s6 =	simm.s32 $0x108;
	_ =	swait.ge @!p0 [sflag:s8], $0x0  }
0x24: {  	s3 =	sadd.s32 $0x88, s3;
	s6 =	simm.s32 @!p1 $0x1082;
	[sflag:s4] =	ssyncset.s32 $0xFFFFF086  }
0x25: {  	[simem:s6], [sflag:s4] =	dma.local [hbm:s3], $0xF7A  }
0x26: {  	[smem:$0x3F99] =	sst s1;
	(tag) =	ssettag s2;
	_ =	strace s9  }
0x27: {  	s1 =	sld [smem:$0x3FA9]  }
0x28: {  	s2 =	sld [smem:$0x3FAA]  }
0x29: {  	s4 =	sld [smem:$0x3FAC]  }
0x2a: {  	p0 =	seq.s32 s5, $0x0;
	s5 =	sld [smem:$0x3FAD]  }
0x2b: {  	s6 =	sld [smem:$0x3FAE]  }
0x2c: {  	s7 =	sld [smem:$0x3FAF]  }
0x2d: {  	s3 =	simm.s32 $0x108;
	s8 =	sld [smem:$0x3FB0]  }
0x2e: {  	s3 =	simm.s32 @!p0 $0x1082;
	s9 =	sld [smem:$0x3FB1]  }
0x2f: {  	lr =	sadd.s32 s0, s3;
	s0 =	sld [smem:$0x3FA8]  }
0x30: {  	s3 =	sld [smem:$0x3FAB]  }
0x31: {  	[smem:$0x3FB4] =	sst s10  }
0x32: {  	s10 =	sld [smem:$0x3FB2];
	_ =	sdelay $0x3  }
0x33: {  	p0 =	seq.s32 s10, $0x1;
	s10 =	sld [smem:$0x3FB4];
	_ =	sdelay $0x3  }
0x34: {  	[smem:$0x3FB4] =	sst s10  }
0x35: {  	s10 =	sld [smem:$0x3FB3];
	_ =	sdelay $0x3  }
0x36: {  	p1 =	seq.s32 s10, $0x1;
	s10 =	sld [smem:$0x3FB4];
	_ =	sdelay $0x3  }
0x37: {  	[smem:$0x3FB4] =	sst s10  }
0x38: {  	s10 =	sld [smem:$0x3FB5]  }
0x39: {  	_ = 	snop;
	(pc) =	sbr.ind lr, $3  }
0x3a: {  	_ = 	snop  }
0x3b: {  	_ = 	snop  }
0x3c: {  	p2 =	seq.s32 s10, $0x1;
	s10 =	sld [smem:$0x3FB4]  }
0x3d: {  	_ =	shalt  }
0x3e: {  	_ =	shalt  }
0x3f: {  	_ =	shalt  }
0x40: {  	_ =	shalt  }
0x41: {  	_ =	shalt  }
0x42: {  	_ =	shalt  }
0x43: {  	_ =	shalt  }
0x44: {  	_ =	shalt  }
0x45: {  	_ =	shalt  }
0x46: {  	_ =	shalt  }
0x47: {  	_ =	shalt  }
0x48: {  	_ =	shalt  }
0x49: {  	_ =	shalt  }
0x4a: {  	_ =	shalt  }
0x4b: {  	_ =	shalt  }
0x4c: {  	_ =	shalt  }
0x4d: {  	_ =	shalt  }
0x4e: {  	_ =	shalt  }
0x4f: {  	_ =	shalt  }
0x50: {  	_ =	shalt  }
0x51: {  	_ =	shalt  }
0x52: {  	_ =	shalt  }
0x53: {  	_ =	shalt  }
0x54: {  	_ =	shalt  }
0x55: {  	_ =	shalt  }
0x56: {  	_ =	shalt  }
0x57: {  	_ =	shalt  }
0x58: {  	_ =	shalt  }
0x59: {  	_ =	shalt  }
0x5a: {  	_ =	shalt  }
0x5b: {  	_ =	shalt  }
0x5c: {  	_ =	shalt  }
0x5d: {  	_ =	shalt  }
0x5e: {  	_ =	shalt  }
0x5f: {  	_ =	shalt  }
0x60: {  	_ =	shalt  }
0x61: {  	_ =	shalt  }
0x62: {  	_ =	shalt  }
0x63: {  	_ =	shalt  }
0x64: {  	_ =	shalt  }
0x65: {  	_ =	shalt  }
0x66: {  	_ =	shalt  }
0x67: {  	_ =	shalt  }
0x68: {  	_ =	shalt  }
0x69: {  	_ =	shalt  }
0x6a: {  	_ =	shalt  }
0x6b: {  	_ =	shalt  }
0x6c: {  	_ =	shalt  }
0x6d: {  	_ =	shalt  }
0x6e: {  	_ =	shalt  }
0x6f: {  	_ =	shalt  }
0x70: {  	_ =	shalt  }
0x71: {  	_ =	shalt  }
0x72: {  	_ =	shalt  }
0x73: {  	_ =	shalt  }
0x74: {  	_ =	shalt  }
0x75: {  	_ =	shalt  }
0x76: {  	_ =	shalt  }
0x77: {  	_ =	shalt  }
0x78: {  	_ =	shalt  }
0x79: {  	_ =	shalt  }
0x7a: {  	_ =	shalt  }
0x7b: {  	_ =	shalt  }
0x7c: {  	_ =	shalt  }
0x7d: {  	_ =	shalt  }
0x7e: {  	_ =	shalt  }
0x7f: {  	_ =	shalt  }
0x80: {  	_ =	shalt  }
0x81: {  	_ =	shalt  }
0x82: {  	_ =	shalt  }
0x83: {  	_ =	shalt  }
0x84: {  	_ =	shalt  }
0x85: {  	_ =	shalt  }
0x86: {  	_ =	shalt  }
0x87: {  	_ =	shalt  }
.Lfunc_end0:
.L_simem_size_0:
called_computation.1_lowered:
.L_overlay_start_0:
0x88: {  	s2 =	sld [smem:$0x3FD9]  }
0x89: {  	s3 =	sld [smem:$0x3FFE];
	_ =	sdelay $0x1  }
0x8a: {  	s1 =	srdreg.scid  }
0x8b: {  	s0 =	sand.u32 $0x1, s1  }
0x8c: {  	s17 =	sshll.u32 s0, $0xA;
	s2 =	sadd.s32 s3, s2  }
0x8d: {  	s2 =	sadd.s32 s2, s17  }
0x8e: {  	[smem:$0x3FC0] =	sst s2  }
0x8f: {  	_ = 	snop  }
0x90: {  	s2 =	sld [smem:$0x3FD0];
	(tm) =	ssettm $0x1  }
0x91: {  	s18 =	sld [smem:$0x3FFB];
	_ =	sdelay $0x3  }
0x92: {  	_ =	strace s18  }
0x93: {  	s3 =	sld [smem:$0x3FFC];
	_ =	sdelay $0x3  }
0x94: {  	_ =	strace s3  }
0x95: {  	s3 =	sld [smem:$0x3FFD];
	_ =	sdelay $0x3  }
0x96: {  	_ =	strace s3  }
0x97: {  	_ =	strace $0x8FFFFFFF  }
0x98: {  	s19 =	sld [smem:$0x3FDB];
	_ =	sdelay $0x1  }
0x99: {  	s4 =	simm.s32 $_scs_section_size  }
0x9a: {  	s5 =	simm.s32 $_size__tile_overlayer_lowered;
	s6 =	simm.s32 $_tile_overlayer_lowered  }
0x9b: {  	s22 =	simm.s32 $0x1BFF;
	s21 =	sshll.u32 s6, $0x1;
	s3 =	sadd.s32 s4, s19  }
0x9c: {  	s7 =	simm.s32 $0x0;
	s20 =	sshll.u32 s5, $0x1;
	s5 =	sadd.s32 s21, s3  }
0x9d: {  	[timem:s7], [sflag:s22] =	dma.local [hbm:s5], s20  }
0x9e: {  	_ =	swait.ge [sflag:s22], s20  }
0x9f: {  	s4 =	ssub.s32 $0x0, s20;
	[sflag:s22] =	ssyncset.done $0x0  }
0xa0: {  	[sflag:s22] =	ssyncadd.s32 s4;
	_ =	sdelay $0x1  }
0xa1: {  	s23 =	simm.s32 $0x1B8B  }
0xa2: {  	_ =	swait.ge [sflag:s23], $0x1  }
0xa3: {  	[sflag:s23] =	ssyncset.done $0x0  }
0xa4: {  	s25 =	simm.s32 $0x1B8E;
	s24 =	sld [smem:$0x3FFE];
	[sflag:s23] =	ssyncadd.s32 $0xFFFFFFFF  }
0xa5: {  	s26 =	simm.s32 $execute0_lowered;
	[smem:$0x3FD2] =	sst s25  }
0xa6: {  	s5 =	sshll.u32 s26, $0x1;
	_ =	strace $0x80000049;
	[dreg:$0x1] =	wrdreg $0xFFFFFFFF  }
0xa7: {  	s28 =	simm.s32 $_size_execute0_lowered;
	s3 =	sadd.s32 s3, s5;
	[dreg:$0x0] =	wrdreg $0x0  }
0xa8: {  	s5 =	sshll.u32 s28, $0x1;
	[dreg:$0x2] =	wrdreg s3  }
0xa9: {  	[dreg:$0x3] =	wrdreg s5  }
0xaa: {  	[dreg:$0x4] =	wrdreg $0xC0  }
0xab: {  	_ =	task [dreg:s7], $0x5FFFF  }
0xac: {  	[dreg:$0x1] =	wrdreg $0xFFFFFFFF  }
0xad: {  	[dreg:$0x0] =	wrdreg $0x60  }
0xae: {  	[dreg:$0x2] =	wrdreg s24  }
0xaf: {  	[dreg:$0x3] =	wrdreg s2  }
0xb0: {  	[dreg:$0x4] =	wrdreg $0x12F000  }
0xb1: {  	[dreg:$0x5] =	wrdreg $0xDF000  }
0xb2: {  	[dreg:$0x6] =	wrdreg $0x9  }
0xb3: {  	_ =	task.clear_ibuf [dreg:s7], $0x7FFFF;
	_ =	strace $0x90000049  }
0xb4: {  	s29 =	simm.s32 $0x9;
	_ =	strace $0x8000004B  }
0xb5: {  	_ =	swait.ge [sflag:s29], $0x1  }
0xb6: {  	[sflag:s29] =	ssyncadd.s32 $0xFFFFFFFF  }
0xb7: {  	_ =	strace $0x9000004B  }
0xb8: {  	_ =	sfence  }
0xb9: {  	s30 =	sld [smem:$0x0];
	_ =	sdelay $0x2  }
0xba: {  	s31 =	sshll.u32 s1, $0xD;
	s1 =	sshrl.u32 s1, $0x2  }
0xbb: {  	s3 =	sand.u32 $0x4000, s31;
	s1 =	sadd.s32 s1, s30  }
0xbc: {  	s0 =	sor.u32 s3, s0;
	s1 =	sshll.u32 s1, $0x11  }
0xbd: {  	s0 =	sor.u32 s1, s0  }
0xbe: {  	s0 =	sadd.s32 $0x8F2B, s0  }
0xbf: {  	[sflag:s0] =	ssyncadd.remote.s32 $0x1  }
0xc0: {  	_ =	sfence.sel $0xFFFF  }
0xc1: {  	[dreg:$0x0] =	wrdreg $0xFFFFFFFF;
	(pc) =	sbr.abs _section_cstart, $3  }
0xc2: {  	[dreg:$0x1] =	wrdreg $0xFFFFFFFF  }
0xc3: {  	_ =	task.clear_ibuf [dreg:s7], $0x2FFFF;
	_ =	strace $0x9FFFFFFF  }
0xc4: {  	(tm) =	ssettm $0x7FFFFFFF  }
0xc5: {  	_ =	shalt  }
tec
execute0_lowered:
.L_overlay_start_1:
0x0: {  	(tag) =	ssettag $0x1  }
0x1: {  	s0 =	rddreg [dreg:$0x0]  }
0x2: {  	s2 =	rddreg [dreg:$0x1]  }
0x3: {  	s1 =	rddreg [dreg:$0x2]  }
0x4: {  	s3 =	rddreg [dreg:$0x3];
	s4 =	simm.s32 $0x0  }
0x5: {  	s18 =	stileid.u32;
	s5 =	srdreg.scid;
	s19 =	simm.s32 $0x80  }
0x6: {  	s20 =	simm.s32 $0x4F00;
	s21 =	simm.s32 $0x5F00;
	s23 =	simm.s32 $0x6F00  }
0x7: {  	s28 =	simm.s32 $0x1;
	s29 =	simm.s32 $0x2;
	s30 =	simm.s32 $0x3  }
0x8: {  	s31 =	simm.s32 $0x4;
	[smem:$0x7FF] =	sst s4;
	s8 =	smul.u32 $0x5000, s18  }
0x9: {  	s16 =	sand.u32 $0x1, s5;
	s6 =	sshll.u32 s18, $0x1;
	p0 =	slt.u32 s18, $0x2  }
0xa: {  	s12 =	smul.u32 $0x9C, s18;
	s13 =	sshll.u32 s18, $0x6;
	p1 =	sgt.u32 s18, $0x1  }
0xb: {  	s18 =	simm.s32 $0x5;
	_ =	strace $0x8000004A;
	s15 =	smul.u32 $0x4E, s16  }
0xc: {  	s5 =	ssub.s32 $0x2, s16;
	s6 =	sor.u32 s16, s6;
	s25 =	smul.u32 $0xA000, s16  }
0xd: {  	s22 =	sshrl.u32 s8, $0x3;
	s9 =	sshrl.u32 s5, $0x1;
	s24 =	smul.u32 $0x4E, s6  }
0xe: {  	s10 =	smin.u32 s6, $0x4;
	s14 =	sadd.s32 s8, s1;
	s8 =	sadd.s32 s8, s3  }
0xf: {  	s7 =	sadd.s32 s22, s0;
	s0 =	sadd.s32 $0x1800, s0;
	s11 =	ssub.s32 s5, s9  }
0x10: {  	s5 =	simm.s32 $0x4F;
	s2 =	sadd.s32 s2, s25;
	s14 =	sshrl.u32 s14, $0x3  }
0x11: {  	s5 =	simm.s32 @!p0 $0x4E;
	s9 =	sadd.s32 s10, s24;
	s6 =	sadd.s32 $0x15200, s7  }
0x12: {  	s7 =	sor.u32 $0x1C06, s13;
	s10 =	sadd.s32 s12, s10;
	s11 =	smax.u32 s11, $0x1  }
0x13: {  	p0 =	sne.s32 s16, $0x0;
	s16 =	simm.s32 $0x8F00;
	s24 =	sadd.s32 s22, s2  }
0x14: {  	s9 =	sshll.u32 s9, $0x4;
	s10 =	sadd.s32 s15, s10;
	s13 =	sadd.s32 $0xFFFFFFB4, s5  }
0x15: {  	s15 =	simm.s32 $0x6;
	s9 =	sadd.s32 s0, s9;
	s26 =	sshll.u32 s10, $0x4  }
0x16: {  	s17 =	sshrl.u32 @!p0 s8, $0x3;
	s10 =	sadd.s32 $0x4E0, s9;
	s0 =	sadd.s32 s26, s0  }
0x17: {  	v0 =	vimm.f32 $0.0e+00;
	s26 =	simm.s32 $0x7F00;
	s12 =	sadd.s32 $0x9C40, s0;
	s0 =	simm.s32 $0x0  }
.LBB2_1:
0x18: {  	[spmem:s14], [sflag:s7] =	dma.local [hbm:s6], $0xA00  }
0x19: {  	_ =	swait.ge [sflag:s15], $0xA00  }
0x1a: {  	[sflag:s15] =	ssyncset.done $0x0  }
0x1b: {  	s2 =	simm.s32 $0x80;
	s22 =	simm.s32 $0x0;
	[sflag:s15] =	ssyncadd.s32 $0xFFFFF600  }
.LBB2_2:
0x1c: {  	p2 =	sne.s32 s2, $0x13F80;
	[tilespmem:s22+$0x8F00] =	vst v0;
	s25 =	smov.u32 s2;
	s2 =	sadd.s32 $0x80, s2  }
.Ltmp0:
0x1d: {  	[tilespmem:s22+$0x8F10] =	vst v0;
	(pc) =	sbr.rel @p2 .LBB2_2-.Ltmp0, $2  }
0x1e: {  	_ =	sdelay $0x2  }
0x1f: {  	s22 =	sshra.s32 s25, $0x2  }
0x20: {  	[tilespmem:s22+$0x8F00] =	vst v0  }
0x21: {  	[tilespmem:s22+$0x8F10] =	vst v0  }
0x22: {  	[spmem:s8] =	stream.linear.scatter [tilespmem:s16], [sflag:$0x6], $0x5000, $0x38;
	[tilespmem:$0x17F00] =	vst v63  }
0x23: {  	_ =	swait.ge [sflag:s15], $0x5000  }
0x24: {  	[sflag:s15] =	ssyncset.done $0x0  }
0x25: {  	[sflag:s15] =	ssyncadd.s32 $0xFFFFB000  }
0x26: {  	s2 =	simm.s32 @!p0 $0x6;
	[bflag:$0x0] =	sbarrier.arrive $0xFFFF  }
0x27: {  	[spmem:s17], [sflag:s7] =	dma.local @!p0 [hbm:s6], $0xA00  }
0x28: {  	_ =	swait.ge @!p0 [sflag:s2], $0xA00  }
0x29: {  	[sflag:s2] =	ssyncset.done @!p0 $0x0  }
0x2a: {  	[sflag:s2] =	ssyncadd.s32 @!p0 $0xFFFFF600  }
0x2b: {  	[tilespmem:s4], [sflag:$0x6] =	stream.linear.gather [hbm4b:s9+s4], $0x2700, $0x38;
	[tilespmem:$0x17F00] =	vst v63  }
0x2c: {  	_ =	swait.ge [sflag:s15], $0x2700  }
0x2d: {  	s22 =	simm.s32 @!p1 $0x2700;
	[sflag:s15] =	ssyncset.done $0x0  }
0x2e: {  	p2 =	sne.s32 s5, $0x1;
	s2 =	simm.s32 @!p1 $0x0;
	[sflag:s15] =	ssyncadd.s32 $0xFFFFD900  }
0x2f: {  	[tilespmem:s22], [sflag:$0x6] =	stream.linear.gather @!p1 [hbm4b:s10+s2], $0x80, $0x38;
	[tilespmem:$0x17F00] =	vst v63  }
.Ltmp1:
0x30: {  	s2 =	simm.s32 @!p1 $0x6;
	(pc) =	sbr.rel @!p2 .LBB2_5-.Ltmp1, $4  }
0x31: {  	_ =	swait.ge @!p1 [sflag:s2], $0x80  }
0x32: {  	s25 =	smov.u32 s12;
	[sflag:s2] =	ssyncset.done @!p1 $0x0  }
0x33: {  	s22 =	sadd.s32 $0xFFFFFFFF, s5;
	[sflag:s2] =	ssyncadd.s32 @!p1 $0xFFFFFF80;
	s2 =	simm.s32 $0x2780  }
0x34: {  	[tilespmem:s2], [sflag:$0x5] =	stream.linear.gather [hbm4b:s12+s4], $0x80, $0x38;
	[tilespmem:$0x17F00] =	vst v63  }
.LBB2_4:
0x35: {  	p3 =	sne.s32 s22, $0x1  }
.Ltmp2:
0x36: {  	_ = 	snop;
	(pc) =	sbr.rel @p3 .LBB2_4-.Ltmp2, $4  }
0x37: {  	_ = 	snop  }
0x38: {  	s25 =	sadd.s32 $0x10, s25;
	s2 =	sadd.s32 $0x80, s2  }
0x39: {  	s22 =	sadd.s32 $0xFFFFFFFF, s22  }
0x3a: {  	[tilespmem:s2], [sflag:$0x5] =	stream.linear.gather [hbm4b:s25+s4], $0x80, $0x38;
	[tilespmem:$0x17F00] =	vst v63  }
.LBB2_5:
.Ltmp3:
0x3b: {  	(pc) =	sbr.rel @!p2 .LBB2_7-.Ltmp3, $3  }
0x3c: {  	_ =	sdelay $0x1  }
0x3d: {  	_ =	swait.ge [sflag:s18], $0x80  }
0x3e: {  	s2 =	sadd.s32 $0xFFFFFFFF, s5;
	[sflag:s18] =	ssyncset.done $0x0  }
.LBB2_6:
0x3f: {  	p2 =	sne.s32 s2, $0x1;
	s2 =	sadd.s32 $0xFFFFFFFF, s2;
	[sflag:s18] =	ssyncadd.s32 $0xFFFFFF80  }
.Ltmp4:
0x40: {  	(pc) =	sbr.rel @p2 .LBB2_6-.Ltmp4, $3  }
0x41: {  	_ =	sdelay $0x1  }
0x42: {  	_ =	swait.ge [sflag:s18], $0x80  }
0x43: {  	[sflag:s18] =	ssyncset.done $0x0  }
.LBB2_7:
0x44: {  	[sflag:s18] =	ssyncadd.s32 $0xFFFFFF80  }
0x45: {  	s2 =	simm.s32 $0x0;
	[bflag:$0x0] =	sbarrier.arrive $0xFFFF  }
0x46: {  	[tilespmem:s20], [sflag:$0x1] =	stream.indirect.gather [spmem:s1], $0x20, s2, s19, $0xb8;
	[tilespmem:$0x17F00] =	vst v63  }
0x47: {  	_ = 	snop  }
0x48: {  	[tilespmem:s21], [sflag:$0x2] =	stream.indirect.gather [spmem:s1], $0x20, s19, s19, $0xb8;
	[tilespmem:$0x17F00] =	vst v63  }
0x49: {  	s25 =	simm.s32 $0x100  }
0x4a: {  	[tilespmem:s23], [sflag:$0x3] =	stream.indirect.gather [spmem:s1], $0x20, s25, s19, $0xb8;
	[tilespmem:$0x17F00] =	vst v63  }
0x4b: {  	s22 =	simm.s32 $0x180  }
0x4c: {  	[tilespmem:s26], [sflag:$0x4] =	stream.indirect.gather [spmem:s1], $0x20, s22, s19, $0xb8;
	[tilespmem:$0x17F00] =	vst v63  }
0x4d: {  	_ =	swait.ge [sflag:s28], $0x1000  }
0x4e: {  	[sflag:s28] =	ssyncset.done $0x0  }
0x4f: {  	s25 =	simm.s32 $0x2780;
	[sflag:s28] =	ssyncadd.s32 $0xFFFFF000  }
0x50: {  	[spmem:s3] =	stream.indirect.scatter.add.f32 [tilespmem:s20], [sflag:$0x6], $0x20, s25, s19, $0xb8;
	[tilespmem:$0x17F00] =	vst v63  }
0x51: {  	_ =	swait.ge [sflag:s15], $0x1000  }
0x52: {  	[sflag:s15] =	ssyncset.done $0x0  }
0x53: {  	s22 =	simm.s32 $0x200;
	[sflag:s15] =	ssyncadd.s32 $0xFFFFF000  }
0x54: {  	[tilespmem:s20], [sflag:$0x1] =	stream.indirect.gather [spmem:s1], $0x20, s22, s19, $0xb8;
	[tilespmem:$0x17F00] =	vst v63  }
0x55: {  	_ =	swait.ge [sflag:s29], $0x1000  }
0x56: {  	[sflag:s29] =	ssyncset.done $0x0  }
0x57: {  	s25 =	simm.s32 $0x2800;
	[sflag:s29] =	ssyncadd.s32 $0xFFFFF000  }
0x58: {  	[spmem:s3] =	stream.indirect.scatter.add.f32 [tilespmem:s21], [sflag:$0x6], $0x20, s25, s19, $0xb8;
	[tilespmem:$0x17F00] =	vst v63  }
0x59: {  	_ =	swait.ge [sflag:s15], $0x1000  }
0x5a: {  	[sflag:s15] =	ssyncset.done $0x0  }
0x5b: {  	s22 =	simm.s32 $0x280;
	[sflag:s15] =	ssyncadd.s32 $0xFFFFF000  }
0x5c: {  	[tilespmem:s21], [sflag:$0x2] =	stream.indirect.gather [spmem:s1], $0x20, s22, s19, $0xb8;
	[tilespmem:$0x17F00] =	vst v63  }
0x5d: {  	_ =	swait.ge [sflag:s30], $0x1000  }
0x5e: {  	[sflag:s30] =	ssyncset.done $0x0  }
0x5f: {  	s25 =	simm.s32 $0x2880;
	[sflag:s30] =	ssyncadd.s32 $0xFFFFF000  }
0x60: {  	[spmem:s3] =	stream.indirect.scatter.add.f32 [tilespmem:s23], [sflag:$0x6], $0x20, s25, s19, $0xb8;
	[tilespmem:$0x17F00] =	vst v63  }
0x61: {  	_ =	swait.ge [sflag:s15], $0x1000  }
0x62: {  	[sflag:s15] =	ssyncset.done $0x0  }
0x63: {  	s22 =	simm.s32 $0x300;
	[sflag:s15] =	ssyncadd.s32 $0xFFFFF000  }
0x64: {  	[tilespmem:s23], [sflag:$0x3] =	stream.indirect.gather [spmem:s1], $0x20, s22, s19, $0xb8;
	[tilespmem:$0x17F00] =	vst v63  }
0x65: {  	_ =	swait.ge [sflag:s31], $0x1000  }
0x66: {  	[sflag:s31] =	ssyncset.done $0x0  }
0x67: {  	s25 =	simm.s32 $0x2900;
	[sflag:s31] =	ssyncadd.s32 $0xFFFFF000  }
0x68: {  	[spmem:s3] =	stream.indirect.scatter.add.f32 [tilespmem:s26], [sflag:$0x6], $0x20, s25, s19, $0xb8;
	[tilespmem:$0x17F00] =	vst v63  }
0x69: {  	_ =	swait.ge [sflag:s15], $0x1000  }
0x6a: {  	[sflag:s15] =	ssyncset.done $0x0  }
0x6b: {  	s2 =	simm.s32 $0x800;
	s22 =	simm.s32 $0x380;
	[sflag:s15] =	ssyncadd.s32 $0xFFFFF000  }
.LBB2_8:
0x6c: {  	[tilespmem:s26], [sflag:$0x4] =	stream.indirect.gather [spmem:s1], $0x20, s22, s19, $0xb8;
	[tilespmem:$0x17F00] =	vst v63  }
0x6d: {  	s22 =	smov.u32 s2  }
0x6e: {  	p2 =	sne.s32 s2, $0x8800;
	s2 =	sadd.s32 $0x800, s2;
	_ =	swait.ge [sflag:s28], $0x1000  }
0x6f: {  	s22 =	sshra.s32 s22, $0x2;
	[sflag:s28] =	ssyncset.done $0x0  }
0x70: {  	s25 =	sadd.s32 $0x2780, s22;
	[sflag:s28] =	ssyncadd.s32 $0xFFFFF000  }
0x71: {  	[spmem:s3] =	stream.indirect.scatter.add.f32 [tilespmem:s20], [sflag:$0x6], $0x20, s25, s19, $0xb8;
	[tilespmem:$0x17F00] =	vst v63  }
0x72: {  	_ =	swait.ge [sflag:s15], $0x1000  }
0x73: {  	[sflag:s15] =	ssyncset.done $0x0  }
0x74: {  	s25 =	sadd.s32 $0x200, s22;
	[sflag:s15] =	ssyncadd.s32 $0xFFFFF000  }
0x75: {  	[tilespmem:s20], [sflag:$0x1] =	stream.indirect.gather [spmem:s1], $0x20, s25, s19, $0xb8;
	[tilespmem:$0x17F00] =	vst v63  }
0x76: {  	_ =	swait.ge [sflag:s29], $0x1000  }
0x77: {  	[sflag:s29] =	ssyncset.done $0x0  }
0x78: {  	s25 =	sadd.s32 $0x2800, s22;
	[sflag:s29] =	ssyncadd.s32 $0xFFFFF000  }
0x79: {  	[spmem:s3] =	stream.indirect.scatter.add.f32 [tilespmem:s21], [sflag:$0x6], $0x20, s25, s19, $0xb8;
	[tilespmem:$0x17F00] =	vst v63  }
0x7a: {  	_ =	swait.ge [sflag:s15], $0x1000  }
0x7b: {  	[sflag:s15] =	ssyncset.done $0x0  }
0x7c: {  	s25 =	sadd.s32 $0x280, s22;
	[sflag:s15] =	ssyncadd.s32 $0xFFFFF000  }
0x7d: {  	[tilespmem:s21], [sflag:$0x2] =	stream.indirect.gather [spmem:s1], $0x20, s25, s19, $0xb8;
	[tilespmem:$0x17F00] =	vst v63  }
0x7e: {  	_ =	swait.ge [sflag:s30], $0x1000  }
0x7f: {  	[sflag:s30] =	ssyncset.done $0x0  }
0x80: {  	s25 =	sadd.s32 $0x2880, s22;
	[sflag:s30] =	ssyncadd.s32 $0xFFFFF000  }
0x81: {  	[spmem:s3] =	stream.indirect.scatter.add.f32 [tilespmem:s23], [sflag:$0x6], $0x20, s25, s19, $0xb8;
	[tilespmem:$0x17F00] =	vst v63  }
0x82: {  	_ =	swait.ge [sflag:s15], $0x1000  }
0x83: {  	[sflag:s15] =	ssyncset.done $0x0  }
0x84: {  	s25 =	sadd.s32 $0x300, s22;
	[sflag:s15] =	ssyncadd.s32 $0xFFFFF000  }
0x85: {  	[tilespmem:s23], [sflag:$0x3] =	stream.indirect.gather [spmem:s1], $0x20, s25, s19, $0xb8;
	[tilespmem:$0x17F00] =	vst v63  }
0x86: {  	_ =	swait.ge [sflag:s31], $0x1000  }
0x87: {  	[sflag:s31] =	ssyncset.done $0x0  }
.Ltmp5:
0x88: {  	s25 =	sadd.s32 $0x2900, s22;
	[sflag:s31] =	ssyncadd.s32 $0xFFFFF000;
	(pc) =	sbr.rel @p2 .LBB2_8-.Ltmp5, $4  }
0x89: {  	[spmem:s3] =	stream.indirect.scatter.add.f32 [tilespmem:s26], [sflag:$0x6], $0x20, s25, s19, $0xb8;
	[tilespmem:$0x17F00] =	vst v63  }
0x8a: {  	_ =	swait.ge [sflag:s15], $0x1000  }
0x8b: {  	[sflag:s15] =	ssyncset.done $0x0  }
0x8c: {  	s22 =	sadd.s32 $0x380, s22;
	[sflag:s15] =	ssyncadd.s32 $0xFFFFF000  }
0x8d: {  	[tilespmem:s26], [sflag:$0x4] =	stream.indirect.gather [spmem:s1], $0x20, s22, s19, $0xb8;
	[tilespmem:$0x17F00] =	vst v63  }
0x8e: {  	_ =	swait.ge [sflag:s28], $0x1000  }
0x8f: {  	[sflag:s28] =	ssyncset.done $0x0  }
0x90: {  	s2 =	simm.s32 $0x4B80;
	[sflag:s28] =	ssyncadd.s32 $0xFFFFF000  }
0x91: {  	[spmem:s3] =	stream.indirect.scatter.add.f32 [tilespmem:s20], [sflag:$0x6], $0x20, s2, s19, $0xb8;
	[tilespmem:$0x17F00] =	vst v63  }
0x92: {  	_ =	swait.ge [sflag:s15], $0x1000  }
0x93: {  	[sflag:s15] =	ssyncset.done $0x0  }
0x94: {  	[sflag:s15] =	ssyncadd.s32 $0xFFFFF000  }
0x95: {  	_ =	swait.ge [sflag:s29], $0x1000  }
0x96: {  	[sflag:s29] =	ssyncset.done $0x0  }
0x97: {  	s25 =	simm.s32 $0x4C00;
	[sflag:s29] =	ssyncadd.s32 $0xFFFFF000  }
0x98: {  	[spmem:s3] =	stream.indirect.scatter.add.f32 [tilespmem:s21], [sflag:$0x6], $0x20, s25, s19, $0xb8;
	[tilespmem:$0x17F00] =	vst v63  }
0x99: {  	_ =	swait.ge [sflag:s15], $0x1000  }
0x9a: {  	[sflag:s15] =	ssyncset.done $0x0  }
0x9b: {  	[sflag:s15] =	ssyncadd.s32 $0xFFFFF000  }
0x9c: {  	_ =	swait.ge [sflag:s30], $0x1000  }
0x9d: {  	[sflag:s30] =	ssyncset.done $0x0  }
0x9e: {  	s22 =	simm.s32 $0x4C80;
	[sflag:s30] =	ssyncadd.s32 $0xFFFFF000  }
0x9f: {  	[spmem:s3] =	stream.indirect.scatter.add.f32 [tilespmem:s23], [sflag:$0x6], $0x20, s22, s19, $0xb8;
	[tilespmem:$0x17F00] =	vst v63  }
0xa0: {  	_ =	swait.ge [sflag:s15], $0x1000  }
0xa1: {  	[sflag:s15] =	ssyncset.done $0x0  }
0xa2: {  	[sflag:s15] =	ssyncadd.s32 $0xFFFFF000  }
0xa3: {  	_ =	swait.ge [sflag:s31], $0x1000  }
0xa4: {  	[sflag:s31] =	ssyncset.done $0x0  }
0xa5: {  	s25 =	simm.s32 $0x4D00;
	[sflag:s31] =	ssyncadd.s32 $0xFFFFF000  }
0xa6: {  	[spmem:s3] =	stream.indirect.scatter.add.f32 [tilespmem:s26], [sflag:$0x6], $0x20, s25, s19, $0xb8;
	[tilespmem:$0x17F00] =	vst v63  }
0xa7: {  	_ =	swait.ge [sflag:s15], $0x1000  }
0xa8: {  	[sflag:s15] =	ssyncset.done $0x0  }
0xa9: {  	s2 =	simm.s32 $0x2600;
	[sflag:s15] =	ssyncadd.s32 $0xFFFFF000  }
0xaa: {  	[tilespmem:s20], [sflag:$0x1] =	stream.indirect.gather [spmem:s1], $0x20, s2, s19, $0xb8;
	[tilespmem:$0x17F00] =	vst v63  }
0xab: {  	p2 =	sne.s32 s13, $0x1;
	_ =	swait.ge [sflag:s28], $0x1000  }
.Ltmp6:
0xac: {  	[sflag:s28] =	ssyncset.done $0x0;
	(pc) =	sbr.rel @!p2 .LBB2_11-.Ltmp6, $4  }
0xad: {  	s22 =	simm.s32 $0x4D80;
	[sflag:s28] =	ssyncadd.s32 $0xFFFFF000  }
0xae: {  	[spmem:s3] =	stream.indirect.scatter.add.f32 [tilespmem:s20], [sflag:$0x6], $0x20, s22, s19, $0xb8;
	[tilespmem:$0x17F00] =	vst v63  }
0xaf: {  	_ =	swait.ge [sflag:s15], $0x1000  }
0xb0: {  	s25 =	sadd.s32 $0xFFFFFFFF, s13;
	[sflag:s15] =	ssyncset.done $0x0  }
.LBB2_10:
0xb1: {  	[sflag:s15] =	ssyncadd.s32 $0xFFFFF000;
	s2 =	sadd.s32 $0x80, s2;
	s22 =	sadd.s32 $0x80, s22  }
0xb2: {  	[tilespmem:s20], [sflag:$0x1] =	stream.indirect.gather [spmem:s1], $0x20, s2, s19, $0xb8;
	[tilespmem:$0x17F00] =	vst v63  }
0xb3: {  	p2 =	sne.s32 s25, $0x1;
	s25 =	sadd.s32 $0xFFFFFFFF, s25;
	_ =	swait.ge [sflag:s28], $0x1000  }
.Ltmp7:
0xb4: {  	[sflag:s28] =	ssyncset.done $0x0;
	(pc) =	sbr.rel @p2 .LBB2_10-.Ltmp7, $4  }
0xb5: {  	[sflag:s28] =	ssyncadd.s32 $0xFFFFF000  }
0xb6: {  	[spmem:s3] =	stream.indirect.scatter.add.f32 [tilespmem:s20], [sflag:$0x6], $0x20, s22, s19, $0xb8;
	[tilespmem:$0x17F00] =	vst v63  }
0xb7: {  	_ =	swait.ge [sflag:s15], $0x1000  }
0xb8: {  	[sflag:s15] =	ssyncset.done $0x0  }
.LBB2_11:
0xb9: {  	[sflag:s15] =	ssyncadd.s32 $0xFFFFF000  }
0xba: {  	[bflag:$0x0] =	sbarrier.arrive $0xFFFF  }
0xbb: {  	[tilespmem:s16], [sflag:$0x6] =	stream.linear.gather [spmem:s8], $0x5000, $0x38;
	[tilespmem:$0x17F00] =	vst v63  }
0xbc: {  	s0 =	sadd.s32 $0x1, s0;
	_ =	swait.ge [sflag:s15], $0x5000  }
0xbd: {  	p2 =	sne.s32 s0, s11;
	[sflag:s15] =	ssyncset.done $0x0  }
.Ltmp8:
0xbe: {  	[sflag:s15] =	ssyncadd.s32 $0xFFFFB000;
	(pc) =	sbr.rel @p2 .LBB2_1-.Ltmp8, $4  }
0xbf: {  	[hbm4b:s24+s4] =	stream.linear.scatter [tilespmem:s16], [sflag:$0x6], $0x5000, $0x38;
	[tilespmem:$0x17F00] =	vst v63  }
0xc0: {  	_ =	swait.ge [sflag:s15], $0x5000  }
0xc1: {  	[sflag:s15] =	ssyncset.done $0x0  }
0xc2: {  	[sflag:s15] =	ssyncadd.s32 $0xFFFFB000  }
0xc3: {  	_ =	sfence.sel $0x180000  }
0xc4: {  	[bflag:$0x0] =	sbarrier.arrive $0xFFFF  }
0xc5: {  	_ =	strace $0x9000004A  }
0xc6: {  	s0 =	stileid.u32;
	[bflag:$0x2] =	sbarrier.arrive $0xFFFF  }
0xc7: {  	p0 =	sne.s32 s0, $0x0;
	s0 =	rddreg [dreg:$0x4]  }
0xc8: {  	s0 =	sadd.s32 @!p0 $0x100000, s0  }
0xc9: {  	[sflag:s0] =	ssyncadd.tile.s32 @!p0 $0x1;
	_ =	shalt  }
.Lfunc_end2:
_tile_overlayer_lowered:
.L_overlay_start_2:
0xca: {  	(tag) =	ssettag $0x2  }
0xcb: {  	s0 =	rddreg [dreg:$0x0];
	s2 =	stileid.u32  }
0xcc: {  	s1 =	rddreg [dreg:$0x1];
	p0 =	sne.s32 s2, $0x0  }
0xcd: {  	s3 =	rddreg [dreg:$0x2];
	[bflag:$0x3] =	sbarrier.arrive $0xFFFF;
	s2 =	simm.s32 @!p0 $0x1C06  }
0xce: {  	[timem:s3], [sflag:s2] =	dma.local @!p0 [hbm:s0], s1  }
0xcf: {  	s0 =	simm.s32 @!p0 $0x6  }
0xd0: {  	_ =	swait.ge @!p0 [sflag:s0], s1  }
0xd1: {  	s1 =	ssub.s32 @!p0 $0x0, s1;
	[sflag:s0] =	ssyncset.done @!p0 $0x0  }
0xd2: {  	[sflag:s0] =	ssyncadd.s32 @!p0 s1  }
0xd3: {  	[bflag:$0x3] =	sbarrier.arrive $0xFFFF  }
0xd4: {  	_ =	shalt  }

// kernel: kernel.7.cloned.1.call-start
scs
__scs_entry_jumppad:
0x0: {  	(pc) =	sbr.rel $0x88, $3  }
0x1: {  	(tag) =	ssettag $0x0;
	lr =	simm.s32 $0x1  }
0x2: {  	[smem:$0x3F99] =	sst lr;
	_ =	strace $0xD0000000  }
0x3: {  	_ = 	snop  }
0x4: {  	_ = 	snop  }
0x5: {  	_ = 	snop  }
0x6: {  	_ = 	snop  }
0x7: {  	_ = 	snop  }
__scs_overlays_trampoline_lowered:
0x8: {  	[smem:$0x3FA8] =	sst s0  }
0x9: {  	[smem:$0x3FA9] =	sst s1  }
0xa: {  	[smem:$0x3FAA] =	sst s2  }
0xb: {  	[smem:$0x3FAB] =	sst s3  }
0xc: {  	[smem:$0x3FAC] =	sst s4  }
0xd: {  	[smem:$0x3FAD] =	sst s5  }
0xe: {  	[smem:$0x3FAE] =	sst s6  }
0xf: {  	[smem:$0x3FAF] =	sst s7  }
0x10: {  	[smem:$0x3FB0] =	sst s8  }
0x11: {  	[smem:$0x3FB1] =	sst s9;
	s0 =	simm.s32 @!p0 $0x0  }
0x12: {  	s1 =	sld [smem:$0x3F97];
	s0 =	simm.s32 @p0 $0x1  }
0x13: {  	[smem:$0x3FB2] =	sst s0;
	s0 =	simm.s32 @!p1 $0x0  }
0x14: {  	s2 =	sld [smem:$0x3F96];
	s0 =	simm.s32 @p1 $0x1  }
0x15: {  	[smem:$0x3FB3] =	sst s0;
	s0 =	simm.s32 @!p2 $0x0  }
0x16: {  	s3 =	sld [smem:$0x3FDB];
	s0 =	simm.s32 @p2 $0x1  }
0x17: {  	s4 =	simm.s32 $0x1BF5;
	[smem:$0x3FB5] =	sst s0  }
0x18: {  	s0 =	sld [smem:$0x3F98];
	_ =	swait.ge [sflag:s4], $0x0  }
0x19: {  	s7 =	sld [smem:$0x3F99]  }
0x1a: {  	s8 =	sadd.s32 $0xFFFFE003, lr  }
0x1b: {  	s9 =	sadd.s32 $0xFFFFFEF7, lr;
	s5 =	simm.s32 $0xFFFFFFFF;
	p2 =	slt.u32 s8, $0xFFFFF086  }
0x1c: {  	p1 =	slt.u32 s9, $0xF7A;
	s5 =	simm.s32 @!p2 $0x0  }
0x1d: {  	s5 =	simm.s32 @p1 $0x1;
	p0 =	seq.s32 s7, s2  }
0x1e: {  	s7 =	smul.u32 @!p0 $0xF7A, s2;
	p2 =	seq.s32 @!p0 s5, $0x0  }
0x1f: {  	s9 =	smul.u32 $0xF7A, s1;
	s8 =	simm.s32 @!p0 $0x1BF5;
	p2 =	por !p2, p0  }
0x20: {  	[sflag:s8] =	ssyncset.s32 @!p0 $0xFFFFF086;
	s6 =	sadd.s32 @!p0 s3, s7;
	s7 =	simm.s32 @!p0 $0x108  }
0x21: {  	s3 =	sadd.s32 s3, s9;
	s6 =	sadd.s32 @!p0 $0x88, s6;
	s7 =	simm.s32 @p2 $0x1082  }
0x22: {  	[simem:s7], [sflag:s8] =	dma.local @!p0 [hbm:s6], $0xF7A  }
0x23: {  	s9 =	sor.u32 $0xD0000000, s2;
	s6 =	simm.s32 $0x108;
	_ =	swait.ge @!p0 [sflag:s8], $0x0  }
0x24: {  	s3 =	sadd.s32 $0x88, s3;
	s6 =	simm.s32 @!p1 $0x1082;
	[sflag:s4] =	ssyncset.s32 $0xFFFFF086  }
0x25: {  	[simem:s6], [sflag:s4] =	dma.local [hbm:s3], $0xF7A  }
0x26: {  	[smem:$0x3F99] =	sst s1;
	(tag) =	ssettag s2;
	_ =	strace s9  }
0x27: {  	s1 =	sld [smem:$0x3FA9]  }
0x28: {  	s2 =	sld [smem:$0x3FAA]  }
0x29: {  	s4 =	sld [smem:$0x3FAC]  }
0x2a: {  	p0 =	seq.s32 s5, $0x0;
	s5 =	sld [smem:$0x3FAD]  }
0x2b: {  	s6 =	sld [smem:$0x3FAE]  }
0x2c: {  	s7 =	sld [smem:$0x3FAF]  }
0x2d: {  	s3 =	simm.s32 $0x108;
	s8 =	sld [smem:$0x3FB0]  }
0x2e: {  	s3 =	simm.s32 @!p0 $0x1082;
	s9 =	sld [smem:$0x3FB1]  }
0x2f: {  	lr =	sadd.s32 s0, s3;
	s0 =	sld [smem:$0x3FA8]  }
0x30: {  	s3 =	sld [smem:$0x3FAB]  }
0x31: {  	[smem:$0x3FB4] =	sst s10  }
0x32: {  	s10 =	sld [smem:$0x3FB2];
	_ =	sdelay $0x3  }
0x33: {  	p0 =	seq.s32 s10, $0x1;
	s10 =	sld [smem:$0x3FB4];
	_ =	sdelay $0x3  }
0x34: {  	[smem:$0x3FB4] =	sst s10  }
0x35: {  	s10 =	sld [smem:$0x3FB3];
	_ =	sdelay $0x3  }
0x36: {  	p1 =	seq.s32 s10, $0x1;
	s10 =	sld [smem:$0x3FB4];
	_ =	sdelay $0x3  }
0x37: {  	[smem:$0x3FB4] =	sst s10  }
0x38: {  	s10 =	sld [smem:$0x3FB5]  }
0x39: {  	_ = 	snop;
	(pc) =	sbr.ind lr, $3  }
0x3a: {  	_ = 	snop  }
0x3b: {  	_ = 	snop  }
0x3c: {  	p2 =	seq.s32 s10, $0x1;
	s10 =	sld [smem:$0x3FB4]  }
0x3d: {  	_ =	shalt  }
0x3e: {  	_ =	shalt  }
0x3f: {  	_ =	shalt  }
0x40: {  	_ =	shalt  }
0x41: {  	_ =	shalt  }
0x42: {  	_ =	shalt  }
0x43: {  	_ =	shalt  }
0x44: {  	_ =	shalt  }
0x45: {  	_ =	shalt  }
0x46: {  	_ =	shalt  }
0x47: {  	_ =	shalt  }
0x48: {  	_ =	shalt  }
0x49: {  	_ =	shalt  }
0x4a: {  	_ =	shalt  }
0x4b: {  	_ =	shalt  }
0x4c: {  	_ =	shalt  }
0x4d: {  	_ =	shalt  }
0x4e: {  	_ =	shalt  }
0x4f: {  	_ =	shalt  }
0x50: {  	_ =	shalt  }
0x51: {  	_ =	shalt  }
0x52: {  	_ =	shalt  }
0x53: {  	_ =	shalt  }
0x54: {  	_ =	shalt  }
0x55: {  	_ =	shalt  }
0x56: {  	_ =	shalt  }
0x57: {  	_ =	shalt  }
0x58: {  	_ =	shalt  }
0x59: {  	_ =	shalt  }
0x5a: {  	_ =	shalt  }
0x5b: {  	_ =	shalt  }
0x5c: {  	_ =	shalt  }
0x5d: {  	_ =	shalt  }
0x5e: {  	_ =	shalt  }
0x5f: {  	_ =	shalt  }
0x60: {  	_ =	shalt  }
0x61: {  	_ =	shalt  }
0x62: {  	_ =	shalt  }
0x63: {  	_ =	shalt  }
0x64: {  	_ =	shalt  }
0x65: {  	_ =	shalt  }
0x66: {  	_ =	shalt  }
0x67: {  	_ =	shalt  }
0x68: {  	_ =	shalt  }
0x69: {  	_ =	shalt  }
0x6a: {  	_ =	shalt  }
0x6b: {  	_ =	shalt  }
0x6c: {  	_ =	shalt  }
0x6d: {  	_ =	shalt  }
0x6e: {  	_ =	shalt  }
0x6f: {  	_ =	shalt  }
0x70: {  	_ =	shalt  }
0x71: {  	_ =	shalt  }
0x72: {  	_ =	shalt  }
0x73: {  	_ =	shalt  }
0x74: {  	_ =	shalt  }
0x75: {  	_ =	shalt  }
0x76: {  	_ =	shalt  }
0x77: {  	_ =	shalt  }
0x78: {  	_ =	shalt  }
0x79: {  	_ =	shalt  }
0x7a: {  	_ =	shalt  }
0x7b: {  	_ =	shalt  }
0x7c: {  	_ =	shalt  }
0x7d: {  	_ =	shalt  }
0x7e: {  	_ =	shalt  }
0x7f: {  	_ =	shalt  }
0x80: {  	_ =	shalt  }
0x81: {  	_ =	shalt  }
0x82: {  	_ =	shalt  }
0x83: {  	_ =	shalt  }
0x84: {  	_ =	shalt  }
0x85: {  	_ =	shalt  }
0x86: {  	_ =	shalt  }
0x87: {  	_ =	shalt  }
.Lfunc_end0:
.L_simem_size_0:
called_computation_lowered:
.L_overlay_start_0:
0x88: {  	s2 =	sld [smem:$0x3FD9]  }
0x89: {  	s3 =	sld [smem:$0x3FFE];
	_ =	sdelay $0x1  }
0x8a: {  	s1 =	srdreg.scid  }
0x8b: {  	s0 =	sand.u32 $0x1, s1  }
0x8c: {  	s17 =	sshll.u32 s0, $0xA;
	s2 =	sadd.s32 s3, s2  }
0x8d: {  	s2 =	sadd.s32 s2, s17  }
0x8e: {  	[smem:$0x3FC0] =	sst s2  }
0x8f: {  	_ = 	snop  }
0x90: {  	s2 =	sld [smem:$0x3FD0];
	(tm) =	ssettm $0x1  }
0x91: {  	s18 =	sld [smem:$0x3FFB];
	_ =	sdelay $0x3  }
0x92: {  	_ =	strace s18  }
0x93: {  	s3 =	sld [smem:$0x3FFC];
	_ =	sdelay $0x3  }
0x94: {  	_ =	strace s3  }
0x95: {  	s3 =	sld [smem:$0x3FFD];
	_ =	sdelay $0x3  }
0x96: {  	_ =	strace s3  }
0x97: {  	_ =	strace $0x8FFFFFFF  }
0x98: {  	s19 =	sld [smem:$0x3FDB];
	_ =	sdelay $0x1  }
0x99: {  	s4 =	simm.s32 $_scs_section_size  }
0x9a: {  	s5 =	simm.s32 $_size__tile_overlayer_lowered;
	s6 =	simm.s32 $_tile_overlayer_lowered  }
0x9b: {  	s22 =	simm.s32 $0x1BFF;
	s21 =	sshll.u32 s6, $0x1;
	s3 =	sadd.s32 s4, s19  }
0x9c: {  	s7 =	simm.s32 $0x0;
	s20 =	sshll.u32 s5, $0x1;
	s5 =	sadd.s32 s21, s3  }
0x9d: {  	[timem:s7], [sflag:s22] =	dma.local [hbm:s5], s20  }
0x9e: {  	_ =	swait.ge [sflag:s22], s20  }
0x9f: {  	s4 =	ssub.s32 $0x0, s20;
	[sflag:s22] =	ssyncset.done $0x0  }
0xa0: {  	[sflag:s22] =	ssyncadd.s32 s4;
	_ =	sdelay $0x1  }
0xa1: {  	s23 =	simm.s32 $0x1B8B  }
0xa2: {  	_ =	swait.ge [sflag:s23], $0x1  }
0xa3: {  	[sflag:s23] =	ssyncset.done $0x0  }
0xa4: {  	s25 =	simm.s32 $0x1B8E;
	s24 =	sld [smem:$0x3FFE];
	[sflag:s23] =	ssyncadd.s32 $0xFFFFFFFF  }
0xa5: {  	s26 =	simm.s32 $execute0_lowered;
	[smem:$0x3FD2] =	sst s25  }
0xa6: {  	s5 =	sshll.u32 s26, $0x1;
	_ =	strace $0x80000046;
	[dreg:$0x1] =	wrdreg $0xFFFFFFFF  }
0xa7: {  	s28 =	simm.s32 $_size_execute0_lowered;
	s3 =	sadd.s32 s3, s5;
	[dreg:$0x0] =	wrdreg $0x0  }
0xa8: {  	s5 =	sshll.u32 s28, $0x1;
	[dreg:$0x2] =	wrdreg s3  }
0xa9: {  	[dreg:$0x3] =	wrdreg s5  }
0xaa: {  	[dreg:$0x4] =	wrdreg $0xC0  }
0xab: {  	_ =	task [dreg:s7], $0x5FFFF  }
0xac: {  	[dreg:$0x1] =	wrdreg $0xFFFFFFFF  }
0xad: {  	[dreg:$0x0] =	wrdreg $0x60  }
0xae: {  	[dreg:$0x2] =	wrdreg s24  }
0xaf: {  	[dreg:$0x3] =	wrdreg s2  }
0xb0: {  	[dreg:$0x4] =	wrdreg $0x12F000  }
0xb1: {  	[dreg:$0x5] =	wrdreg $0xDF000  }
0xb2: {  	[dreg:$0x6] =	wrdreg $0x9  }
0xb3: {  	_ =	task.clear_ibuf [dreg:s7], $0x7FFFF;
	_ =	strace $0x90000046  }
0xb4: {  	s29 =	simm.s32 $0x9;
	_ =	strace $0x80000048  }
0xb5: {  	_ =	swait.ge [sflag:s29], $0x1  }
0xb6: {  	[sflag:s29] =	ssyncadd.s32 $0xFFFFFFFF  }
0xb7: {  	_ =	strace $0x90000048  }
0xb8: {  	_ =	sfence  }
0xb9: {  	s30 =	sld [smem:$0x0];
	_ =	sdelay $0x2  }
0xba: {  	s31 =	sshll.u32 s1, $0xD;
	s1 =	sshrl.u32 s1, $0x2  }
0xbb: {  	s3 =	sand.u32 $0x4000, s31;
	s1 =	sadd.s32 s1, s30  }
0xbc: {  	s0 =	sor.u32 s3, s0;
	s1 =	sshll.u32 s1, $0x11  }
0xbd: {  	s0 =	sor.u32 s1, s0  }
0xbe: {  	s0 =	sadd.s32 $0x8F2B, s0  }
0xbf: {  	[sflag:s0] =	ssyncadd.remote.s32 $0x1  }
0xc0: {  	_ =	sfence.sel $0xFFFF  }
0xc1: {  	[dreg:$0x0] =	wrdreg $0xFFFFFFFF;
	(pc) =	sbr.abs _section_cstart, $3  }
0xc2: {  	[dreg:$0x1] =	wrdreg $0xFFFFFFFF  }
0xc3: {  	_ =	task.clear_ibuf [dreg:s7], $0x2FFFF;
	_ =	strace $0x9FFFFFFF  }
0xc4: {  	(tm) =	ssettm $0x7FFFFFFF  }
0xc5: {  	_ =	shalt  }
tec
execute0_lowered:
.L_overlay_start_1:
0x0: {  	(tag) =	ssettag $0x1  }
0x1: {  	s0 =	rddreg [dreg:$0x0]  }
0x2: {  	s2 =	rddreg [dreg:$0x1]  }
0x3: {  	s1 =	rddreg [dreg:$0x2]  }
0x4: {  	s3 =	rddreg [dreg:$0x3];
	s4 =	simm.s32 $0x0  }
0x5: {  	s18 =	stileid.u32;
	s5 =	srdreg.scid;
	s19 =	simm.s32 $0x80  }
0x6: {  	s20 =	simm.s32 $0x4F00;
	s21 =	simm.s32 $0x5F00;
	s28 =	simm.s32 $0x1  }
0x7: {  	s29 =	simm.s32 $0x2;
	s30 =	simm.s32 $0x3;
	s31 =	simm.s32 $0x4  }
0x8: {  	[smem:$0x7FF] =	sst s4;
	s10 =	smul.u32 $0x4E20, s18;
	s16 =	sand.u32 $0x1, s5  }
0x9: {  	s7 =	sshll.u32 s18, $0x1;
	p0 =	slt.u32 s18, $0x2;
	s13 =	smul.u32 $0x5000, s18  }
0xa: {  	s5 =	simm.s32 $0x4F;
	s25 =	sshll.u32 s18, $0x6;
	s15 =	smul.u32 $0x9C, s18  }
0xb: {  	p1 =	sgt.u32 s18, $0x1;
	s18 =	simm.s32 $0x5;
	_ =	strace $0x80000047  }
0xc: {  	s6 =	ssub.s32 $0x2, s16;
	s7 =	sor.u32 s16, s7;
	s17 =	smul.u32 $0x4E, s16  }
0xd: {  	s5 =	simm.s32 @!p0 $0x4E;
	s26 =	smul.u32 $0xA000, s16;
	p0 =	sne.s32 s16, $0x0  }
0xe: {  	s16 =	simm.s32 $0x8F00;
	s22 =	sshrl.u32 s10, $0x3;
	s23 =	sshrl.u32 s6, $0x1  }
0xf: {  	s24 =	smul.u32 $0x4E, s7;
	s9 =	smin.u32 s7, $0x4;
	s14 =	sadd.s32 s10, s1  }
0x10: {  	s7 =	sor.u32 $0x1C06, s25;
	s8 =	sadd.s32 s22, s0;
	s0 =	sadd.s32 $0x1800, s0  }
0x11: {  	s11 =	ssub.s32 s6, s23;
	s15 =	sadd.s32 s15, s9;
	s2 =	sadd.s32 s2, s26  }
0x12: {  	s22 =	sshrl.u32 s13, $0x3;
	s14 =	sshrl.u32 s14, $0x3;
	s23 =	simm.s32 $0x6F00  }
0x13: {  	s26 =	simm.s32 $0x7F00;
	s12 =	sadd.s32 s9, s24;
	s6 =	sadd.s32 $0x15200, s8  }
0x14: {  	s8 =	sadd.s32 s13, s3;
	s15 =	sadd.s32 s17, s15;
	s17 =	sadd.s32 s10, s3  }
0x15: {  	s11 =	smax.u32 s11, $0x1;
	s13 =	sadd.s32 $0xFFFFFFB4, s5;
	s24 =	sadd.s32 s22, s2  }
0x16: {  	s12 =	sshll.u32 s12, $0x4;
	s15 =	sshll.u32 s15, $0x4;
	s17 =	sshrl.u32 @!p0 s17, $0x3  }
0x17: {  	s9 =	sadd.s32 s0, s12;
	s0 =	sadd.s32 s15, s0;
	s15 =	simm.s32 $0x6  }
0x18: {  	v0 =	vimm.f32 $0.0e+00;
	s10 =	sadd.s32 $0x4E0, s9;
	s12 =	sadd.s32 $0x9C40, s0;
	s0 =	simm.s32 $0x0  }
.LBB2_1:
0x19: {  	[spmem:s14], [sflag:s7] =	dma.local [hbm:s6], $0x9C4  }
0x1a: {  	_ =	swait.ge [sflag:s15], $0x9C4  }
0x1b: {  	[sflag:s15] =	ssyncset.done $0x0  }
0x1c: {  	s2 =	simm.s32 $0x80;
	s22 =	simm.s32 $0x0;
	[sflag:s15] =	ssyncadd.s32 $0xFFFFF63C  }
.LBB2_2:
0x1d: {  	p2 =	sne.s32 s2, $0x13F80;
	[tilespmem:s22+$0x8F00] =	vst v0;
	s25 =	smov.u32 s2;
	s2 =	sadd.s32 $0x80, s2  }
.Ltmp0:
0x1e: {  	[tilespmem:s22+$0x8F10] =	vst v0;
	(pc) =	sbr.rel @p2 .LBB2_2-.Ltmp0, $2  }
0x1f: {  	_ =	sdelay $0x2  }
0x20: {  	s22 =	sshra.s32 s25, $0x2  }
0x21: {  	[tilespmem:s22+$0x8F00] =	vst v0  }
0x22: {  	[tilespmem:s22+$0x8F10] =	vst v0  }
0x23: {  	[spmem:s8] =	stream.linear.scatter [tilespmem:s16], [sflag:$0x6], $0x5000, $0x38;
	[tilespmem:$0x17D20] =	vst v63  }
0x24: {  	_ =	swait.ge [sflag:s15], $0x5000  }
0x25: {  	[sflag:s15] =	ssyncset.done $0x0  }
0x26: {  	[sflag:s15] =	ssyncadd.s32 $0xFFFFB000  }
0x27: {  	s2 =	simm.s32 @!p0 $0x6;
	[bflag:$0x0] =	sbarrier.arrive $0xFFFF  }
0x28: {  	[spmem:s17], [sflag:s7] =	dma.local @!p0 [hbm:s6], $0x9C4  }
0x29: {  	_ =	swait.ge @!p0 [sflag:s2], $0x9C4  }
0x2a: {  	[sflag:s2] =	ssyncset.done @!p0 $0x0  }
0x2b: {  	[sflag:s2] =	ssyncadd.s32 @!p0 $0xFFFFF63C  }
0x2c: {  	[tilespmem:s4], [sflag:$0x6] =	stream.linear.gather [hbm4b:s9+s4], $0x2700, $0x38;
	[tilespmem:$0x17D20] =	vst v63  }
0x2d: {  	_ =	swait.ge [sflag:s15], $0x2700  }
0x2e: {  	s22 =	simm.s32 @!p1 $0x2700;
	[sflag:s15] =	ssyncset.done $0x0  }
0x2f: {  	p2 =	sne.s32 s5, $0x1;
	s2 =	simm.s32 @!p1 $0x0;
	[sflag:s15] =	ssyncadd.s32 $0xFFFFD900  }
0x30: {  	[tilespmem:s22], [sflag:$0x6] =	stream.linear.gather @!p1 [hbm4b:s10+s2], $0x80, $0x38;
	[tilespmem:$0x17D20] =	vst v63  }
.Ltmp1:
0x31: {  	s2 =	simm.s32 @!p1 $0x6;
	(pc) =	sbr.rel @!p2 .LBB2_5-.Ltmp1, $4  }
0x32: {  	_ =	swait.ge @!p1 [sflag:s2], $0x80  }
0x33: {  	s25 =	smov.u32 s12;
	[sflag:s2] =	ssyncset.done @!p1 $0x0  }
0x34: {  	s22 =	sadd.s32 $0xFFFFFFFF, s5;
	[sflag:s2] =	ssyncadd.s32 @!p1 $0xFFFFFF80;
	s2 =	simm.s32 $0x2780  }
0x35: {  	[tilespmem:s2], [sflag:$0x5] =	stream.linear.gather [hbm4b:s12+s4], $0x80, $0x38;
	[tilespmem:$0x17D20] =	vst v63  }
.LBB2_4:
0x36: {  	p3 =	sne.s32 s22, $0x1  }
.Ltmp2:
0x37: {  	_ = 	snop;
	(pc) =	sbr.rel @p3 .LBB2_4-.Ltmp2, $4  }
0x38: {  	_ = 	snop  }
0x39: {  	s25 =	sadd.s32 $0x10, s25;
	s2 =	sadd.s32 $0x80, s2  }
0x3a: {  	s22 =	sadd.s32 $0xFFFFFFFF, s22  }
0x3b: {  	[tilespmem:s2], [sflag:$0x5] =	stream.linear.gather [hbm4b:s25+s4], $0x80, $0x38;
	[tilespmem:$0x17D20] =	vst v63  }
.LBB2_5:
.Ltmp3:
0x3c: {  	(pc) =	sbr.rel @!p2 .LBB2_7-.Ltmp3, $3  }
0x3d: {  	_ =	sdelay $0x1  }
0x3e: {  	_ =	swait.ge [sflag:s18], $0x80  }
0x3f: {  	s2 =	sadd.s32 $0xFFFFFFFF, s5;
	[sflag:s18] =	ssyncset.done $0x0  }
.LBB2_6:
0x40: {  	p2 =	sne.s32 s2, $0x1;
	s2 =	sadd.s32 $0xFFFFFFFF, s2;
	[sflag:s18] =	ssyncadd.s32 $0xFFFFFF80  }
.Ltmp4:
0x41: {  	(pc) =	sbr.rel @p2 .LBB2_6-.Ltmp4, $3  }
0x42: {  	_ =	sdelay $0x1  }
0x43: {  	_ =	swait.ge [sflag:s18], $0x80  }
0x44: {  	[sflag:s18] =	ssyncset.done $0x0  }
.LBB2_7:
0x45: {  	[sflag:s18] =	ssyncadd.s32 $0xFFFFFF80  }
0x46: {  	s2 =	simm.s32 $0x0;
	[bflag:$0x0] =	sbarrier.arrive $0xFFFF  }
0x47: {  	[tilespmem:s20], [sflag:$0x1] =	stream.indirect.gather [spmem:s1], $0x20, s2, s19, $0xb8;
	[tilespmem:$0x17D20] =	vst v63  }
0x48: {  	_ = 	snop  }
0x49: {  	[tilespmem:s21], [sflag:$0x2] =	stream.indirect.gather [spmem:s1], $0x20, s19, s19, $0xb8;
	[tilespmem:$0x17D20] =	vst v63  }
0x4a: {  	s25 =	simm.s32 $0x100  }
0x4b: {  	[tilespmem:s23], [sflag:$0x3] =	stream.indirect.gather [spmem:s1], $0x20, s25, s19, $0xb8;
	[tilespmem:$0x17D20] =	vst v63  }
0x4c: {  	s22 =	simm.s32 $0x180  }
0x4d: {  	[tilespmem:s26], [sflag:$0x4] =	stream.indirect.gather [spmem:s1], $0x20, s22, s19, $0xb8;
	[tilespmem:$0x17D20] =	vst v63  }
0x4e: {  	_ =	swait.ge [sflag:s28], $0x1000  }
0x4f: {  	[sflag:s28] =	ssyncset.done $0x0  }
0x50: {  	s25 =	simm.s32 $0x2780;
	[sflag:s28] =	ssyncadd.s32 $0xFFFFF000  }
0x51: {  	[spmem:s3] =	stream.indirect.scatter.add.f32 [tilespmem:s20], [sflag:$0x6], $0x20, s25, s19, $0xb8;
	[tilespmem:$0x17D20] =	vst v63  }
0x52: {  	_ =	swait.ge [sflag:s15], $0x1000  }
0x53: {  	[sflag:s15] =	ssyncset.done $0x0  }
0x54: {  	s22 =	simm.s32 $0x200;
	[sflag:s15] =	ssyncadd.s32 $0xFFFFF000  }
0x55: {  	[tilespmem:s20], [sflag:$0x1] =	stream.indirect.gather [spmem:s1], $0x20, s22, s19, $0xb8;
	[tilespmem:$0x17D20] =	vst v63  }
0x56: {  	_ =	swait.ge [sflag:s29], $0x1000  }
0x57: {  	[sflag:s29] =	ssyncset.done $0x0  }
0x58: {  	s25 =	simm.s32 $0x2800;
	[sflag:s29] =	ssyncadd.s32 $0xFFFFF000  }
0x59: {  	[spmem:s3] =	stream.indirect.scatter.add.f32 [tilespmem:s21], [sflag:$0x6], $0x20, s25, s19, $0xb8;
	[tilespmem:$0x17D20] =	vst v63  }
0x5a: {  	_ =	swait.ge [sflag:s15], $0x1000  }
0x5b: {  	[sflag:s15] =	ssyncset.done $0x0  }
0x5c: {  	s22 =	simm.s32 $0x280;
	[sflag:s15] =	ssyncadd.s32 $0xFFFFF000  }
0x5d: {  	[tilespmem:s21], [sflag:$0x2] =	stream.indirect.gather [spmem:s1], $0x20, s22, s19, $0xb8;
	[tilespmem:$0x17D20] =	vst v63  }
0x5e: {  	_ =	swait.ge [sflag:s30], $0x1000  }
0x5f: {  	[sflag:s30] =	ssyncset.done $0x0  }
0x60: {  	s25 =	simm.s32 $0x2880;
	[sflag:s30] =	ssyncadd.s32 $0xFFFFF000  }
0x61: {  	[spmem:s3] =	stream.indirect.scatter.add.f32 [tilespmem:s23], [sflag:$0x6], $0x20, s25, s19, $0xb8;
	[tilespmem:$0x17D20] =	vst v63  }
0x62: {  	_ =	swait.ge [sflag:s15], $0x1000  }
0x63: {  	[sflag:s15] =	ssyncset.done $0x0  }
0x64: {  	s22 =	simm.s32 $0x300;
	[sflag:s15] =	ssyncadd.s32 $0xFFFFF000  }
0x65: {  	[tilespmem:s23], [sflag:$0x3] =	stream.indirect.gather [spmem:s1], $0x20, s22, s19, $0xb8;
	[tilespmem:$0x17D20] =	vst v63  }
0x66: {  	_ =	swait.ge [sflag:s31], $0x1000  }
0x67: {  	[sflag:s31] =	ssyncset.done $0x0  }
0x68: {  	s25 =	simm.s32 $0x2900;
	[sflag:s31] =	ssyncadd.s32 $0xFFFFF000  }
0x69: {  	[spmem:s3] =	stream.indirect.scatter.add.f32 [tilespmem:s26], [sflag:$0x6], $0x20, s25, s19, $0xb8;
	[tilespmem:$0x17D20] =	vst v63  }
0x6a: {  	_ =	swait.ge [sflag:s15], $0x1000  }
0x6b: {  	[sflag:s15] =	ssyncset.done $0x0  }
0x6c: {  	s2 =	simm.s32 $0x800;
	s22 =	simm.s32 $0x380;
	[sflag:s15] =	ssyncadd.s32 $0xFFFFF000  }
.LBB2_8:
0x6d: {  	[tilespmem:s26], [sflag:$0x4] =	stream.indirect.gather [spmem:s1], $0x20, s22, s19, $0xb8;
	[tilespmem:$0x17D20] =	vst v63  }
0x6e: {  	s22 =	smov.u32 s2  }
0x6f: {  	p2 =	sne.s32 s2, $0x8800;
	s2 =	sadd.s32 $0x800, s2;
	_ =	swait.ge [sflag:s28], $0x1000  }
0x70: {  	s22 =	sshra.s32 s22, $0x2;
	[sflag:s28] =	ssyncset.done $0x0  }
0x71: {  	s25 =	sadd.s32 $0x2780, s22;
	[sflag:s28] =	ssyncadd.s32 $0xFFFFF000  }
0x72: {  	[spmem:s3] =	stream.indirect.scatter.add.f32 [tilespmem:s20], [sflag:$0x6], $0x20, s25, s19, $0xb8;
	[tilespmem:$0x17D20] =	vst v63  }
0x73: {  	_ =	swait.ge [sflag:s15], $0x1000  }
0x74: {  	[sflag:s15] =	ssyncset.done $0x0  }
0x75: {  	s25 =	sadd.s32 $0x200, s22;
	[sflag:s15] =	ssyncadd.s32 $0xFFFFF000  }
0x76: {  	[tilespmem:s20], [sflag:$0x1] =	stream.indirect.gather [spmem:s1], $0x20, s25, s19, $0xb8;
	[tilespmem:$0x17D20] =	vst v63  }
0x77: {  	_ =	swait.ge [sflag:s29], $0x1000  }
0x78: {  	[sflag:s29] =	ssyncset.done $0x0  }
0x79: {  	s25 =	sadd.s32 $0x2800, s22;
	[sflag:s29] =	ssyncadd.s32 $0xFFFFF000  }
0x7a: {  	[spmem:s3] =	stream.indirect.scatter.add.f32 [tilespmem:s21], [sflag:$0x6], $0x20, s25, s19, $0xb8;
	[tilespmem:$0x17D20] =	vst v63  }
0x7b: {  	_ =	swait.ge [sflag:s15], $0x1000  }
0x7c: {  	[sflag:s15] =	ssyncset.done $0x0  }
0x7d: {  	s25 =	sadd.s32 $0x280, s22;
	[sflag:s15] =	ssyncadd.s32 $0xFFFFF000  }
0x7e: {  	[tilespmem:s21], [sflag:$0x2] =	stream.indirect.gather [spmem:s1], $0x20, s25, s19, $0xb8;
	[tilespmem:$0x17D20] =	vst v63  }
0x7f: {  	_ =	swait.ge [sflag:s30], $0x1000  }
0x80: {  	[sflag:s30] =	ssyncset.done $0x0  }
0x81: {  	s25 =	sadd.s32 $0x2880, s22;
	[sflag:s30] =	ssyncadd.s32 $0xFFFFF000  }
0x82: {  	[spmem:s3] =	stream.indirect.scatter.add.f32 [tilespmem:s23], [sflag:$0x6], $0x20, s25, s19, $0xb8;
	[tilespmem:$0x17D20] =	vst v63  }
0x83: {  	_ =	swait.ge [sflag:s15], $0x1000  }
0x84: {  	[sflag:s15] =	ssyncset.done $0x0  }
0x85: {  	s25 =	sadd.s32 $0x300, s22;
	[sflag:s15] =	ssyncadd.s32 $0xFFFFF000  }
0x86: {  	[tilespmem:s23], [sflag:$0x3] =	stream.indirect.gather [spmem:s1], $0x20, s25, s19, $0xb8;
	[tilespmem:$0x17D20] =	vst v63  }
0x87: {  	_ =	swait.ge [sflag:s31], $0x1000  }
0x88: {  	[sflag:s31] =	ssyncset.done $0x0  }
.Ltmp5:
0x89: {  	s25 =	sadd.s32 $0x2900, s22;
	[sflag:s31] =	ssyncadd.s32 $0xFFFFF000;
	(pc) =	sbr.rel @p2 .LBB2_8-.Ltmp5, $4  }
0x8a: {  	[spmem:s3] =	stream.indirect.scatter.add.f32 [tilespmem:s26], [sflag:$0x6], $0x20, s25, s19, $0xb8;
	[tilespmem:$0x17D20] =	vst v63  }
0x8b: {  	_ =	swait.ge [sflag:s15], $0x1000  }
0x8c: {  	[sflag:s15] =	ssyncset.done $0x0  }
0x8d: {  	s22 =	sadd.s32 $0x380, s22;
	[sflag:s15] =	ssyncadd.s32 $0xFFFFF000  }
0x8e: {  	[tilespmem:s26], [sflag:$0x4] =	stream.indirect.gather [spmem:s1], $0x20, s22, s19, $0xb8;
	[tilespmem:$0x17D20] =	vst v63  }
0x8f: {  	_ =	swait.ge [sflag:s28], $0x1000  }
0x90: {  	[sflag:s28] =	ssyncset.done $0x0  }
0x91: {  	s2 =	simm.s32 $0x4B80;
	[sflag:s28] =	ssyncadd.s32 $0xFFFFF000  }
0x92: {  	[spmem:s3] =	stream.indirect.scatter.add.f32 [tilespmem:s20], [sflag:$0x6], $0x20, s2, s19, $0xb8;
	[tilespmem:$0x17D20] =	vst v63  }
0x93: {  	_ =	swait.ge [sflag:s15], $0x1000  }
0x94: {  	[sflag:s15] =	ssyncset.done $0x0  }
0x95: {  	[sflag:s15] =	ssyncadd.s32 $0xFFFFF000  }
0x96: {  	_ =	swait.ge [sflag:s29], $0x1000  }
0x97: {  	[sflag:s29] =	ssyncset.done $0x0  }
0x98: {  	s25 =	simm.s32 $0x4C00;
	[sflag:s29] =	ssyncadd.s32 $0xFFFFF000  }
0x99: {  	[spmem:s3] =	stream.indirect.scatter.add.f32 [tilespmem:s21], [sflag:$0x6], $0x20, s25, s19, $0xb8;
	[tilespmem:$0x17D20] =	vst v63  }
0x9a: {  	_ =	swait.ge [sflag:s15], $0x1000  }
0x9b: {  	[sflag:s15] =	ssyncset.done $0x0  }
0x9c: {  	[sflag:s15] =	ssyncadd.s32 $0xFFFFF000  }
0x9d: {  	_ =	swait.ge [sflag:s30], $0x1000  }
0x9e: {  	[sflag:s30] =	ssyncset.done $0x0  }
0x9f: {  	s22 =	simm.s32 $0x4C80;
	[sflag:s30] =	ssyncadd.s32 $0xFFFFF000  }
0xa0: {  	[spmem:s3] =	stream.indirect.scatter.add.f32 [tilespmem:s23], [sflag:$0x6], $0x20, s22, s19, $0xb8;
	[tilespmem:$0x17D20] =	vst v63  }
0xa1: {  	_ =	swait.ge [sflag:s15], $0x1000  }
0xa2: {  	[sflag:s15] =	ssyncset.done $0x0  }
0xa3: {  	[sflag:s15] =	ssyncadd.s32 $0xFFFFF000  }
0xa4: {  	_ =	swait.ge [sflag:s31], $0x1000  }
0xa5: {  	[sflag:s31] =	ssyncset.done $0x0  }
0xa6: {  	s25 =	simm.s32 $0x4D00;
	[sflag:s31] =	ssyncadd.s32 $0xFFFFF000  }
0xa7: {  	[spmem:s3] =	stream.indirect.scatter.add.f32 [tilespmem:s26], [sflag:$0x6], $0x20, s25, s19, $0xb8;
	[tilespmem:$0x17D20] =	vst v63  }
0xa8: {  	_ =	swait.ge [sflag:s15], $0x1000  }
0xa9: {  	[sflag:s15] =	ssyncset.done $0x0  }
0xaa: {  	s2 =	simm.s32 $0x2600;
	[sflag:s15] =	ssyncadd.s32 $0xFFFFF000  }
0xab: {  	[tilespmem:s20], [sflag:$0x1] =	stream.indirect.gather [spmem:s1], $0x20, s2, s19, $0xb8;
	[tilespmem:$0x17D20] =	vst v63  }
0xac: {  	p2 =	sne.s32 s13, $0x1;
	_ =	swait.ge [sflag:s28], $0x1000  }
.Ltmp6:
0xad: {  	[sflag:s28] =	ssyncset.done $0x0;
	(pc) =	sbr.rel @!p2 .LBB2_11-.Ltmp6, $4  }
0xae: {  	s22 =	simm.s32 $0x4D80;
	[sflag:s28] =	ssyncadd.s32 $0xFFFFF000  }
0xaf: {  	[spmem:s3] =	stream.indirect.scatter.add.f32 [tilespmem:s20], [sflag:$0x6], $0x20, s22, s19, $0xb8;
	[tilespmem:$0x17D20] =	vst v63  }
0xb0: {  	_ =	swait.ge [sflag:s15], $0x1000  }
0xb1: {  	s25 =	sadd.s32 $0xFFFFFFFF, s13;
	[sflag:s15] =	ssyncset.done $0x0  }
.LBB2_10:
0xb2: {  	[sflag:s15] =	ssyncadd.s32 $0xFFFFF000;
	s2 =	sadd.s32 $0x80, s2;
	s22 =	sadd.s32 $0x80, s22  }
0xb3: {  	[tilespmem:s20], [sflag:$0x1] =	stream.indirect.gather [spmem:s1], $0x20, s2, s19, $0xb8;
	[tilespmem:$0x17D20] =	vst v63  }
0xb4: {  	p2 =	sne.s32 s25, $0x1;
	s25 =	sadd.s32 $0xFFFFFFFF, s25;
	_ =	swait.ge [sflag:s28], $0x1000  }
.Ltmp7:
0xb5: {  	[sflag:s28] =	ssyncset.done $0x0;
	(pc) =	sbr.rel @p2 .LBB2_10-.Ltmp7, $4  }
0xb6: {  	[sflag:s28] =	ssyncadd.s32 $0xFFFFF000  }
0xb7: {  	[spmem:s3] =	stream.indirect.scatter.add.f32 [tilespmem:s20], [sflag:$0x6], $0x20, s22, s19, $0xb8;
	[tilespmem:$0x17D20] =	vst v63  }
0xb8: {  	_ =	swait.ge [sflag:s15], $0x1000  }
0xb9: {  	[sflag:s15] =	ssyncset.done $0x0  }
.LBB2_11:
0xba: {  	[sflag:s15] =	ssyncadd.s32 $0xFFFFF000  }
0xbb: {  	[bflag:$0x0] =	sbarrier.arrive $0xFFFF  }
0xbc: {  	[tilespmem:s16], [sflag:$0x6] =	stream.linear.gather [spmem:s8], $0x5000, $0x38;
	[tilespmem:$0x17D20] =	vst v63  }
0xbd: {  	s0 =	sadd.s32 $0x1, s0;
	_ =	swait.ge [sflag:s15], $0x5000  }
0xbe: {  	p2 =	sne.s32 s0, s11;
	[sflag:s15] =	ssyncset.done $0x0  }
.Ltmp8:
0xbf: {  	[sflag:s15] =	ssyncadd.s32 $0xFFFFB000;
	(pc) =	sbr.rel @p2 .LBB2_1-.Ltmp8, $4  }
0xc0: {  	[hbm4b:s24+s4] =	stream.linear.scatter [tilespmem:s16], [sflag:$0x6], $0x5000, $0x38;
	[tilespmem:$0x17D20] =	vst v63  }
0xc1: {  	_ =	swait.ge [sflag:s15], $0x5000  }
0xc2: {  	[sflag:s15] =	ssyncset.done $0x0  }
0xc3: {  	[sflag:s15] =	ssyncadd.s32 $0xFFFFB000  }
0xc4: {  	_ =	sfence.sel $0x180000  }
0xc5: {  	[bflag:$0x0] =	sbarrier.arrive $0xFFFF  }
0xc6: {  	_ =	strace $0x90000047  }
0xc7: {  	s0 =	stileid.u32;
	[bflag:$0x2] =	sbarrier.arrive $0xFFFF  }
0xc8: {  	p0 =	sne.s32 s0, $0x0;
	s0 =	rddreg [dreg:$0x4]  }
0xc9: {  	s0 =	sadd.s32 @!p0 $0x100000, s0  }
0xca: {  	[sflag:s0] =	ssyncadd.tile.s32 @!p0 $0x1;
	_ =	shalt  }
.Lfunc_end2:
_tile_overlayer_lowered:
.L_overlay_start_2:
0xcb: {  	(tag) =	ssettag $0x2  }
0xcc: {  	s0 =	rddreg [dreg:$0x0];
	s2 =	stileid.u32  }
0xcd: {  	s1 =	rddreg [dreg:$0x1];
	p0 =	sne.s32 s2, $0x0  }
0xce: {  	s3 =	rddreg [dreg:$0x2];
	[bflag:$0x3] =	sbarrier.arrive $0xFFFF;
	s2 =	simm.s32 @!p0 $0x1C06  }
0xcf: {  	[timem:s3], [sflag:s2] =	dma.local @!p0 [hbm:s0], s1  }
0xd0: {  	s0 =	simm.s32 @!p0 $0x6  }
0xd1: {  	_ =	swait.ge @!p0 [sflag:s0], s1  }
0xd2: {  	s1 =	ssub.s32 @!p0 $0x0, s1;
	[sflag:s0] =	ssyncset.done @!p0 $0x0  }
0xd3: {  	[sflag:s0] =	ssyncadd.s32 @!p0 s1  }
0xd4: {  	[bflag:$0x3] =	sbarrier.arrive $0xFFFF  }
0xd5: {  	_ =	shalt  }

</sc_bundles>
